<compile_context>
chip_gen: v7x
topology: tpu7x:2x2x1
jax: 0.10.2.dev20260603
libtpu: 0.0.44.dev20260713+nightly
codegen_flags: <defaults>
</compile_context>

<pallas_src>
import functools

import jax
import jax.numpy as jnp
from jax import lax
from jax.experimental import pallas as pl
from jax.experimental.pallas import tpu as pltpu
from jax.experimental.pallas import tpu_sc as plsc

G = 64
EPS = 1e-5
F32 = jnp.float32

NC = 2
NS = 16
NW = NC * NS
L = 16
K = 80
NZ = 10


def _sc_mesh():
    return plsc.VectorSubcoreMesh(core_axis_name="c", subcore_axis_name="s")


def _p1_body(n, kk, col_hbm, ea_hbm, z128_hbm, out_hbm,
             cidx_v, ea_v, w_v, acc_sh, sem_e, sem_s):
    c = lax.axis_index("c")
    s = lax.axis_index("s")
    wid = s * NC + c
    de = ea_v.shape[2]
    rps = n // NZ

    one16 = jnp.where(lax.iota(jnp.int32, L) == 0, 1.0, 0.0).astype(F32)
    zero16 = jnp.zeros((L,), F32)

    for ws in range(w_v.shape[0]):
        @plsc.parallel_loop(0, kk, unroll=8)
        def _(r, _ws=ws):
            w_v[_ws, r, pl.ds(de, L)] = one16
            for cc in range(2 * de, 128, L):
                w_v[_ws, r, pl.ds(cc, L)] = zero16

    @pl.when(s < NZ)
    def _():
        pltpu.sync_copy(z128_hbm.at[pl.ds(s * rps, rps)],
                        acc_sh.at[pl.ds(s * rps, rps)])
    plsc.subcore_barrier()

    ngr, ngc = col_hbm.shape[1], col_hbm.shape[2]
    ebase = wid * (ngr * ngc * kk)

    def wait_e():
        pltpu.make_async_copy(ea_hbm.at[pl.ds(0, kk)], ea_v.at[0], sem_e).wait()

    def wait_s():
        pltpu.make_async_copy(z128_hbm.at[pl.ds(0, kk)], w_v.at[0],
                              sem_s).wait()

    def group(g, _):
        pltpu.sync_copy(col_hbm.at[wid, g], cidx_v)
        gbase = ebase + g * ngc * kk
        pltpu.async_copy(ea_hbm.at[pl.ds(gbase, kk)], ea_v.at[0], sem_e)
        pltpu.async_copy(ea_hbm.at[pl.ds(gbase + kk, kk)], ea_v.at[1], sem_e)

        def chunk(ch, es):
            gs = es[1]
            ws = es[0]
            wait_e()

            @plsc.parallel_loop(0, kk, unroll=8)
            def _(r):
                w_v[ws, r, pl.ds(0, de)] = ea_v[gs, r, pl.ds(0, de)]

            @pl.when(ch >= 1)
            def _():
                wait_s()
            pltpu.async_copy(w_v.at[ws], acc_sh.at[cidx_v.at[ch]], sem_s,
                             add=True)

            @pl.when(ch + 2 < ngc)
            def _():
                pltpu.async_copy(
                    ea_hbm.at[pl.ds(gbase + (ch + 2) * kk, kk)],
                    ea_v.at[gs], sem_e)
            ws2 = jnp.where(ws == 2, 0, ws + 1)
            return (ws2, 1 - gs)

        lax.fori_loop(0, ngc, chunk, (0, 0))
        wait_s()
        return 0

    lax.fori_loop(0, ngr, group, 0)
    plsc.subcore_barrier()

    @pl.when(s < NZ)
    def _():
        pltpu.sync_copy(acc_sh.at[pl.ds(s * rps, rps)],
                        out_hbm.at[pl.ds(c * n + s * rps, rps)])


def _p5_body(n, d, kk, row_hbm, col_hbm, ew_hbm, gt_hbm, z128_hbm,
             out_hbm, ridx_v, cidx_v, ebuf, gbuf, acc_sh,
             sem_e, sem_g):
    c = lax.axis_index("c")
    s = lax.axis_index("s")
    wid = s * NC + c
    rps = n // NZ

    @pl.when(s < NZ)
    def _():
        pltpu.sync_copy(z128_hbm.at[pl.ds(s * rps, rps)],
                        acc_sh.at[pl.ds(s * rps, rps)])
    plsc.subcore_barrier()

    ngr, ngc = col_hbm.shape[1], col_hbm.shape[2]
    ebase = wid * (ngr * ngc * kk)

    def wait_e():
        pltpu.make_async_copy(ew_hbm.at[pl.ds(0, kk)], ebuf.at[0],
                              sem_e).wait()

    def wait_g():
        pltpu.make_async_copy(gt_hbm.at[pl.ds(0, kk)], gbuf.at[0],
                              sem_g).wait()

    def group(g, _):
        pltpu.sync_copy(row_hbm.at[wid, g], ridx_v)
        pltpu.sync_copy(col_hbm.at[wid, g], cidx_v)
        gbase = ebase + g * ngc * kk

        def fire(ch, es, gs):
            pltpu.async_copy(ew_hbm.at[pl.ds(gbase + ch * kk, kk)],
                             ebuf.at[es], sem_e)
            pltpu.async_copy(gt_hbm.at[ridx_v.at[ch]], gbuf.at[gs], sem_g)

        fire(0, 0, 0)
        fire(1, 1, 1)

        def chunk(ch, carry):
            es, gs = carry
            wait_e()
            wait_g()

            @plsc.parallel_loop(0, kk, unroll=4)
            def _(r):
                nr = gbuf[gs, r, pl.ds(d, L)]
                for cc in range(d // L):
                    sl = pl.ds(cc * L, L)
                    ebuf[es, r, sl] = jnp.maximum(
                        gbuf[gs, r, sl] + ebuf[es, r, sl] * nr, 0.0)

            pltpu.sync_copy(ebuf.at[es], acc_sh.at[cidx_v.at[ch]],
                            add=True)

            @pl.when(ch + 2 < ngc)
            def _():
                fire(ch + 2, es, gs)
            return (1 - es, 1 - gs)

        lax.fori_loop(0, ngc, chunk, (0, 0))
        return 0

    lax.fori_loop(0, ngr, group, 0)
    plsc.subcore_barrier()

    @pl.when(s < NZ)
    def _():
        pltpu.sync_copy(acc_sh.at[pl.ds(s * rps, rps)],
                        out_hbm.at[pl.ds(c * n + s * rps, rps)])


def _p2_body(x_ref, p0_ref, p1_ref, wmx_ref, wme_ref, wmb_ref,
             gt_ref, selfc_ref, normb_ref):
    de = wme_ref.shape[0]
    cnt = p0_ref[:, de:de + 1] + p1_ref[:, de:de + 1]
    loop_sum = p0_ref[:, :de] + p1_ref[:, :de]
    deg = cnt + 1.0
    norm = lax.rsqrt(deg)
    la = loop_sum / jnp.maximum(cnt, 1.0)
    xwb = (jnp.dot(x_ref[...], wmx_ref[...], preferred_element_type=F32)
           + wmb_ref[...])
    selfc = jnp.maximum(
        xwb + jnp.dot(la, wme_ref[...], preferred_element_type=F32), 0.0) / deg
    nb = jnp.broadcast_to(norm, normb_ref.shape)
    gt_ref[...] = jnp.concatenate([xwb * norm, nb], axis=1)
    selfc_ref[...] = selfc
    normb_ref[...] = nb


def _p4_body(ea_ref, wme_ref, out_ref):
    out_ref[...] = jnp.dot(ea_ref[...], wme_ref[...],
                           preferred_element_type=F32)


def _p6_body(x_ref, a0_ref, a1_ref, selfc_ref, normb_ref, batch_ref,
             wax_ref, waa_ref, wab_ref, bng_ref, bnb_ref, p1t_ref, p1b_ref,
             p2t_ref, p2b_ref, out_ref, sums_ref, cnts_ref):
    i = pl.program_id(0)

    @pl.when(i == 0)
    def _():
        sums_ref[...] = jnp.zeros_like(sums_ref)
        cnts_ref[...] = jnp.zeros_like(cnts_ref)

    aggr = (a0_ref[...] + a1_ref[...]) * normb_ref[...] + selfc_ref[...]
    h = jnp.maximum(
        jnp.dot(x_ref[...], wax_ref[...], preferred_element_type=F32)
        + jnp.dot(aggr, waa_ref[...], preferred_element_type=F32)
        + wab_ref[...], 0.0)
    oh = (batch_ref[...] ==
          lax.broadcasted_iota(jnp.int32, (1, G), 1)).astype(F32)
    sums_ref[...] += lax.dot_general(
        oh, h, (((0,), (0,)), ((), ())), preferred_element_type=F32,
        precision=lax.Precision.HIGHEST)
    cnts_ref[...] += jnp.broadcast_to(
        jnp.sum(oh, axis=0)[:, None], cnts_ref.shape)

    @pl.when(i == pl.num_programs(0) - 1)
    def _():
        cnt = jnp.maximum(cnts_ref[:, :1], 1.0)
        gg = sums_ref[...] / cnt
        gg = gg * (bng_ref[...] / jnp.sqrt(1.0 + EPS)) + bnb_ref[...]
        r = jnp.maximum(
            jnp.dot(gg, p1t_ref[...], preferred_element_type=F32)
            + p1b_ref[...], 0.0)
        out_ref[...] = (jnp.dot(r, p2t_ref[...], preferred_element_type=F32)
                        + p2b_ref[...])


def kernel(x, edge_index, edge_attr, batch, Wm_w, Wm_b, Wa_w, Wa_b,
           bn_gamma, bn_beta, P1_w, P1_b, P2_w, P2_b):
    n, d = x.shape
    e = edge_index.shape[1]
    de = edge_attr.shape[1]
    h = Wa_w.shape[0]
    p = P1_w.shape[0]
    t = P2_w.shape[0]

    et = e // NW
    k1, k5 = 40, 40
    nch1, nch5 = et // k1, et // k5
    ngc1 = 25 if nch1 % 25 == 0 else nch1
    ngc5 = 25 if nch5 % 25 == 0 else nch5
    ngr1, ngr5 = nch1 // ngc1, nch5 // ngc5
    nb = 1000 if n % 1000 == 0 else n
    eb = 2000 if e % 2000 == 0 else e

    col4a = edge_index[1].reshape(NW, ngr1, ngc1, k1)
    row4b = edge_index[0].reshape(NW, ngr5, ngc5, k5)
    col4b = edge_index[1].reshape(NW, ngr5, ngc5, k5)
    wmxT = Wm_w[:, :d].T
    wmeT = Wm_w[:, d:].T
    wmb2 = Wm_b.reshape(1, d)
    waxT = Wa_w[:, :d].T
    waaT = Wa_w[:, d:].T
    wab2 = Wa_b.reshape(1, h)
    batch2 = batch.reshape(n, 1)
    z128 = jnp.zeros((n, 128), F32)

    mesh = _sc_mesh()

    parts1 = pl.kernel(
        functools.partial(_p1_body, n, k1),
        out_type=jax.ShapeDtypeStruct((NC * n, 128), F32),
        mesh=mesh,
        scratch_types=[
            pltpu.VMEM((ngc1, k1), jnp.int32),
            pltpu.VMEM((2, k1, de), F32),
            pltpu.VMEM((3, k1, 128), F32),
            pltpu.VMEM_SHARED((n, 128), F32),
            pltpu.SemaphoreType.DMA,
            pltpu.SemaphoreType.DMA,
        ],
    )(col4a, edge_attr, z128)

    gt, selfc, normb = pl.pallas_call(
        _p2_body,
        grid=(n // nb,),
        in_specs=[
            pl.BlockSpec((nb, d), lambda i: (i, 0)),
            pl.BlockSpec((nb, 128), lambda i: (i, 0)),
            pl.BlockSpec((nb, 128), lambda i, _m=n // nb: (i + _m, 0)),
            pl.BlockSpec((d, d), lambda i: (0, 0)),
            pl.BlockSpec((de, d), lambda i: (0, 0)),
            pl.BlockSpec((1, d), lambda i: (0, 0)),
        ],
        out_specs=[
            pl.BlockSpec((nb, d + 128), lambda i: (i, 0)),
            pl.BlockSpec((nb, d), lambda i: (i, 0)),
            pl.BlockSpec((nb, 128), lambda i: (i, 0)),
        ],
        out_shape=[
            jax.ShapeDtypeStruct((n, d + 128), F32),
            jax.ShapeDtypeStruct((n, d), F32),
            jax.ShapeDtypeStruct((n, 128), F32),
        ],
    )(x, parts1, parts1, wmxT, wmeT, wmb2)

    ew = pl.pallas_call(
        _p4_body,
        grid=(e // eb,),
        in_specs=[
            pl.BlockSpec((eb, de), lambda i: (i, 0)),
            pl.BlockSpec((de, d), lambda i: (0, 0)),
        ],
        out_specs=pl.BlockSpec((eb, d), lambda i: (i, 0)),
        out_shape=jax.ShapeDtypeStruct((e, d), F32),
    )(edge_attr, wmeT)

    aggr_parts = pl.kernel(
        functools.partial(_p5_body, n, d, k5),
        out_type=jax.ShapeDtypeStruct((NC * n, d), F32),
        mesh=mesh,
        scratch_types=[
            pltpu.VMEM((ngc5, k5), jnp.int32),
            pltpu.VMEM((ngc5, k5), jnp.int32),
            pltpu.VMEM((2, k5, d), F32),
            pltpu.VMEM((2, k5, d + 128), F32),
            pltpu.VMEM_SHARED((n, d), F32),
            pltpu.SemaphoreType.DMA,
            pltpu.SemaphoreType.DMA,
        ],
    )(row4b, col4b, ew, gt, z128)

    out = pl.pallas_call(
        _p6_body,
        grid=(n // nb,),
        in_specs=[
            pl.BlockSpec((nb, d), lambda i: (i, 0)),
            pl.BlockSpec((nb, d), lambda i: (i, 0)),
            pl.BlockSpec((nb, d), lambda i, _m=n // nb: (i + _m, 0)),
            pl.BlockSpec((nb, d), lambda i: (i, 0)),
            pl.BlockSpec((nb, 128), lambda i: (i, 0)),
            pl.BlockSpec((nb, 1), lambda i: (i, 0)),
            pl.BlockSpec((d, h), lambda i: (0, 0)),
            pl.BlockSpec((d, h), lambda i: (0, 0)),
            pl.BlockSpec((1, h), lambda i: (0, 0)),
            pl.BlockSpec((1, h), lambda i: (0, 0)),
            pl.BlockSpec((1, h), lambda i: (0, 0)),
            pl.BlockSpec((h, p), lambda i: (0, 0)),
            pl.BlockSpec((1, p), lambda i: (0, 0)),
            pl.BlockSpec((p, t), lambda i: (0, 0)),
            pl.BlockSpec((1, t), lambda i: (0, 0)),
        ],
        out_specs=pl.BlockSpec((G, t), lambda i: (0, 0)),
        out_shape=jax.ShapeDtypeStruct((G, t), F32),
        scratch_shapes=[pltpu.VMEM((G, h), F32), pltpu.VMEM((G, 128), F32)],
    )(x, aggr_parts, aggr_parts, selfc, normb, batch2, waxT, waaT, wab2,
      bn_gamma.reshape(1, h), bn_beta.reshape(1, h),
      P1_w.T, P1_b.reshape(1, p), P2_w.T, P2_b.reshape(1, t))

    return out

# --- scband reference (transcript-rebuilt; emitter-appended) ---
"""Pipeline reference for scband-gcn-82978768159016 (READ-ONLY COPY).

The authoritative reference and input builder live on the scoring server;
editing this copy changes nothing except your own understanding.
"""

import jax, jax.numpy as jnp
import numpy as np
from jax.ops import segment_sum

N = 10000
E = 320000
D = 128      # node_feats
DE = 16      # edge_feats
H = 256      # hidden_feats1 (conv1 output; conv2 is unused in forward)
P = 128      # predictor_hidden_feats
T = 1        # n_tasks
G = 64       # number of graphs in batch
EPS = 1e-5


def setup_inputs(seed: int = 0) -> dict:
    key = jax.random.key(seed)
    ks = jax.random.split(key, 12)
    x = jax.random.normal(ks[0], (N, D), dtype=jnp.float32)
    edge_index = jax.random.randint(ks[1], (2, E), 0, N, dtype=jnp.int32)
    edge_attr = jax.random.normal(ks[2], (E, DE), dtype=jnp.float32)
    batch = jnp.sort(jax.random.randint(ks[3], (N,), 0, G, dtype=jnp.int32))
    Wm_w = jax.random.normal(ks[4], (D, D + DE), dtype=jnp.float32) * 0.05
    Wm_b = jnp.zeros((D,), dtype=jnp.float32)
    Wa_w = jax.random.normal(ks[5], (H, 2 * D), dtype=jnp.float32) * 0.05
    Wa_b = jnp.zeros((H,), dtype=jnp.float32)
    bn_gamma = jnp.ones((H,), dtype=jnp.float32)
    bn_beta = jnp.zeros((H,), dtype=jnp.float32)
    P1_w = jax.random.normal(ks[6], (P, H), dtype=jnp.float32) * 0.05
    P1_b = jnp.zeros((P,), dtype=jnp.float32)
    P2_w = jax.random.normal(ks[7], (T, P), dtype=jnp.float32) * 0.05
    P2_b = jnp.zeros((T,), dtype=jnp.float32)
    return {"x": x, "edge_index": edge_index, "edge_attr": edge_attr, "batch": batch,
            "Wm_w": Wm_w, "Wm_b": Wm_b, "Wa_w": Wa_w, "Wa_b": Wa_b,
            "bn_gamma": bn_gamma, "bn_beta": bn_beta,
            "P1_w": P1_w, "P1_b": P1_b, "P2_w": P2_w, "P2_b": P2_b}


def _gnn_layer(x, edge_index, edge_attr, Wm_w, Wm_b, Wa_w, Wa_b):
    n = x.shape[0]
    row = edge_index[0]
    col = edge_index[1]
    # add_self_loops with fill_value='mean': loop_attr[i] = mean of edge_attr over edges with col == i
    ones_e = jnp.ones((edge_attr.shape[0],), dtype=x.dtype)
    loop_sum = segment_sum(edge_attr, col, num_segments=n)
    loop_cnt = segment_sum(ones_e, col, num_segments=n)
    loop_attr = loop_sum / jnp.clip(loop_cnt, 1.0, None)[:, None]
    self_idx = jnp.arange(n, dtype=row.dtype)
    row_f = jnp.concatenate([row, self_idx])
    col_f = jnp.concatenate([col, self_idx])
    ea_f = jnp.concatenate([edge_attr, loop_attr], axis=0)
    # symmetric normalization
    deg = segment_sum(jnp.ones((row_f.shape[0],), dtype=x.dtype), col_f, num_segments=n)
    norm = jnp.where(deg == 0, 0.0, deg ** (-0.5))
    edge_weight = norm[row_f] * norm[col_f]
    # message: relu(W_msg([x_j, edge_attr])) * edge_weight
    x_j = jnp.take(x, row_f, axis=0)
    msg_in = jnp.concatenate([x_j, ea_f], axis=1)
    msg = jax.nn.relu(msg_in @ Wm_w.T + Wm_b) * edge_weight[:, None]
    # aggregate (add) at destination
    aggr = segment_sum(msg, col_f, num_segments=n)
    # update: relu(W_apply([x, aggr]))
    out = jax.nn.relu(jnp.concatenate([x, aggr], axis=1) @ Wa_w.T + Wa_b)
    return out


def reference(x, edge_index, edge_attr, batch, Wm_w, Wm_b, Wa_w, Wa_b,
              bn_gamma, bn_beta, P1_w, P1_b, P2_w, P2_b):
    h = _gnn_layer(x, edge_index, edge_attr, Wm_w, Wm_b, Wa_w, Wa_b)
    # global_mean_pool
    sums = segment_sum(h, batch, num_segments=G)
    cnts = segment_sum(jnp.ones((h.shape[0],), dtype=h.dtype), batch, num_segments=G)
    g = sums / jnp.clip(cnts, 1.0, None)[:, None]
    # BatchNorm1d in eval mode (running_mean=0, running_var=1)
    g = (g - 0.0) / jnp.sqrt(1.0 + EPS) * bn_gamma + bn_beta
    g = jax.nn.relu(g @ P1_w.T + P1_b)
    out = g @ P2_w.T + P2_b
    return out

if __name__ == "__main__":
    import jax
    _d = setup_inputs()
    print(jax.jit(kernel)(*tuple(_d.values())))

</pallas_src>

<mosaic_0001>
#map = affine_map<(d0, d1) -> (0, 0, 0, 0)>
#map1 = affine_map<(d0, d1) -> (0, 0)>
module attributes {stable_mosaic.version = 14 : i64} {
  func.func @_p5_body(%arg0: i32, %arg1: i32, %arg2: memref<32x10x25x40xi32, #tpu.memory_space<hbm>>, %arg3: memref<32x10x25x40xi32, #tpu.memory_space<hbm>>, %arg4: memref<320000x128xf32, #tpu.memory_space<hbm>>, %arg5: memref<10000x256xf32, #tpu.memory_space<hbm>>, %arg6: memref<10000x128xf32, #tpu.memory_space<hbm>>, %arg7: memref<20000x128xf32, #tpu.memory_space<hbm>>, %arg8: memref<25x40xi32, #tpu.memory_space<vmem>>, %arg9: memref<25x40xi32, #tpu.memory_space<vmem>>, %arg10: memref<2x40x128xf32, #tpu.memory_space<vmem>>, %arg11: memref<2x40x256xf32, #tpu.memory_space<vmem>>, %arg12: memref<10000x128xf32, #tpu.memory_space<vmem_shared>>, %arg13: memref<!tpu.dma_semaphore, #tpu.memory_space<semaphore_mem>>, %arg14: memref<!tpu.dma_semaphore, #tpu.memory_space<semaphore_mem>>) attributes {dimension_semantics = [#tpu.dimension_semantics<core_parallel>, #tpu.dimension_semantics<subcore_parallel>], iteration_bounds = array<i64: 2, 16>, scalar_prefetch = 0 : i64, scratch_operands = 7 : i64, tpu.core_type = #tpu.core_type<sc_vector_subcore>, window_params = [{transform_indices = #map}, {transform_indices = #map}, {transform_indices = #map1}, {transform_indices = #map1}, {transform_indices = #map1}, {transform_indices = #map1}]} {
    %mul3A = arith.constant 2 : i32
    %mul3A_0 = arith.muli %arg1, %mul3A : i32
    %add3A = arith.addi %mul3A_0, %arg0 : i32
    %lt3A = arith.constant 10 : i32
    %lt3A_1 = arith.cmpi slt, %arg1, %lt3A : i32
    %convert_element_type3A = arith.extui %lt3A_1 : i1 to i32
    %cond3A = arith.constant 0 : i32
    %cond3A_2 = arith.cmpi ne, %convert_element_type3A, %cond3A : i32
    scf.if %cond3A_2 {
      %mul3A_17 = arith.constant 1000 : i32
      %mul3A_18 = arith.muli %arg1, %mul3A_17 : i32
      %mul3A_19 = arith.constant 1000 : i32
      %mul3A_20 = arith.muli %arg1, %mul3A_19 : i32
      "tpu.region"() ({
        %run_scoped3A = tpu.sem_alloc : memref<!tpu.dma_semaphore, #tpu.memory_space<semaphore_mem>>
        %dma_start3A = arith.constant 0 : i32
        %dma_start3A_21 = tpu.memref_slice %arg12[%mul3A_20, %dma_start3A] : memref<10000x128xf32, #tpu.memory_space<vmem_shared>> -> memref<1000x128xf32, #tpu.memory_space<vmem_shared>>
        %dma_start3A_22 = arith.constant 0 : i32
        %dma_start3A_23 = tpu.memref_slice %arg6[%mul3A_18, %dma_start3A_22] : memref<10000x128xf32, #tpu.memory_space<hbm>> -> memref<1000x128xf32, #tpu.memory_space<hbm>>
        tpu.enqueue_dma source(%dma_start3A_23 : memref<1000x128xf32, #tpu.memory_space<hbm>>) target(%dma_start3A_21 : memref<1000x128xf32, #tpu.memory_space<vmem_shared>>) target_semaphore(%run_scoped3A : memref<!tpu.dma_semaphore, #tpu.memory_space<semaphore_mem>>)
        %dma_wait3A = arith.constant 0 : i32
        %dma_wait3A_24 = tpu.memref_slice %arg12[%mul3A_20, %dma_wait3A] : memref<10000x128xf32, #tpu.memory_space<vmem_shared>> -> memref<1000x128xf32, #tpu.memory_space<vmem_shared>>
        %dma_wait3A_25 = arith.constant 0 : i32
        %dma_wait3A_26 = tpu.memref_slice %arg6[%mul3A_18, %dma_wait3A_25] : memref<10000x128xf32, #tpu.memory_space<hbm>> -> memref<1000x128xf32, #tpu.memory_space<hbm>>
        tpu.wait_dma2 semaphore(%run_scoped3A : memref<!tpu.dma_semaphore, #tpu.memory_space<semaphore_mem>>) src(%dma_wait3A_26 : memref<1000x128xf32, #tpu.memory_space<hbm>>) dst(%dma_wait3A_24 : memref<1000x128xf32, #tpu.memory_space<vmem_shared>>)
        tpu.yield
      }) : () -> ()
    } else {
    }
    %barrier3A = arith.constant 0 : index
    tpu.barrier barrier_id(%barrier3A)
    %mul3A_3 = arith.constant 10000 : i32
    %mul3A_4 = arith.muli %add3A, %mul3A_3 : i32
    %scan3A = arith.constant 0 : i32
    %scan3A_5 = arith.constant 0 : i32
    %scan3A_6 = arith.constant 10 : i32
    %scan3A_7 = arith.addi %scan3A_5, %scan3A_6 : i32
    %scan3A_8 = arith.constant 1 : i32
    %scan3A_9 = scf.for %scan3A_17 = %scan3A_5 to %scan3A_7 step %scan3A_8 iter_args(%scan3A_18 = %scan3A) -> (i32)  : i32 {
      "tpu.region"() ({
        %run_scoped3A = tpu.sem_alloc : memref<!tpu.dma_semaphore, #tpu.memory_space<semaphore_mem>>
        %dma_start3A_86 = arith.constant 0 : i32
        %dma_start3A_87 = arith.constant 0 : i32
        %dma_start3A_88 = tpu.memref_slice %arg2[%add3A, %scan3A_17, %dma_start3A_86, %dma_start3A_87] : memref<32x10x25x40xi32, #tpu.memory_space<hbm>> -> memref<1x1x25x40xi32, #tpu.memory_space<hbm>>
        %dma_start3A_89 = tpu.memref_squeeze %dma_start3A_88 : memref<1x1x25x40xi32, #tpu.memory_space<hbm>> -> memref<25x40xi32, #tpu.memory_space<hbm>>
        %dma_start3A_90 = arith.constant 0 : i32
        %dma_start3A_91 = arith.constant 0 : i32
        %dma_start3A_92 = tpu.memref_slice %arg2[%add3A, %scan3A_17, %dma_start3A_90, %dma_start3A_91] : memref<32x10x25x40xi32, #tpu.memory_space<hbm>> -> memref<1x1x25x40xi32, #tpu.memory_space<hbm>>
        %dma_start3A_93 = tpu.memref_squeeze %dma_start3A_92 : memref<1x1x25x40xi32, #tpu.memory_space<hbm>> -> memref<25x40xi32, #tpu.memory_space<hbm>>
        tpu.enqueue_dma source(%dma_start3A_93 : memref<25x40xi32, #tpu.memory_space<hbm>>) target(%arg8 : memref<25x40xi32, #tpu.memory_space<vmem>>) target_semaphore(%run_scoped3A : memref<!tpu.dma_semaphore, #tpu.memory_space<semaphore_mem>>)
        %dma_wait3A = arith.constant 0 : i32
        %dma_wait3A_94 = arith.constant 0 : i32
        %dma_wait3A_95 = tpu.memref_slice %arg2[%add3A, %scan3A_17, %dma_wait3A, %dma_wait3A_94] : memref<32x10x25x40xi32, #tpu.memory_space<hbm>> -> memref<1x1x25x40xi32, #tpu.memory_space<hbm>>
        %dma_wait3A_96 = tpu.memref_squeeze %dma_wait3A_95 : memref<1x1x25x40xi32, #tpu.memory_space<hbm>> -> memref<25x40xi32, #tpu.memory_space<hbm>>
        %dma_wait3A_97 = arith.constant 0 : i32
        %dma_wait3A_98 = arith.constant 0 : i32
        %dma_wait3A_99 = tpu.memref_slice %arg2[%add3A, %scan3A_17, %dma_wait3A_97, %dma_wait3A_98] : memref<32x10x25x40xi32, #tpu.memory_space<hbm>> -> memref<1x1x25x40xi32, #tpu.memory_space<hbm>>
        %dma_wait3A_100 = tpu.memref_squeeze %dma_wait3A_99 : memref<1x1x25x40xi32, #tpu.memory_space<hbm>> -> memref<25x40xi32, #tpu.memory_space<hbm>>
        tpu.wait_dma2 semaphore(%run_scoped3A : memref<!tpu.dma_semaphore, #tpu.memory_space<semaphore_mem>>) src(%dma_wait3A_100 : memref<25x40xi32, #tpu.memory_space<hbm>>) dst(%arg8 : memref<25x40xi32, #tpu.memory_space<vmem>>)
        tpu.yield
      }) : () -> ()
      "tpu.region"() ({
        %run_scoped3A = tpu.sem_alloc : memref<!tpu.dma_semaphore, #tpu.memory_space<semaphore_mem>>
        %dma_start3A_86 = arith.constant 0 : i32
        %dma_start3A_87 = arith.constant 0 : i32
        %dma_start3A_88 = tpu.memref_slice %arg3[%add3A, %scan3A_17, %dma_start3A_86, %dma_start3A_87] : memref<32x10x25x40xi32, #tpu.memory_space<hbm>> -> memref<1x1x25x40xi32, #tpu.memory_space<hbm>>
        %dma_start3A_89 = tpu.memref_squeeze %dma_start3A_88 : memref<1x1x25x40xi32, #tpu.memory_space<hbm>> -> memref<25x40xi32, #tpu.memory_space<hbm>>
        %dma_start3A_90 = arith.constant 0 : i32
        %dma_start3A_91 = arith.constant 0 : i32
        %dma_start3A_92 = tpu.memref_slice %arg3[%add3A, %scan3A_17, %dma_start3A_90, %dma_start3A_91] : memref<32x10x25x40xi32, #tpu.memory_space<hbm>> -> memref<1x1x25x40xi32, #tpu.memory_space<hbm>>
        %dma_start3A_93 = tpu.memref_squeeze %dma_start3A_92 : memref<1x1x25x40xi32, #tpu.memory_space<hbm>> -> memref<25x40xi32, #tpu.memory_space<hbm>>
        tpu.enqueue_dma source(%dma_start3A_93 : memref<25x40xi32, #tpu.memory_space<hbm>>) target(%arg9 : memref<25x40xi32, #tpu.memory_space<vmem>>) target_semaphore(%run_scoped3A : memref<!tpu.dma_semaphore, #tpu.memory_space<semaphore_mem>>)
        %dma_wait3A = arith.constant 0 : i32
        %dma_wait3A_94 = arith.constant 0 : i32
        %dma_wait3A_95 = tpu.memref_slice %arg3[%add3A, %scan3A_17, %dma_wait3A, %dma_wait3A_94] : memref<32x10x25x40xi32, #tpu.memory_space<hbm>> -> memref<1x1x25x40xi32, #tpu.memory_space<hbm>>
        %dma_wait3A_96 = tpu.memref_squeeze %dma_wait3A_95 : memref<1x1x25x40xi32, #tpu.memory_space<hbm>> -> memref<25x40xi32, #tpu.memory_space<hbm>>
        %dma_wait3A_97 = arith.constant 0 : i32
        %dma_wait3A_98 = arith.constant 0 : i32
        %dma_wait3A_99 = tpu.memref_slice %arg3[%add3A, %scan3A_17, %dma_wait3A_97, %dma_wait3A_98] : memref<32x10x25x40xi32, #tpu.memory_space<hbm>> -> memref<1x1x25x40xi32, #tpu.memory_space<hbm>>
        %dma_wait3A_100 = tpu.memref_squeeze %dma_wait3A_99 : memref<1x1x25x40xi32, #tpu.memory_space<hbm>> -> memref<25x40xi32, #tpu.memory_space<hbm>>
        tpu.wait_dma2 semaphore(%run_scoped3A : memref<!tpu.dma_semaphore, #tpu.memory_space<semaphore_mem>>) src(%dma_wait3A_100 : memref<25x40xi32, #tpu.memory_space<hbm>>) dst(%arg9 : memref<25x40xi32, #tpu.memory_space<vmem>>)
        tpu.yield
      }) : () -> ()
      %mul3A_19 = arith.constant 25 : i32
      %mul3A_20 = arith.muli %scan3A_17, %mul3A_19 : i32
      %mul3A_21 = arith.constant 40 : i32
      %mul3A_22 = arith.muli %mul3A_20, %mul3A_21 : i32
      %add3A_23 = arith.addi %mul3A_4, %mul3A_22 : i32
      %add3A_24 = arith.constant 0 : i32
      %add3A_25 = arith.addi %add3A_23, %add3A_24 : i32
      %dma_start3A = arith.constant 0 : i32
      %dma_start3A_26 = arith.constant 0 : i32
      %dma_start3A_27 = arith.constant 0 : i32
      %dma_start3A_28 = tpu.memref_slice %arg10[%dma_start3A, %dma_start3A_26, %dma_start3A_27] : memref<2x40x128xf32, #tpu.memory_space<vmem>> -> memref<1x40x128xf32, #tpu.memory_space<vmem>>
      %dma_start3A_29 = tpu.memref_squeeze %dma_start3A_28 : memref<1x40x128xf32, #tpu.memory_space<vmem>> -> memref<40x128xf32, #tpu.memory_space<vmem>>
      %dma_start3A_30 = arith.constant 0 : i32
      %dma_start3A_31 = tpu.memref_slice %arg4[%add3A_25, %dma_start3A_30] : memref<320000x128xf32, #tpu.memory_space<hbm>> -> memref<40x128xf32, #tpu.memory_space<hbm>>
      %dma_start3A_32 = arith.constant 0 : i32
      %dma_start3A_33 = arith.constant 0 : i32
      %dma_start3A_34 = tpu.memref_slice %arg10[%dma_start3A, %dma_start3A_32, %dma_start3A_33] : memref<2x40x128xf32, #tpu.memory_space<vmem>> -> memref<1x40x128xf32, #tpu.memory_space<vmem>>
      %dma_start3A_35 = tpu.memref_squeeze %dma_start3A_34 : memref<1x40x128xf32, #tpu.memory_space<vmem>> -> memref<40x128xf32, #tpu.memory_space<vmem>>
      %dma_start3A_36 = arith.constant 0 : i32
      %dma_start3A_37 = tpu.memref_slice %arg4[%add3A_25, %dma_start3A_36] : memref<320000x128xf32, #tpu.memory_space<hbm>> -> memref<40x128xf32, #tpu.memory_space<hbm>>
      tpu.enqueue_dma source(%dma_start3A_37 : memref<40x128xf32, #tpu.memory_space<hbm>>) target(%dma_start3A_35 : memref<40x128xf32, #tpu.memory_space<vmem>>) target_semaphore(%arg13 : memref<!tpu.dma_semaphore, #tpu.memory_space<semaphore_mem>>)
      %dma_start3A_38 = arith.constant 0 : i32
      %dma_start3A_39 = arith.constant 0 : i32
      %dma_start3A_40 = arith.constant 0 : i32
      %dma_start3A_41 = arith.constant 0 : i32
      %dma_start3A_42 = tpu.memref_slice %arg11[%dma_start3A_39, %dma_start3A_40, %dma_start3A_41] : memref<2x40x256xf32, #tpu.memory_space<vmem>> -> memref<1x40x256xf32, #tpu.memory_space<vmem>>
      %dma_start3A_43 = tpu.memref_squeeze %dma_start3A_42 : memref<1x40x256xf32, #tpu.memory_space<vmem>> -> memref<40x256xf32, #tpu.memory_space<vmem>>
      %dma_start3A_44 = arith.constant 0 : i32
      %dma_start3A_45 = tpu.memref_slice %arg8[%dma_start3A_38, %dma_start3A_44] : memref<25x40xi32, #tpu.memory_space<vmem>> -> memref<1x40xi32, #tpu.memory_space<vmem>>
      %dma_start3A_46 = tpu.memref_squeeze %dma_start3A_45 : memref<1x40xi32, #tpu.memory_space<vmem>> -> memref<40xi32, #tpu.memory_space<vmem>>
      %dma_start3A_47 = arith.constant 0 : i32
      %dma_start3A_48 = arith.constant 0 : i32
      %dma_start3A_49 = tpu.memref_slice %arg5[%dma_start3A_47, %dma_start3A_48] : memref<10000x256xf32, #tpu.memory_space<hbm>> -> memref<10000x256xf32, #tpu.memory_space<hbm>>
      tpu.enqueue_indirect_dma source(%dma_start3A_49 : memref<10000x256xf32, #tpu.memory_space<hbm>>) target(%dma_start3A_43 : memref<40x256xf32, #tpu.memory_space<vmem>>) offsets(%dma_start3A_46 : memref<40xi32, #tpu.memory_space<vmem>>) semaphore(%arg14 : memref<!tpu.dma_semaphore, #tpu.memory_space<semaphore_mem>>)
      %add3A_50 = arith.constant 40 : i32
      %add3A_51 = arith.addi %add3A_23, %add3A_50 : i32
      %dma_start3A_52 = arith.constant 1 : i32
      %dma_start3A_53 = arith.constant 0 : i32
      %dma_start3A_54 = arith.constant 0 : i32
      %dma_start3A_55 = tpu.memref_slice %arg10[%dma_start3A_52, %dma_start3A_53, %dma_start3A_54] : memref<2x40x128xf32, #tpu.memory_space<vmem>> -> memref<1x40x128xf32, #tpu.memory_space<vmem>>
      %dma_start3A_56 = tpu.memref_squeeze %dma_start3A_55 : memref<1x40x128xf32, #tpu.memory_space<vmem>> -> memref<40x128xf32, #tpu.memory_space<vmem>>
      %dma_start3A_57 = arith.constant 0 : i32
      %dma_start3A_58 = tpu.memref_slice %arg4[%add3A_51, %dma_start3A_57] : memref<320000x128xf32, #tpu.memory_space<hbm>> -> memref<40x128xf32, #tpu.memory_space<hbm>>
      %dma_start3A_59 = arith.constant 0 : i32
      %dma_start3A_60 = arith.constant 0 : i32
      %dma_start3A_61 = tpu.memref_slice %arg10[%dma_start3A_52, %dma_start3A_59, %dma_start3A_60] : memref<2x40x128xf32, #tpu.memory_space<vmem>> -> memref<1x40x128xf32, #tpu.memory_space<vmem>>
      %dma_start3A_62 = tpu.memref_squeeze %dma_start3A_61 : memref<1x40x128xf32, #tpu.memory_space<vmem>> -> memref<40x128xf32, #tpu.memory_space<vmem>>
      %dma_start3A_63 = arith.constant 0 : i32
      %dma_start3A_64 = tpu.memref_slice %arg4[%add3A_51, %dma_start3A_63] : memref<320000x128xf32, #tpu.memory_space<hbm>> -> memref<40x128xf32, #tpu.memory_space<hbm>>
      tpu.enqueue_dma source(%dma_start3A_64 : memref<40x128xf32, #tpu.memory_space<hbm>>) target(%dma_start3A_62 : memref<40x128xf32, #tpu.memory_space<vmem>>) target_semaphore(%arg13 : memref<!tpu.dma_semaphore, #tpu.memory_space<semaphore_mem>>)
      %dma_start3A_65 = arith.constant 1 : i32
      %dma_start3A_66 = arith.constant 1 : i32
      %dma_start3A_67 = arith.constant 0 : i32
      %dma_start3A_68 = arith.constant 0 : i32
      %dma_start3A_69 = tpu.memref_slice %arg11[%dma_start3A_66, %dma_start3A_67, %dma_start3A_68] : memref<2x40x256xf32, #tpu.memory_space<vmem>> -> memref<1x40x256xf32, #tpu.memory_space<vmem>>
      %dma_start3A_70 = tpu.memref_squeeze %dma_start3A_69 : memref<1x40x256xf32, #tpu.memory_space<vmem>> -> memref<40x256xf32, #tpu.memory_space<vmem>>
      %dma_start3A_71 = arith.constant 0 : i32
      %dma_start3A_72 = tpu.memref_slice %arg8[%dma_start3A_65, %dma_start3A_71] : memref<25x40xi32, #tpu.memory_space<vmem>> -> memref<1x40xi32, #tpu.memory_space<vmem>>
      %dma_start3A_73 = tpu.memref_squeeze %dma_start3A_72 : memref<1x40xi32, #tpu.memory_space<vmem>> -> memref<40xi32, #tpu.memory_space<vmem>>
      %dma_start3A_74 = arith.constant 0 : i32
      %dma_start3A_75 = arith.constant 0 : i32
      %dma_start3A_76 = tpu.memref_slice %arg5[%dma_start3A_74, %dma_start3A_75] : memref<10000x256xf32, #tpu.memory_space<hbm>> -> memref<10000x256xf32, #tpu.memory_space<hbm>>
      tpu.enqueue_indirect_dma source(%dma_start3A_76 : memref<10000x256xf32, #tpu.memory_space<hbm>>) target(%dma_start3A_70 : memref<40x256xf32, #tpu.memory_space<vmem>>) offsets(%dma_start3A_73 : memref<40xi32, #tpu.memory_space<vmem>>) semaphore(%arg14 : memref<!tpu.dma_semaphore, #tpu.memory_space<semaphore_mem>>)
      %scan3A_77 = arith.constant 0 : i32
      %scan3A_78 = arith.constant 0 : i32
      %scan3A_79 = arith.constant 0 : i32
      %scan3A_80 = arith.constant 25 : i32
      %scan3A_81 = arith.addi %scan3A_79, %scan3A_80 : i32
      %scan3A_82 = arith.constant 1 : i32
      %scan3A_83:2 = scf.for %scan3A_86 = %scan3A_79 to %scan3A_81 step %scan3A_82 iter_args(%scan3A_87 = %scan3A_77, %scan3A_88 = %scan3A_78) -> (i32, i32)  : i32 {
        %dma_wait3A = arith.constant 0 : i32
        %dma_wait3A_89 = arith.constant 0 : i32
        %dma_wait3A_90 = arith.constant 0 : i32
        %dma_wait3A_91 = tpu.memref_slice %arg10[%dma_wait3A, %dma_wait3A_89, %dma_wait3A_90] : memref<2x40x128xf32, #tpu.memory_space<vmem>> -> memref<1x40x128xf32, #tpu.memory_space<vmem>>
        %dma_wait3A_92 = tpu.memref_squeeze %dma_wait3A_91 : memref<1x40x128xf32, #tpu.memory_space<vmem>> -> memref<40x128xf32, #tpu.memory_space<vmem>>
        %dma_wait3A_93 = arith.constant 0 : i32
        %dma_wait3A_94 = arith.constant 0 : i32
        %dma_wait3A_95 = tpu.memref_slice %arg4[%dma_wait3A_93, %dma_wait3A_94] : memref<320000x128xf32, #tpu.memory_space<hbm>> -> memref<40x128xf32, #tpu.memory_space<hbm>>
        %dma_wait3A_96 = arith.constant 0 : i32
        %dma_wait3A_97 = arith.constant 0 : i32
        %dma_wait3A_98 = tpu.memref_slice %arg10[%dma_wait3A, %dma_wait3A_96, %dma_wait3A_97] : memref<2x40x128xf32, #tpu.memory_space<vmem>> -> memref<1x40x128xf32, #tpu.memory_space<vmem>>
        %dma_wait3A_99 = tpu.memref_squeeze %dma_wait3A_98 : memref<1x40x128xf32, #tpu.memory_space<vmem>> -> memref<40x128xf32, #tpu.memory_space<vmem>>
        %dma_wait3A_100 = arith.constant 0 : i32
        %dma_wait3A_101 = arith.constant 0 : i32
        %dma_wait3A_102 = tpu.memref_slice %arg4[%dma_wait3A_100, %dma_wait3A_101] : memref<320000x128xf32, #tpu.memory_space<hbm>> -> memref<40x128xf32, #tpu.memory_space<hbm>>
        tpu.wait_dma2 semaphore(%arg13 : memref<!tpu.dma_semaphore, #tpu.memory_space<semaphore_mem>>) src(%dma_wait3A_102 : memref<40x128xf32, #tpu.memory_space<hbm>>) dst(%dma_wait3A_99 : memref<40x128xf32, #tpu.memory_space<vmem>>)
        %dma_wait3A_103 = arith.constant 0 : i32
        %dma_wait3A_104 = arith.constant 0 : i32
        %dma_wait3A_105 = arith.constant 0 : i32
        %dma_wait3A_106 = tpu.memref_slice %arg11[%dma_wait3A_103, %dma_wait3A_104, %dma_wait3A_105] : memref<2x40x256xf32, #tpu.memory_space<vmem>> -> memref<1x40x256xf32, #tpu.memory_space<vmem>>
        %dma_wait3A_107 = tpu.memref_squeeze %dma_wait3A_106 : memref<1x40x256xf32, #tpu.memory_space<vmem>> -> memref<40x256xf32, #tpu.memory_space<vmem>>
        %dma_wait3A_108 = arith.constant 0 : i32
        %dma_wait3A_109 = arith.constant 0 : i32
        %dma_wait3A_110 = tpu.memref_slice %arg5[%dma_wait3A_108, %dma_wait3A_109] : memref<10000x256xf32, #tpu.memory_space<hbm>> -> memref<40x256xf32, #tpu.memory_space<hbm>>
        %dma_wait3A_111 = arith.constant 0 : i32
        %dma_wait3A_112 = arith.constant 0 : i32
        %dma_wait3A_113 = tpu.memref_slice %arg11[%dma_wait3A_103, %dma_wait3A_111, %dma_wait3A_112] : memref<2x40x256xf32, #tpu.memory_space<vmem>> -> memref<1x40x256xf32, #tpu.memory_space<vmem>>
        %dma_wait3A_114 = tpu.memref_squeeze %dma_wait3A_113 : memref<1x40x256xf32, #tpu.memory_space<vmem>> -> memref<40x256xf32, #tpu.memory_space<vmem>>
        %dma_wait3A_115 = arith.constant 0 : i32
        %dma_wait3A_116 = arith.constant 0 : i32
        %dma_wait3A_117 = tpu.memref_slice %arg5[%dma_wait3A_115, %dma_wait3A_116] : memref<10000x256xf32, #tpu.memory_space<hbm>> -> memref<40x256xf32, #tpu.memory_space<hbm>>
        tpu.wait_dma2 semaphore(%arg14 : memref<!tpu.dma_semaphore, #tpu.memory_space<semaphore_mem>>) src(%dma_wait3A_117 : memref<40x256xf32, #tpu.memory_space<hbm>>) dst(%dma_wait3A_114 : memref<40x256xf32, #tpu.memory_space<vmem>>)
        %parallel_loop3A = arith.constant 0 : i32
        %parallel_loop3A_118 = arith.constant 40 : i32
        %parallel_loop3A_119 = arith.constant 1 : i32
        scf.for %parallel_loop3A_130 = %parallel_loop3A to %parallel_loop3A_118 step %parallel_loop3A_119  : i32 {
          %parallel_loop3A_131 = arith.index_cast %scan3A_88 : i32 to index
          %parallel_loop3A_132 = arith.index_cast %parallel_loop3A_130 : i32 to index
          %parallel_loop3A_133 = arith.constant 128 : index
          %parallel_loop3A_134 = tpu.vector_load %arg11[%parallel_loop3A_131, %parallel_loop3A_132, %parallel_loop3A_133] {strides = array<i32>} : memref<2x40x256xf32, #tpu.memory_space<vmem>>, vector<1x1x16xf32>,
          %parallel_loop3A_135 = vector.shape_cast %parallel_loop3A_134 : vector<1x1x16xf32> to vector<16xf32>
          %parallel_loop3A_136 = arith.index_cast %scan3A_88 : i32 to index
          %parallel_loop3A_137 = arith.index_cast %parallel_loop3A_130 : i32 to index
          %parallel_loop3A_138 = arith.constant 0 : index
          %parallel_loop3A_139 = tpu.vector_load %arg11[%parallel_loop3A_136, %parallel_loop3A_137, %parallel_loop3A_138] {strides = array<i32>} : memref<2x40x256xf32, #tpu.memory_space<vmem>>, vector<1x1x16xf32>,
          %parallel_loop3A_140 = vector.shape_cast %parallel_loop3A_139 : vector<1x1x16xf32> to vector<16xf32>
          %parallel_loop3A_141 = arith.index_cast %scan3A_87 : i32 to index
          %parallel_loop3A_142 = arith.index_cast %parallel_loop3A_130 : i32 to index
          %parallel_loop3A_143 = arith.constant 0 : index
          %parallel_loop3A_144 = tpu.vector_load %arg10[%parallel_loop3A_141, %parallel_loop3A_142, %parallel_loop3A_143] {strides = array<i32>} : memref<2x40x128xf32, #tpu.memory_space<vmem>>, vector<1x1x16xf32>,
          %parallel_loop3A_145 = vector.shape_cast %parallel_loop3A_144 : vector<1x1x16xf32> to vector<16xf32>
          %parallel_loop3A_146 = arith.mulf %parallel_loop3A_145, %parallel_loop3A_135 : vector<16xf32>
          %parallel_loop3A_147 = arith.addf %parallel_loop3A_140, %parallel_loop3A_146 : vector<16xf32>
          %parallel_loop3A_148 = arith.constant 0.000000e+00 : f32
          %parallel_loop3A_149 = vector.broadcast %parallel_loop3A_148 : f32 to vector<16xf32>
          %parallel_loop3A_150 = arith.maximumf %parallel_loop3A_147, %parallel_loop3A_149 : vector<16xf32>
          %parallel_loop3A_151 = arith.index_cast %scan3A_87 : i32 to index
          %parallel_loop3A_152 = arith.index_cast %parallel_loop3A_130 : i32 to index
          %parallel_loop3A_153 = arith.constant 0 : index
          %parallel_loop3A_154 = tpu.vector_load %arg10[%parallel_loop3A_151, %parallel_loop3A_152, %parallel_loop3A_153] {strides = array<i32>} : memref<2x40x128xf32, #tpu.memory_space<vmem>>, vector<1x1x16xf32>,
          %parallel_loop3A_155 = vector.shape_cast %parallel_loop3A_154 : vector<1x1x16xf32> to vector<16xf32>
          %parallel_loop3A_156 = vector.shape_cast %parallel_loop3A_150 : vector<16xf32> to vector<1x1x16xf32>
          tpu.vector_store %arg10[%parallel_loop3A_151, %parallel_loop3A_152, %parallel_loop3A_153], %parallel_loop3A_156 {strides = array<i32>} : memref<2x40x128xf32, #tpu.memory_space<vmem>>, vector<1x1x16xf32>,
          %parallel_loop3A_157 = arith.index_cast %scan3A_88 : i32 to index
          %parallel_loop3A_158 = arith.index_cast %parallel_loop3A_130 : i32 to index
          %parallel_loop3A_159 = arith.constant 16 : index
          %parallel_loop3A_160 = tpu.vector_load %arg11[%parallel_loop3A_157, %parallel_loop3A_158, %parallel_loop3A_159] {strides = array<i32>} : memref<2x40x256xf32, #tpu.memory_space<vmem>>, vector<1x1x16xf32>,
          %parallel_loop3A_161 = vector.shape_cast %parallel_loop3A_160 : vector<1x1x16xf32> to vector<16xf32>
          %parallel_loop3A_162 = arith.index_cast %scan3A_87 : i32 to index
          %parallel_loop3A_163 = arith.index_cast %parallel_loop3A_130 : i32 to index
          %parallel_loop3A_164 = arith.constant 16 : index
          %parallel_loop3A_165 = tpu.vector_load %arg10[%parallel_loop3A_162, %parallel_loop3A_163, %parallel_loop3A_164] {strides = array<i32>} : memref<2x40x128xf32, #tpu.memory_space<vmem>>, vector<1x1x16xf32>,
          %parallel_loop3A_166 = vector.shape_cast %parallel_loop3A_165 : vector<1x1x16xf32> to vector<16xf32>
          %parallel_loop3A_167 = arith.mulf %parallel_loop3A_166, %parallel_loop3A_135 : vector<16xf32>
          %parallel_loop3A_168 = arith.addf %parallel_loop3A_161, %parallel_loop3A_167 : vector<16xf32>
          %parallel_loop3A_169 = arith.constant 0.000000e+00 : f32
          %parallel_loop3A_170 = vector.broadcast %parallel_loop3A_169 : f32 to vector<16xf32>
          %parallel_loop3A_171 = arith.maximumf %parallel_loop3A_168, %parallel_loop3A_170 : vector<16xf32>
          %parallel_loop3A_172 = arith.index_cast %scan3A_87 : i32 to index
          %parallel_loop3A_173 = arith.index_cast %parallel_loop3A_130 : i32 to index
          %parallel_loop3A_174 = arith.constant 16 : index
          %parallel_loop3A_175 = tpu.vector_load %arg10[%parallel_loop3A_172, %parallel_loop3A_173, %parallel_loop3A_174] {strides = array<i32>} : memref<2x40x128xf32, #tpu.memory_space<vmem>>, vector<1x1x16xf32>,
          %parallel_loop3A_176 = vector.shape_cast %parallel_loop3A_175 : vector<1x1x16xf32> to vector<16xf32>
          %parallel_loop3A_177 = vector.shape_cast %parallel_loop3A_171 : vector<16xf32> to vector<1x1x16xf32>
          tpu.vector_store %arg10[%parallel_loop3A_172, %parallel_loop3A_173, %parallel_loop3A_174], %parallel_loop3A_177 {strides = array<i32>} : memref<2x40x128xf32, #tpu.memory_space<vmem>>, vector<1x1x16xf32>,
          %parallel_loop3A_178 = arith.index_cast %scan3A_88 : i32 to index
          %parallel_loop3A_179 = arith.index_cast %parallel_loop3A_130 : i32 to index
          %parallel_loop3A_180 = arith.constant 32 : index
          %parallel_loop3A_181 = tpu.vector_load %arg11[%parallel_loop3A_178, %parallel_loop3A_179, %parallel_loop3A_180] {strides = array<i32>} : memref<2x40x256xf32, #tpu.memory_space<vmem>>, vector<1x1x16xf32>,
          %parallel_loop3A_182 = vector.shape_cast %parallel_loop3A_181 : vector<1x1x16xf32> to vector<16xf32>
          %parallel_loop3A_183 = arith.index_cast %scan3A_87 : i32 to index
          %parallel_loop3A_184 = arith.index_cast %parallel_loop3A_130 : i32 to index
          %parallel_loop3A_185 = arith.constant 32 : index
          %parallel_loop3A_186 = tpu.vector_load %arg10[%parallel_loop3A_183, %parallel_loop3A_184, %parallel_loop3A_185] {strides = array<i32>} : memref<2x40x128xf32, #tpu.memory_space<vmem>>, vector<1x1x16xf32>,
          %parallel_loop3A_187 = vector.shape_cast %parallel_loop3A_186 : vector<1x1x16xf32> to vector<16xf32>
          %parallel_loop3A_188 = arith.mulf %parallel_loop3A_187, %parallel_loop3A_135 : vector<16xf32>
          %parallel_loop3A_189 = arith.addf %parallel_loop3A_182, %parallel_loop3A_188 : vector<16xf32>
          %parallel_loop3A_190 = arith.constant 0.000000e+00 : f32
          %parallel_loop3A_191 = vector.broadcast %parallel_loop3A_190 : f32 to vector<16xf32>
          %parallel_loop3A_192 = arith.maximumf %parallel_loop3A_189, %parallel_loop3A_191 : vector<16xf32>
          %parallel_loop3A_193 = arith.index_cast %scan3A_87 : i32 to index
          %parallel_loop3A_194 = arith.index_cast %parallel_loop3A_130 : i32 to index
          %parallel_loop3A_195 = arith.constant 32 : index
          %parallel_loop3A_196 = tpu.vector_load %arg10[%parallel_loop3A_193, %parallel_loop3A_194, %parallel_loop3A_195] {strides = array<i32>} : memref<2x40x128xf32, #tpu.memory_space<vmem>>, vector<1x1x16xf32>,
          %parallel_loop3A_197 = vector.shape_cast %parallel_loop3A_196 : vector<1x1x16xf32> to vector<16xf32>
          %parallel_loop3A_198 = vector.shape_cast %parallel_loop3A_192 : vector<16xf32> to vector<1x1x16xf32>
          tpu.vector_store %arg10[%parallel_loop3A_193, %parallel_loop3A_194, %parallel_loop3A_195], %parallel_loop3A_198 {strides = array<i32>} : memref<2x40x128xf32, #tpu.memory_space<vmem>>, vector<1x1x16xf32>,
          %parallel_loop3A_199 = arith.index_cast %scan3A_88 : i32 to index
          %parallel_loop3A_200 = arith.index_cast %parallel_loop3A_130 : i32 to index
          %parallel_loop3A_201 = arith.constant 48 : index
          %parallel_loop3A_202 = tpu.vector_load %arg11[%parallel_loop3A_199, %parallel_loop3A_200, %parallel_loop3A_201] {strides = array<i32>} : memref<2x40x256xf32, #tpu.memory_space<vmem>>, vector<1x1x16xf32>,
          %parallel_loop3A_203 = vector.shape_cast %parallel_loop3A_202 : vector<1x1x16xf32> to vector<16xf32>
          %parallel_loop3A_204 = arith.index_cast %scan3A_87 : i32 to index
          %parallel_loop3A_205 = arith.index_cast %parallel_loop3A_130 : i32 to index
          %parallel_loop3A_206 = arith.constant 48 : index
          %parallel_loop3A_207 = tpu.vector_load %arg10[%parallel_loop3A_204, %parallel_loop3A_205, %parallel_loop3A_206] {strides = array<i32>} : memref<2x40x128xf32, #tpu.memory_space<vmem>>, vector<1x1x16xf32>,
          %parallel_loop3A_208 = vector.shape_cast %parallel_loop3A_207 : vector<1x1x16xf32> to vector<16xf32>
          %parallel_loop3A_209 = arith.mulf %parallel_loop3A_208, %parallel_loop3A_135 : vector<16xf32>
          %parallel_loop3A_210 = arith.addf %parallel_loop3A_203, %parallel_loop3A_209 : vector<16xf32>
          %parallel_loop3A_211 = arith.constant 0.000000e+00 : f32
          %parallel_loop3A_212 = vector.broadcast %parallel_loop3A_211 : f32 to vector<16xf32>
          %parallel_loop3A_213 = arith.maximumf %parallel_loop3A_210, %parallel_loop3A_212 : vector<16xf32>
          %parallel_loop3A_214 = arith.index_cast %scan3A_87 : i32 to index
          %parallel_loop3A_215 = arith.index_cast %parallel_loop3A_130 : i32 to index
          %parallel_loop3A_216 = arith.constant 48 : index
          %parallel_loop3A_217 = tpu.vector_load %arg10[%parallel_loop3A_214, %parallel_loop3A_215, %parallel_loop3A_216] {strides = array<i32>} : memref<2x40x128xf32, #tpu.memory_space<vmem>>, vector<1x1x16xf32>,
          %parallel_loop3A_218 = vector.shape_cast %parallel_loop3A_217 : vector<1x1x16xf32> to vector<16xf32>
          %parallel_loop3A_219 = vector.shape_cast %parallel_loop3A_213 : vector<16xf32> to vector<1x1x16xf32>
          tpu.vector_store %arg10[%parallel_loop3A_214, %parallel_loop3A_215, %parallel_loop3A_216], %parallel_loop3A_219 {strides = array<i32>} : memref<2x40x128xf32, #tpu.memory_space<vmem>>, vector<1x1x16xf32>,
          %parallel_loop3A_220 = arith.index_cast %scan3A_88 : i32 to index
          %parallel_loop3A_221 = arith.index_cast %parallel_loop3A_130 : i32 to index
          %parallel_loop3A_222 = arith.constant 64 : index
          %parallel_loop3A_223 = tpu.vector_load %arg11[%parallel_loop3A_220, %parallel_loop3A_221, %parallel_loop3A_222] {strides = array<i32>} : memref<2x40x256xf32, #tpu.memory_space<vmem>>, vector<1x1x16xf32>,
          %parallel_loop3A_224 = vector.shape_cast %parallel_loop3A_223 : vector<1x1x16xf32> to vector<16xf32>
          %parallel_loop3A_225 = arith.index_cast %scan3A_87 : i32 to index
          %parallel_loop3A_226 = arith.index_cast %parallel_loop3A_130 : i32 to index
          %parallel_loop3A_227 = arith.constant 64 : index
          %parallel_loop3A_228 = tpu.vector_load %arg10[%parallel_loop3A_225, %parallel_loop3A_226, %parallel_loop3A_227] {strides = array<i32>} : memref<2x40x128xf32, #tpu.memory_space<vmem>>, vector<1x1x16xf32>,
          %parallel_loop3A_229 = vector.shape_cast %parallel_loop3A_228 : vector<1x1x16xf32> to vector<16xf32>
          %parallel_loop3A_230 = arith.mulf %parallel_loop3A_229, %parallel_loop3A_135 : vector<16xf32>
          %parallel_loop3A_231 = arith.addf %parallel_loop3A_224, %parallel_loop3A_230 : vector<16xf32>
          %parallel_loop3A_232 = arith.constant 0.000000e+00 : f32
          %parallel_loop3A_233 = vector.broadcast %parallel_loop3A_232 : f32 to vector<16xf32>
          %parallel_loop3A_234 = arith.maximumf %parallel_loop3A_231, %parallel_loop3A_233 : vector<16xf32>
          %parallel_loop3A_235 = arith.index_cast %scan3A_87 : i32 to index
          %parallel_loop3A_236 = arith.index_cast %parallel_loop3A_130 : i32 to index
          %parallel_loop3A_237 = arith.constant 64 : index
          %parallel_loop3A_238 = tpu.vector_load %arg10[%parallel_loop3A_235, %parallel_loop3A_236, %parallel_loop3A_237] {strides = array<i32>} : memref<2x40x128xf32, #tpu.memory_space<vmem>>, vector<1x1x16xf32>,
          %parallel_loop3A_239 = vector.shape_cast %parallel_loop3A_238 : vector<1x1x16xf32> to vector<16xf32>
          %parallel_loop3A_240 = vector.shape_cast %parallel_loop3A_234 : vector<16xf32> to vector<1x1x16xf32>
          tpu.vector_store %arg10[%parallel_loop3A_235, %parallel_loop3A_236, %parallel_loop3A_237], %parallel_loop3A_240 {strides = array<i32>} : memref<2x40x128xf32, #tpu.memory_space<vmem>>, vector<1x1x16xf32>,
          %parallel_loop3A_241 = arith.index_cast %scan3A_88 : i32 to index
          %parallel_loop3A_242 = arith.index_cast %parallel_loop3A_130 : i32 to index
          %parallel_loop3A_243 = arith.constant 80 : index
          %parallel_loop3A_244 = tpu.vector_load %arg11[%parallel_loop3A_241, %parallel_loop3A_242, %parallel_loop3A_243] {strides = array<i32>} : memref<2x40x256xf32, #tpu.memory_space<vmem>>, vector<1x1x16xf32>,
          %parallel_loop3A_245 = vector.shape_cast %parallel_loop3A_244 : vector<1x1x16xf32> to vector<16xf32>
          %parallel_loop3A_246 = arith.index_cast %scan3A_87 : i32 to index
          %parallel_loop3A_247 = arith.index_cast %parallel_loop3A_130 : i32 to index
          %parallel_loop3A_248 = arith.constant 80 : index
          %parallel_loop3A_249 = tpu.vector_load %arg10[%parallel_loop3A_246, %parallel_loop3A_247, %parallel_loop3A_248] {strides = array<i32>} : memref<2x40x128xf32, #tpu.memory_space<vmem>>, vector<1x1x16xf32>,
          %parallel_loop3A_250 = vector.shape_cast %parallel_loop3A_249 : vector<1x1x16xf32> to vector<16xf32>
          %parallel_loop3A_251 = arith.mulf %parallel_loop3A_250, %parallel_loop3A_135 : vector<16xf32>
          %parallel_loop3A_252 = arith.addf %parallel_loop3A_245, %parallel_loop3A_251 : vector<16xf32>
          %parallel_loop3A_253 = arith.constant 0.000000e+00 : f32
          %parallel_loop3A_254 = vector.broadcast %parallel_loop3A_253 : f32 to vector<16xf32>
          %parallel_loop3A_255 = arith.maximumf %parallel_loop3A_252, %parallel_loop3A_254 : vector<16xf32>
          %parallel_loop3A_256 = arith.index_cast %scan3A_87 : i32 to index
          %parallel_loop3A_257 = arith.index_cast %parallel_loop3A_130 : i32 to index
          %parallel_loop3A_258 = arith.constant 80 : index
          %parallel_loop3A_259 = tpu.vector_load %arg10[%parallel_loop3A_256, %parallel_loop3A_257, %parallel_loop3A_258] {strides = array<i32>} : memref<2x40x128xf32, #tpu.memory_space<vmem>>, vector<1x1x16xf32>,
          %parallel_loop3A_260 = vector.shape_cast %parallel_loop3A_259 : vector<1x1x16xf32> to vector<16xf32>
          %parallel_loop3A_261 = vector.shape_cast %parallel_loop3A_255 : vector<16xf32> to vector<1x1x16xf32>
          tpu.vector_store %arg10[%parallel_loop3A_256, %parallel_loop3A_257, %parallel_loop3A_258], %parallel_loop3A_261 {strides = array<i32>} : memref<2x40x128xf32, #tpu.memory_space<vmem>>, vector<1x1x16xf32>,
          %parallel_loop3A_262 = arith.index_cast %scan3A_88 : i32 to index
          %parallel_loop3A_263 = arith.index_cast %parallel_loop3A_130 : i32 to index
          %parallel_loop3A_264 = arith.constant 96 : index
          %parallel_loop3A_265 = tpu.vector_load %arg11[%parallel_loop3A_262, %parallel_loop3A_263, %parallel_loop3A_264] {strides = array<i32>} : memref<2x40x256xf32, #tpu.memory_space<vmem>>, vector<1x1x16xf32>,
          %parallel_loop3A_266 = vector.shape_cast %parallel_loop3A_265 : vector<1x1x16xf32> to vector<16xf32>
          %parallel_loop3A_267 = arith.index_cast %scan3A_87 : i32 to index
          %parallel_loop3A_268 = arith.index_cast %parallel_loop3A_130 : i32 to index
          %parallel_loop3A_269 = arith.constant 96 : index
          %parallel_loop3A_270 = tpu.vector_load %arg10[%parallel_loop3A_267, %parallel_loop3A_268, %parallel_loop3A_269] {strides = array<i32>} : memref<2x40x128xf32, #tpu.memory_space<vmem>>, vector<1x1x16xf32>,
          %parallel_loop3A_271 = vector.shape_cast %parallel_loop3A_270 : vector<1x1x16xf32> to vector<16xf32>
          %parallel_loop3A_272 = arith.mulf %parallel_loop3A_271, %parallel_loop3A_135 : vector<16xf32>
          %parallel_loop3A_273 = arith.addf %parallel_loop3A_266, %parallel_loop3A_272 : vector<16xf32>
          %parallel_loop3A_274 = arith.constant 0.000000e+00 : f32
          %parallel_loop3A_275 = vector.broadcast %parallel_loop3A_274 : f32 to vector<16xf32>
          %parallel_loop3A_276 = arith.maximumf %parallel_loop3A_273, %parallel_loop3A_275 : vector<16xf32>
          %parallel_loop3A_277 = arith.index_cast %scan3A_87 : i32 to index
          %parallel_loop3A_278 = arith.index_cast %parallel_loop3A_130 : i32 to index
          %parallel_loop3A_279 = arith.constant 96 : index
          %parallel_loop3A_280 = tpu.vector_load %arg10[%parallel_loop3A_277, %parallel_loop3A_278, %parallel_loop3A_279] {strides = array<i32>} : memref<2x40x128xf32, #tpu.memory_space<vmem>>, vector<1x1x16xf32>,
          %parallel_loop3A_281 = vector.shape_cast %parallel_loop3A_280 : vector<1x1x16xf32> to vector<16xf32>
          %parallel_loop3A_282 = vector.shape_cast %parallel_loop3A_276 : vector<16xf32> to vector<1x1x16xf32>
          tpu.vector_store %arg10[%parallel_loop3A_277, %parallel_loop3A_278, %parallel_loop3A_279], %parallel_loop3A_282 {strides = array<i32>} : memref<2x40x128xf32, #tpu.memory_space<vmem>>, vector<1x1x16xf32>,
          %parallel_loop3A_283 = arith.index_cast %scan3A_88 : i32 to index
          %parallel_loop3A_284 = arith.index_cast %parallel_loop3A_130 : i32 to index
          %parallel_loop3A_285 = arith.constant 112 : index
          %parallel_loop3A_286 = tpu.vector_load %arg11[%parallel_loop3A_283, %parallel_loop3A_284, %parallel_loop3A_285] {strides = array<i32>} : memref<2x40x256xf32, #tpu.memory_space<vmem>>, vector<1x1x16xf32>,
          %parallel_loop3A_287 = vector.shape_cast %parallel_loop3A_286 : vector<1x1x16xf32> to vector<16xf32>
          %parallel_loop3A_288 = arith.index_cast %scan3A_87 : i32 to index
          %parallel_loop3A_289 = arith.index_cast %parallel_loop3A_130 : i32 to index
          %parallel_loop3A_290 = arith.constant 112 : index
          %parallel_loop3A_291 = tpu.vector_load %arg10[%parallel_loop3A_288, %parallel_loop3A_289, %parallel_loop3A_290] {strides = array<i32>} : memref<2x40x128xf32, #tpu.memory_space<vmem>>, vector<1x1x16xf32>,
          %parallel_loop3A_292 = vector.shape_cast %parallel_loop3A_291 : vector<1x1x16xf32> to vector<16xf32>
          %parallel_loop3A_293 = arith.mulf %parallel_loop3A_292, %parallel_loop3A_135 : vector<16xf32>
          %parallel_loop3A_294 = arith.addf %parallel_loop3A_287, %parallel_loop3A_293 : vector<16xf32>
          %parallel_loop3A_295 = arith.constant 0.000000e+00 : f32
          %parallel_loop3A_296 = vector.broadcast %parallel_loop3A_295 : f32 to vector<16xf32>
          %parallel_loop3A_297 = arith.maximumf %parallel_loop3A_294, %parallel_loop3A_296 : vector<16xf32>
          %parallel_loop3A_298 = arith.index_cast %scan3A_87 : i32 to index
          %parallel_loop3A_299 = arith.index_cast %parallel_loop3A_130 : i32 to index
          %parallel_loop3A_300 = arith.constant 112 : index
          %parallel_loop3A_301 = tpu.vector_load %arg10[%parallel_loop3A_298, %parallel_loop3A_299, %parallel_loop3A_300] {strides = array<i32>} : memref<2x40x128xf32, #tpu.memory_space<vmem>>, vector<1x1x16xf32>,
          %parallel_loop3A_302 = vector.shape_cast %parallel_loop3A_301 : vector<1x1x16xf32> to vector<16xf32>
          %parallel_loop3A_303 = vector.shape_cast %parallel_loop3A_297 : vector<16xf32> to vector<1x1x16xf32>
          tpu.vector_store %arg10[%parallel_loop3A_298, %parallel_loop3A_299, %parallel_loop3A_300], %parallel_loop3A_303 {strides = array<i32>} : memref<2x40x128xf32, #tpu.memory_space<vmem>>, vector<1x1x16xf32>,
        } {sc.loop_unroll_factor = 4 : i64, sc.parallel_access}
        "tpu.region"() ({
          %run_scoped3A = tpu.sem_alloc : memref<!tpu.dma_semaphore, #tpu.memory_space<semaphore_mem>>
          %dma_start3A_130 = arith.constant 0 : i32
          %dma_start3A_131 = arith.constant 0 : i32
          %dma_start3A_132 = tpu.memref_slice %arg10[%scan3A_87, %dma_start3A_130, %dma_start3A_131] : memref<2x40x128xf32, #tpu.memory_space<vmem>> -> memref<1x40x128xf32, #tpu.memory_space<vmem>>
          %dma_start3A_133 = tpu.memref_squeeze %dma_start3A_132 : memref<1x40x128xf32, #tpu.memory_space<vmem>> -> memref<40x128xf32, #tpu.memory_space<vmem>>
          %dma_start3A_134 = arith.constant 0 : i32
          %dma_start3A_135 = tpu.memref_slice %arg9[%scan3A_86, %dma_start3A_134] : memref<25x40xi32, #tpu.memory_space<vmem>> -> memref<1x40xi32, #tpu.memory_space<vmem>>
          %dma_start3A_136 = tpu.memref_squeeze %dma_start3A_135 : memref<1x40xi32, #tpu.memory_space<vmem>> -> memref<40xi32, #tpu.memory_space<vmem>>
          %dma_start3A_137 = arith.constant 0 : i32
          %dma_start3A_138 = arith.constant 0 : i32
          %dma_start3A_139 = tpu.memref_slice %arg12[%dma_start3A_137, %dma_start3A_138] : memref<10000x128xf32, #tpu.memory_space<vmem_shared>> -> memref<10000x128xf32, #tpu.memory_space<vmem_shared>>
          tpu.enqueue_indirect_dma source(%dma_start3A_133 : memref<40x128xf32, #tpu.memory_space<vmem>>) target(%dma_start3A_139 : memref<10000x128xf32, #tpu.memory_space<vmem_shared>>) offsets(%dma_start3A_136 : memref<40xi32, #tpu.memory_space<vmem>>) semaphore(%run_scoped3A : memref<!tpu.dma_semaphore, #tpu.memory_space<semaphore_mem>>) {add = true}
          %dma_wait3A_140 = arith.constant 0 : i32
          %dma_wait3A_141 = arith.constant 0 : i32
          %dma_wait3A_142 = tpu.memref_slice %arg10[%scan3A_87, %dma_wait3A_140, %dma_wait3A_141] : memref<2x40x128xf32, #tpu.memory_space<vmem>> -> memref<1x40x128xf32, #tpu.memory_space<vmem>>
          %dma_wait3A_143 = tpu.memref_squeeze %dma_wait3A_142 : memref<1x40x128xf32, #tpu.memory_space<vmem>> -> memref<40x128xf32, #tpu.memory_space<vmem>>
          %dma_wait3A_144 = arith.constant 0 : i32
          %dma_wait3A_145 = tpu.memref_slice %arg9[%scan3A_86, %dma_wait3A_144] : memref<25x40xi32, #tpu.memory_space<vmem>> -> memref<1x40xi32, #tpu.memory_space<vmem>>
          %dma_wait3A_146 = tpu.memref_squeeze %dma_wait3A_145 : memref<1x40xi32, #tpu.memory_space<vmem>> -> memref<40xi32, #tpu.memory_space<vmem>>
          %dma_wait3A_147 = arith.constant 0 : i32
          %dma_wait3A_148 = arith.constant 0 : i32
          %dma_wait3A_149 = tpu.memref_slice %arg12[%dma_wait3A_147, %dma_wait3A_148] : memref<10000x128xf32, #tpu.memory_space<vmem_shared>> -> memref<10000x128xf32, #tpu.memory_space<vmem_shared>>
          tpu.wait_indirect_dma semaphore(%run_scoped3A : memref<!tpu.dma_semaphore, #tpu.memory_space<semaphore_mem>>) src(%dma_wait3A_143 : memref<40x128xf32, #tpu.memory_space<vmem>>) dst(%dma_wait3A_149 : memref<10000x128xf32, #tpu.memory_space<vmem_shared>>)
          tpu.yield
        }) : () -> ()
        %add3A_120 = arith.constant 2 : i32
        %add3A_121 = arith.addi %scan3A_86, %add3A_120 : i32
        %lt3A_122 = arith.constant 25 : i32
        %lt3A_123 = arith.cmpi slt, %add3A_121, %lt3A_122 : i32
        %convert_element_type3A_124 = arith.extui %lt3A_123 : i1 to i32
        %cond3A_125 = arith.constant 0 : i32
        %cond3A_126 = arith.cmpi ne, %convert_element_type3A_124, %cond3A_125 : i32
        scf.if %cond3A_126 {
          %add3A_130 = arith.constant 2 : i32
          %add3A_131 = arith.addi %scan3A_86, %add3A_130 : i32
          %mul3A_132 = arith.constant 40 : i32
          %mul3A_133 = arith.muli %add3A_131, %mul3A_132 : i32
          %add3A_134 = arith.addi %add3A_23, %mul3A_133 : i32
          %dma_start3A_135 = arith.constant 0 : i32
          %dma_start3A_136 = arith.constant 0 : i32
          %dma_start3A_137 = tpu.memref_slice %arg10[%scan3A_87, %dma_start3A_135, %dma_start3A_136] : memref<2x40x128xf32, #tpu.memory_space<vmem>> -> memref<1x40x128xf32, #tpu.memory_space<vmem>>
          %dma_start3A_138 = tpu.memref_squeeze %dma_start3A_137 : memref<1x40x128xf32, #tpu.memory_space<vmem>> -> memref<40x128xf32, #tpu.memory_space<vmem>>
          %dma_start3A_139 = arith.constant 0 : i32
          %dma_start3A_140 = tpu.memref_slice %arg4[%add3A_134, %dma_start3A_139] : memref<320000x128xf32, #tpu.memory_space<hbm>> -> memref<40x128xf32, #tpu.memory_space<hbm>>
          %dma_start3A_141 = arith.constant 0 : i32
          %dma_start3A_142 = arith.constant 0 : i32
          %dma_start3A_143 = tpu.memref_slice %arg10[%scan3A_87, %dma_start3A_141, %dma_start3A_142] : memref<2x40x128xf32, #tpu.memory_space<vmem>> -> memref<1x40x128xf32, #tpu.memory_space<vmem>>
          %dma_start3A_144 = tpu.memref_squeeze %dma_start3A_143 : memref<1x40x128xf32, #tpu.memory_space<vmem>> -> memref<40x128xf32, #tpu.memory_space<vmem>>
          %dma_start3A_145 = arith.constant 0 : i32
          %dma_start3A_146 = tpu.memref_slice %arg4[%add3A_134, %dma_start3A_145] : memref<320000x128xf32, #tpu.memory_space<hbm>> -> memref<40x128xf32, #tpu.memory_space<hbm>>
          tpu.enqueue_dma source(%dma_start3A_146 : memref<40x128xf32, #tpu.memory_space<hbm>>) target(%dma_start3A_144 : memref<40x128xf32, #tpu.memory_space<vmem>>) target_semaphore(%arg13 : memref<!tpu.dma_semaphore, #tpu.memory_space<semaphore_mem>>)
          %dma_start3A_147 = arith.constant 0 : i32
          %dma_start3A_148 = arith.constant 0 : i32
          %dma_start3A_149 = tpu.memref_slice %arg11[%scan3A_88, %dma_start3A_147, %dma_start3A_148] : memref<2x40x256xf32, #tpu.memory_space<vmem>> -> memref<1x40x256xf32, #tpu.memory_space<vmem>>
          %dma_start3A_150 = tpu.memref_squeeze %dma_start3A_149 : memref<1x40x256xf32, #tpu.memory_space<vmem>> -> memref<40x256xf32, #tpu.memory_space<vmem>>
          %dma_start3A_151 = arith.constant 0 : i32
          %dma_start3A_152 = tpu.memref_slice %arg8[%add3A_131, %dma_start3A_151] : memref<25x40xi32, #tpu.memory_space<vmem>> -> memref<1x40xi32, #tpu.memory_space<vmem>>
          %dma_start3A_153 = tpu.memref_squeeze %dma_start3A_152 : memref<1x40xi32, #tpu.memory_space<vmem>> -> memref<40xi32, #tpu.memory_space<vmem>>
          %dma_start3A_154 = arith.constant 0 : i32
          %dma_start3A_155 = arith.constant 0 : i32
          %dma_start3A_156 = tpu.memref_slice %arg5[%dma_start3A_154, %dma_start3A_155] : memref<10000x256xf32, #tpu.memory_space<hbm>> -> memref<10000x256xf32, #tpu.memory_space<hbm>>
          tpu.enqueue_indirect_dma source(%dma_start3A_156 : memref<10000x256xf32, #tpu.memory_space<hbm>>) target(%dma_start3A_150 : memref<40x256xf32, #tpu.memory_space<vmem>>) offsets(%dma_start3A_153 : memref<40xi32, #tpu.memory_space<vmem>>) semaphore(%arg14 : memref<!tpu.dma_semaphore, #tpu.memory_space<semaphore_mem>>)
        } else {
        }
        %sub3A = arith.constant 1 : i32
        %sub3A_127 = arith.subi %sub3A, %scan3A_87 : i32
        %sub3A_128 = arith.constant 1 : i32
        %sub3A_129 = arith.subi %sub3A_128, %scan3A_88 : i32
        scf.yield %sub3A_127, %sub3A_129 : i32, i32
      }
      %scan3A_84 = arith.constant 25 : i32
      %scan3A_85 = arith.constant 0 : i32
      scf.yield %scan3A_85 : i32
    }
    %scan3A_10 = arith.constant 10 : i32
    %barrier3A_11 = arith.constant 0 : index
    tpu.barrier barrier_id(%barrier3A_11)
    %lt3A_12 = arith.constant 10 : i32
    %lt3A_13 = arith.cmpi slt, %arg1, %lt3A_12 : i32
    %convert_element_type3A_14 = arith.extui %lt3A_13 : i1 to i32
    %cond3A_15 = arith.constant 0 : i32
    %cond3A_16 = arith.cmpi ne, %convert_element_type3A_14, %cond3A_15 : i32
    scf.if %cond3A_16 {
      %mul3A_17 = arith.constant 1000 : i32
      %mul3A_18 = arith.muli %arg1, %mul3A_17 : i32
      %mul3A_19 = arith.constant 10000 : i32
      %mul3A_20 = arith.muli %arg0, %mul3A_19 : i32
      %mul3A_21 = arith.constant 1000 : i32
      %mul3A_22 = arith.muli %arg1, %mul3A_21 : i32
      %add3A_23 = arith.addi %mul3A_20, %mul3A_22 : i32
      "tpu.region"() ({
        %run_scoped3A = tpu.sem_alloc : memref<!tpu.dma_semaphore, #tpu.memory_space<semaphore_mem>>
        %dma_start3A = arith.constant 0 : i32
        %dma_start3A_24 = tpu.memref_slice %arg7[%add3A_23, %dma_start3A] : memref<20000x128xf32, #tpu.memory_space<hbm>> -> memref<1000x128xf32, #tpu.memory_space<hbm>>
        %dma_start3A_25 = arith.constant 0 : i32
        %dma_start3A_26 = tpu.memref_slice %arg12[%mul3A_18, %dma_start3A_25] : memref<10000x128xf32, #tpu.memory_space<vmem_shared>> -> memref<1000x128xf32, #tpu.memory_space<vmem_shared>>
        tpu.enqueue_dma source(%dma_start3A_26 : memref<1000x128xf32, #tpu.memory_space<vmem_shared>>) target(%dma_start3A_24 : memref<1000x128xf32, #tpu.memory_space<hbm>>) target_semaphore(%run_scoped3A : memref<!tpu.dma_semaphore, #tpu.memory_space<semaphore_mem>>)
        %dma_wait3A = arith.constant 0 : i32
        %dma_wait3A_27 = tpu.memref_slice %arg7[%add3A_23, %dma_wait3A] : memref<20000x128xf32, #tpu.memory_space<hbm>> -> memref<1000x128xf32, #tpu.memory_space<hbm>>
        %dma_wait3A_28 = arith.constant 0 : i32
        %dma_wait3A_29 = tpu.memref_slice %arg12[%mul3A_18, %dma_wait3A_28] : memref<10000x128xf32, #tpu.memory_space<vmem_shared>> -> memref<1000x128xf32, #tpu.memory_space<vmem_shared>>
        tpu.wait_dma2 semaphore(%run_scoped3A : memref<!tpu.dma_semaphore, #tpu.memory_space<semaphore_mem>>) src(%dma_wait3A_29 : memref<1000x128xf32, #tpu.memory_space<vmem_shared>>) dst(%dma_wait3A_27 : memref<1000x128xf32, #tpu.memory_space<hbm>>)
        tpu.yield
      }) : () -> ()
    } else {
    }
    return
  }
}

#map = affine_map<(d0, d1) -> (0, 0, 0, 0)>
#map1 = affine_map<(d0, d1) -> (0, 0)>
module attributes {stable_mosaic.version = 14 : i64} {
  func.func @_p1_body(%arg0: i32, %arg1: i32, %arg2: memref<32x10x25x40xi32, #tpu.memory_space<hbm>>, %arg3: memref<320000x16xf32, #tpu.memory_space<hbm>>, %arg4: memref<10000x128xf32, #tpu.memory_space<hbm>>, %arg5: memref<20000x128xf32, #tpu.memory_space<hbm>>, %arg6: memref<25x40xi32, #tpu.memory_space<vmem>>, %arg7: memref<2x40x16xf32, #tpu.memory_space<vmem>>, %arg8: memref<3x40x128xf32, #tpu.memory_space<vmem>>, %arg9: memref<10000x128xf32, #tpu.memory_space<vmem_shared>>, %arg10: memref<!tpu.dma_semaphore, #tpu.memory_space<semaphore_mem>>, %arg11: memref<!tpu.dma_semaphore, #tpu.memory_space<semaphore_mem>>) attributes {dimension_semantics = [#tpu.dimension_semantics<core_parallel>, #tpu.dimension_semantics<subcore_parallel>], iteration_bounds = array<i64: 2, 16>, scalar_prefetch = 0 : i64, scratch_operands = 6 : i64, tpu.core_type = #tpu.core_type<sc_vector_subcore>, window_params = [{transform_indices = #map}, {transform_indices = #map1}, {transform_indices = #map1}, {transform_indices = #map1}]} {
    %mul3A = arith.constant 2 : i32
    %mul3A_0 = arith.muli %arg1, %mul3A : i32
    %add3A = arith.addi %mul3A_0, %arg0 : i32
    %iota3A = tpu.iota {dimensions = array<i32: 0>} : vector<16xi32>
    %eq3A = arith.constant 0 : i32
    %eq3A_1 = vector.broadcast %eq3A : i32 to vector<16xi32>
    %eq3A_2 = arith.cmpi eq, %iota3A, %eq3A_1 : vector<16xi32>
    %jit3A = arith.constant 1.000000e+00 : f32
    %jit3A_3 = arith.constant 0.000000e+00 : f32
    %broadcast_in_dim3A = vector.broadcast %jit3A : f32 to vector<16xf32>
    %broadcast_in_dim3A_4 = vector.broadcast %jit3A_3 : f32 to vector<16xf32>
    %select_n3A = arith.select %eq3A_2, %broadcast_in_dim3A, %broadcast_in_dim3A_4 : vector<16xi1>, vector<16xf32>
    %broadcast_in_dim3A_5 = arith.constant 0.000000e+00 : f32
    %broadcast_in_dim3A_6 = vector.broadcast %broadcast_in_dim3A_5 : f32 to vector<16xf32>
    %parallel_loop3A = arith.constant 0 : i32
    %parallel_loop3A_7 = arith.constant 40 : i32
    %parallel_loop3A_8 = arith.constant 1 : i32
    scf.for %parallel_loop3A_31 = %parallel_loop3A to %parallel_loop3A_7 step %parallel_loop3A_8  : i32 {
      %parallel_loop3A_32 = arith.constant 0 : i32
      %parallel_loop3A_33 = arith.index_cast %parallel_loop3A_32 : i32 to index
      %parallel_loop3A_34 = arith.index_cast %parallel_loop3A_31 : i32 to index
      %parallel_loop3A_35 = arith.constant 16 : index
      %parallel_loop3A_36 = tpu.vector_load %arg8[%parallel_loop3A_33, %parallel_loop3A_34, %parallel_loop3A_35] {strides = array<i32>} : memref<3x40x128xf32, #tpu.memory_space<vmem>>, vector<1x1x16xf32>,
      %parallel_loop3A_37 = vector.shape_cast %parallel_loop3A_36 : vector<1x1x16xf32> to vector<16xf32>
      %parallel_loop3A_38 = vector.shape_cast %select_n3A : vector<16xf32> to vector<1x1x16xf32>
      tpu.vector_store %arg8[%parallel_loop3A_33, %parallel_loop3A_34, %parallel_loop3A_35], %parallel_loop3A_38 {strides = array<i32>} : memref<3x40x128xf32, #tpu.memory_space<vmem>>, vector<1x1x16xf32>,
      %parallel_loop3A_39 = arith.constant 0 : i32
      %parallel_loop3A_40 = arith.index_cast %parallel_loop3A_39 : i32 to index
      %parallel_loop3A_41 = arith.index_cast %parallel_loop3A_31 : i32 to index
      %parallel_loop3A_42 = arith.constant 32 : index
      %parallel_loop3A_43 = tpu.vector_load %arg8[%parallel_loop3A_40, %parallel_loop3A_41, %parallel_loop3A_42] {strides = array<i32>} : memref<3x40x128xf32, #tpu.memory_space<vmem>>, vector<1x1x16xf32>,
      %parallel_loop3A_44 = vector.shape_cast %parallel_loop3A_43 : vector<1x1x16xf32> to vector<16xf32>
      %parallel_loop3A_45 = vector.shape_cast %broadcast_in_dim3A_6 : vector<16xf32> to vector<1x1x16xf32>
      tpu.vector_store %arg8[%parallel_loop3A_40, %parallel_loop3A_41, %parallel_loop3A_42], %parallel_loop3A_45 {strides = array<i32>} : memref<3x40x128xf32, #tpu.memory_space<vmem>>, vector<1x1x16xf32>,
      %parallel_loop3A_46 = arith.constant 0 : i32
      %parallel_loop3A_47 = arith.index_cast %parallel_loop3A_46 : i32 to index
      %parallel_loop3A_48 = arith.index_cast %parallel_loop3A_31 : i32 to index
      %parallel_loop3A_49 = arith.constant 48 : index
      %parallel_loop3A_50 = tpu.vector_load %arg8[%parallel_loop3A_47, %parallel_loop3A_48, %parallel_loop3A_49] {strides = array<i32>} : memref<3x40x128xf32, #tpu.memory_space<vmem>>, vector<1x1x16xf32>,
      %parallel_loop3A_51 = vector.shape_cast %parallel_loop3A_50 : vector<1x1x16xf32> to vector<16xf32>
      %parallel_loop3A_52 = vector.shape_cast %broadcast_in_dim3A_6 : vector<16xf32> to vector<1x1x16xf32>
      tpu.vector_store %arg8[%parallel_loop3A_47, %parallel_loop3A_48, %parallel_loop3A_49], %parallel_loop3A_52 {strides = array<i32>} : memref<3x40x128xf32, #tpu.memory_space<vmem>>, vector<1x1x16xf32>,
      %parallel_loop3A_53 = arith.constant 0 : i32
      %parallel_loop3A_54 = arith.index_cast %parallel_loop3A_53 : i32 to index
      %parallel_loop3A_55 = arith.index_cast %parallel_loop3A_31 : i32 to index
      %parallel_loop3A_56 = arith.constant 64 : index
      %parallel_loop3A_57 = tpu.vector_load %arg8[%parallel_loop3A_54, %parallel_loop3A_55, %parallel_loop3A_56] {strides = array<i32>} : memref<3x40x128xf32, #tpu.memory_space<vmem>>, vector<1x1x16xf32>,
      %parallel_loop3A_58 = vector.shape_cast %parallel_loop3A_57 : vector<1x1x16xf32> to vector<16xf32>
      %parallel_loop3A_59 = vector.shape_cast %broadcast_in_dim3A_6 : vector<16xf32> to vector<1x1x16xf32>
      tpu.vector_store %arg8[%parallel_loop3A_54, %parallel_loop3A_55, %parallel_loop3A_56], %parallel_loop3A_59 {strides = array<i32>} : memref<3x40x128xf32, #tpu.memory_space<vmem>>, vector<1x1x16xf32>,
      %parallel_loop3A_60 = arith.constant 0 : i32
      %parallel_loop3A_61 = arith.index_cast %parallel_loop3A_60 : i32 to index
      %parallel_loop3A_62 = arith.index_cast %parallel_loop3A_31 : i32 to index
      %parallel_loop3A_63 = arith.constant 80 : index
      %parallel_loop3A_64 = tpu.vector_load %arg8[%parallel_loop3A_61, %parallel_loop3A_62, %parallel_loop3A_63] {strides = array<i32>} : memref<3x40x128xf32, #tpu.memory_space<vmem>>, vector<1x1x16xf32>,
      %parallel_loop3A_65 = vector.shape_cast %parallel_loop3A_64 : vector<1x1x16xf32> to vector<16xf32>
      %parallel_loop3A_66 = vector.shape_cast %broadcast_in_dim3A_6 : vector<16xf32> to vector<1x1x16xf32>
      tpu.vector_store %arg8[%parallel_loop3A_61, %parallel_loop3A_62, %parallel_loop3A_63], %parallel_loop3A_66 {strides = array<i32>} : memref<3x40x128xf32, #tpu.memory_space<vmem>>, vector<1x1x16xf32>,
      %parallel_loop3A_67 = arith.constant 0 : i32
      %parallel_loop3A_68 = arith.index_cast %parallel_loop3A_67 : i32 to index
      %parallel_loop3A_69 = arith.index_cast %parallel_loop3A_31 : i32 to index
      %parallel_loop3A_70 = arith.constant 96 : index
      %parallel_loop3A_71 = tpu.vector_load %arg8[%parallel_loop3A_68, %parallel_loop3A_69, %parallel_loop3A_70] {strides = array<i32>} : memref<3x40x128xf32, #tpu.memory_space<vmem>>, vector<1x1x16xf32>,
      %parallel_loop3A_72 = vector.shape_cast %parallel_loop3A_71 : vector<1x1x16xf32> to vector<16xf32>
      %parallel_loop3A_73 = vector.shape_cast %broadcast_in_dim3A_6 : vector<16xf32> to vector<1x1x16xf32>
      tpu.vector_store %arg8[%parallel_loop3A_68, %parallel_loop3A_69, %parallel_loop3A_70], %parallel_loop3A_73 {strides = array<i32>} : memref<3x40x128xf32, #tpu.memory_space<vmem>>, vector<1x1x16xf32>,
      %parallel_loop3A_74 = arith.constant 0 : i32
      %parallel_loop3A_75 = arith.index_cast %parallel_loop3A_74 : i32 to index
      %parallel_loop3A_76 = arith.index_cast %parallel_loop3A_31 : i32 to index
      %parallel_loop3A_77 = arith.constant 112 : index
      %parallel_loop3A_78 = tpu.vector_load %arg8[%parallel_loop3A_75, %parallel_loop3A_76, %parallel_loop3A_77] {strides = array<i32>} : memref<3x40x128xf32, #tpu.memory_space<vmem>>, vector<1x1x16xf32>,
      %parallel_loop3A_79 = vector.shape_cast %parallel_loop3A_78 : vector<1x1x16xf32> to vector<16xf32>
      %parallel_loop3A_80 = vector.shape_cast %broadcast_in_dim3A_6 : vector<16xf32> to vector<1x1x16xf32>
      tpu.vector_store %arg8[%parallel_loop3A_75, %parallel_loop3A_76, %parallel_loop3A_77], %parallel_loop3A_80 {strides = array<i32>} : memref<3x40x128xf32, #tpu.memory_space<vmem>>, vector<1x1x16xf32>,
    } {sc.loop_unroll_factor = 8 : i64, sc.parallel_access}
    %parallel_loop3A_9 = arith.constant 0 : i32
    %parallel_loop3A_10 = arith.constant 40 : i32
    %parallel_loop3A_11 = arith.constant 1 : i32
    scf.for %parallel_loop3A_31 = %parallel_loop3A_9 to %parallel_loop3A_10 step %parallel_loop3A_11  : i32 {
      %parallel_loop3A_32 = arith.constant 1 : i32
      %parallel_loop3A_33 = arith.index_cast %parallel_loop3A_32 : i32 to index
      %parallel_loop3A_34 = arith.index_cast %parallel_loop3A_31 : i32 to index
      %parallel_loop3A_35 = arith.constant 16 : index
      %parallel_loop3A_36 = tpu.vector_load %arg8[%parallel_loop3A_33, %parallel_loop3A_34, %parallel_loop3A_35] {strides = array<i32>} : memref<3x40x128xf32, #tpu.memory_space<vmem>>, vector<1x1x16xf32>,
      %parallel_loop3A_37 = vector.shape_cast %parallel_loop3A_36 : vector<1x1x16xf32> to vector<16xf32>
      %parallel_loop3A_38 = vector.shape_cast %select_n3A : vector<16xf32> to vector<1x1x16xf32>
      tpu.vector_store %arg8[%parallel_loop3A_33, %parallel_loop3A_34, %parallel_loop3A_35], %parallel_loop3A_38 {strides = array<i32>} : memref<3x40x128xf32, #tpu.memory_space<vmem>>, vector<1x1x16xf32>,
      %parallel_loop3A_39 = arith.constant 1 : i32
      %parallel_loop3A_40 = arith.index_cast %parallel_loop3A_39 : i32 to index
      %parallel_loop3A_41 = arith.index_cast %parallel_loop3A_31 : i32 to index
      %parallel_loop3A_42 = arith.constant 32 : index
      %parallel_loop3A_43 = tpu.vector_load %arg8[%parallel_loop3A_40, %parallel_loop3A_41, %parallel_loop3A_42] {strides = array<i32>} : memref<3x40x128xf32, #tpu.memory_space<vmem>>, vector<1x1x16xf32>,
      %parallel_loop3A_44 = vector.shape_cast %parallel_loop3A_43 : vector<1x1x16xf32> to vector<16xf32>
      %parallel_loop3A_45 = vector.shape_cast %broadcast_in_dim3A_6 : vector<16xf32> to vector<1x1x16xf32>
      tpu.vector_store %arg8[%parallel_loop3A_40, %parallel_loop3A_41, %parallel_loop3A_42], %parallel_loop3A_45 {strides = array<i32>} : memref<3x40x128xf32, #tpu.memory_space<vmem>>, vector<1x1x16xf32>,
      %parallel_loop3A_46 = arith.constant 1 : i32
      %parallel_loop3A_47 = arith.index_cast %parallel_loop3A_46 : i32 to index
      %parallel_loop3A_48 = arith.index_cast %parallel_loop3A_31 : i32 to index
      %parallel_loop3A_49 = arith.constant 48 : index
      %parallel_loop3A_50 = tpu.vector_load %arg8[%parallel_loop3A_47, %parallel_loop3A_48, %parallel_loop3A_49] {strides = array<i32>} : memref<3x40x128xf32, #tpu.memory_space<vmem>>, vector<1x1x16xf32>,
      %parallel_loop3A_51 = vector.shape_cast %parallel_loop3A_50 : vector<1x1x16xf32> to vector<16xf32>
      %parallel_loop3A_52 = vector.shape_cast %broadcast_in_dim3A_6 : vector<16xf32> to vector<1x1x16xf32>
      tpu.vector_store %arg8[%parallel_loop3A_47, %parallel_loop3A_48, %parallel_loop3A_49], %parallel_loop3A_52 {strides = array<i32>} : memref<3x40x128xf32, #tpu.memory_space<vmem>>, vector<1x1x16xf32>,
      %parallel_loop3A_53 = arith.constant 1 : i32
      %parallel_loop3A_54 = arith.index_cast %parallel_loop3A_53 : i32 to index
      %parallel_loop3A_55 = arith.index_cast %parallel_loop3A_31 : i32 to index
      %parallel_loop3A_56 = arith.constant 64 : index
      %parallel_loop3A_57 = tpu.vector_load %arg8[%parallel_loop3A_54, %parallel_loop3A_55, %parallel_loop3A_56] {strides = array<i32>} : memref<3x40x128xf32, #tpu.memory_space<vmem>>, vector<1x1x16xf32>,
      %parallel_loop3A_58 = vector.shape_cast %parallel_loop3A_57 : vector<1x1x16xf32> to vector<16xf32>
      %parallel_loop3A_59 = vector.shape_cast %broadcast_in_dim3A_6 : vector<16xf32> to vector<1x1x16xf32>
      tpu.vector_store %arg8[%parallel_loop3A_54, %parallel_loop3A_55, %parallel_loop3A_56], %parallel_loop3A_59 {strides = array<i32>} : memref<3x40x128xf32, #tpu.memory_space<vmem>>, vector<1x1x16xf32>,
      %parallel_loop3A_60 = arith.constant 1 : i32
      %parallel_loop3A_61 = arith.index_cast %parallel_loop3A_60 : i32 to index
      %parallel_loop3A_62 = arith.index_cast %parallel_loop3A_31 : i32 to index
      %parallel_loop3A_63 = arith.constant 80 : index
      %parallel_loop3A_64 = tpu.vector_load %arg8[%parallel_loop3A_61, %parallel_loop3A_62, %parallel_loop3A_63] {strides = array<i32>} : memref<3x40x128xf32, #tpu.memory_space<vmem>>, vector<1x1x16xf32>,
      %parallel_loop3A_65 = vector.shape_cast %parallel_loop3A_64 : vector<1x1x16xf32> to vector<16xf32>
      %parallel_loop3A_66 = vector.shape_cast %broadcast_in_dim3A_6 : vector<16xf32> to vector<1x1x16xf32>
      tpu.vector_store %arg8[%parallel_loop3A_61, %parallel_loop3A_62, %parallel_loop3A_63], %parallel_loop3A_66 {strides = array<i32>} : memref<3x40x128xf32, #tpu.memory_space<vmem>>, vector<1x1x16xf32>,
      %parallel_loop3A_67 = arith.constant 1 : i32
      %parallel_loop3A_68 = arith.index_cast %parallel_loop3A_67 : i32 to index
      %parallel_loop3A_69 = arith.index_cast %parallel_loop3A_31 : i32 to index
      %parallel_loop3A_70 = arith.constant 96 : index
      %parallel_loop3A_71 = tpu.vector_load %arg8[%parallel_loop3A_68, %parallel_loop3A_69, %parallel_loop3A_70] {strides = array<i32>} : memref<3x40x128xf32, #tpu.memory_space<vmem>>, vector<1x1x16xf32>,
      %parallel_loop3A_72 = vector.shape_cast %parallel_loop3A_71 : vector<1x1x16xf32> to vector<16xf32>
      %parallel_loop3A_73 = vector.shape_cast %broadcast_in_dim3A_6 : vector<16xf32> to vector<1x1x16xf32>
      tpu.vector_store %arg8[%parallel_loop3A_68, %parallel_loop3A_69, %parallel_loop3A_70], %parallel_loop3A_73 {strides = array<i32>} : memref<3x40x128xf32, #tpu.memory_space<vmem>>, vector<1x1x16xf32>,
      %parallel_loop3A_74 = arith.constant 1 : i32
      %parallel_loop3A_75 = arith.index_cast %parallel_loop3A_74 : i32 to index
      %parallel_loop3A_76 = arith.index_cast %parallel_loop3A_31 : i32 to index
      %parallel_loop3A_77 = arith.constant 112 : index
      %parallel_loop3A_78 = tpu.vector_load %arg8[%parallel_loop3A_75, %parallel_loop3A_76, %parallel_loop3A_77] {strides = array<i32>} : memref<3x40x128xf32, #tpu.memory_space<vmem>>, vector<1x1x16xf32>,
      %parallel_loop3A_79 = vector.shape_cast %parallel_loop3A_78 : vector<1x1x16xf32> to vector<16xf32>
      %parallel_loop3A_80 = vector.shape_cast %broadcast_in_dim3A_6 : vector<16xf32> to vector<1x1x16xf32>
      tpu.vector_store %arg8[%parallel_loop3A_75, %parallel_loop3A_76, %parallel_loop3A_77], %parallel_loop3A_80 {strides = array<i32>} : memref<3x40x128xf32, #tpu.memory_space<vmem>>, vector<1x1x16xf32>,
    } {sc.loop_unroll_factor = 8 : i64, sc.parallel_access}
    %parallel_loop3A_12 = arith.constant 0 : i32
    %parallel_loop3A_13 = arith.constant 40 : i32
    %parallel_loop3A_14 = arith.constant 1 : i32
    scf.for %parallel_loop3A_31 = %parallel_loop3A_12 to %parallel_loop3A_13 step %parallel_loop3A_14  : i32 {
      %parallel_loop3A_32 = arith.constant 2 : i32
      %parallel_loop3A_33 = arith.index_cast %parallel_loop3A_32 : i32 to index
      %parallel_loop3A_34 = arith.index_cast %parallel_loop3A_31 : i32 to index
      %parallel_loop3A_35 = arith.constant 16 : index
      %parallel_loop3A_36 = tpu.vector_load %arg8[%parallel_loop3A_33, %parallel_loop3A_34, %parallel_loop3A_35] {strides = array<i32>} : memref<3x40x128xf32, #tpu.memory_space<vmem>>, vector<1x1x16xf32>,
      %parallel_loop3A_37 = vector.shape_cast %parallel_loop3A_36 : vector<1x1x16xf32> to vector<16xf32>
      %parallel_loop3A_38 = vector.shape_cast %select_n3A : vector<16xf32> to vector<1x1x16xf32>
      tpu.vector_store %arg8[%parallel_loop3A_33, %parallel_loop3A_34, %parallel_loop3A_35], %parallel_loop3A_38 {strides = array<i32>} : memref<3x40x128xf32, #tpu.memory_space<vmem>>, vector<1x1x16xf32>,
      %parallel_loop3A_39 = arith.constant 2 : i32
      %parallel_loop3A_40 = arith.index_cast %parallel_loop3A_39 : i32 to index
      %parallel_loop3A_41 = arith.index_cast %parallel_loop3A_31 : i32 to index
      %parallel_loop3A_42 = arith.constant 32 : index
      %parallel_loop3A_43 = tpu.vector_load %arg8[%parallel_loop3A_40, %parallel_loop3A_41, %parallel_loop3A_42] {strides = array<i32>} : memref<3x40x128xf32, #tpu.memory_space<vmem>>, vector<1x1x16xf32>,
      %parallel_loop3A_44 = vector.shape_cast %parallel_loop3A_43 : vector<1x1x16xf32> to vector<16xf32>
      %parallel_loop3A_45 = vector.shape_cast %broadcast_in_dim3A_6 : vector<16xf32> to vector<1x1x16xf32>
      tpu.vector_store %arg8[%parallel_loop3A_40, %parallel_loop3A_41, %parallel_loop3A_42], %parallel_loop3A_45 {strides = array<i32>} : memref<3x40x128xf32, #tpu.memory_space<vmem>>, vector<1x1x16xf32>,
      %parallel_loop3A_46 = arith.constant 2 : i32
      %parallel_loop3A_47 = arith.index_cast %parallel_loop3A_46 : i32 to index
      %parallel_loop3A_48 = arith.index_cast %parallel_loop3A_31 : i32 to index
      %parallel_loop3A_49 = arith.constant 48 : index
      %parallel_loop3A_50 = tpu.vector_load %arg8[%parallel_loop3A_47, %parallel_loop3A_48, %parallel_loop3A_49] {strides = array<i32>} : memref<3x40x128xf32, #tpu.memory_space<vmem>>, vector<1x1x16xf32>,
      %parallel_loop3A_51 = vector.shape_cast %parallel_loop3A_50 : vector<1x1x16xf32> to vector<16xf32>
      %parallel_loop3A_52 = vector.shape_cast %broadcast_in_dim3A_6 : vector<16xf32> to vector<1x1x16xf32>
      tpu.vector_store %arg8[%parallel_loop3A_47, %parallel_loop3A_48, %parallel_loop3A_49], %parallel_loop3A_52 {strides = array<i32>} : memref<3x40x128xf32, #tpu.memory_space<vmem>>, vector<1x1x16xf32>,
      %parallel_loop3A_53 = arith.constant 2 : i32
      %parallel_loop3A_54 = arith.index_cast %parallel_loop3A_53 : i32 to index
      %parallel_loop3A_55 = arith.index_cast %parallel_loop3A_31 : i32 to index
      %parallel_loop3A_56 = arith.constant 64 : index
      %parallel_loop3A_57 = tpu.vector_load %arg8[%parallel_loop3A_54, %parallel_loop3A_55, %parallel_loop3A_56] {strides = array<i32>} : memref<3x40x128xf32, #tpu.memory_space<vmem>>, vector<1x1x16xf32>,
      %parallel_loop3A_58 = vector.shape_cast %parallel_loop3A_57 : vector<1x1x16xf32> to vector<16xf32>
      %parallel_loop3A_59 = vector.shape_cast %broadcast_in_dim3A_6 : vector<16xf32> to vector<1x1x16xf32>
      tpu.vector_store %arg8[%parallel_loop3A_54, %parallel_loop3A_55, %parallel_loop3A_56], %parallel_loop3A_59 {strides = array<i32>} : memref<3x40x128xf32, #tpu.memory_space<vmem>>, vector<1x1x16xf32>,
      %parallel_loop3A_60 = arith.constant 2 : i32
      %parallel_loop3A_61 = arith.index_cast %parallel_loop3A_60 : i32 to index
      %parallel_loop3A_62 = arith.index_cast %parallel_loop3A_31 : i32 to index
      %parallel_loop3A_63 = arith.constant 80 : index
      %parallel_loop3A_64 = tpu.vector_load %arg8[%parallel_loop3A_61, %parallel_loop3A_62, %parallel_loop3A_63] {strides = array<i32>} : memref<3x40x128xf32, #tpu.memory_space<vmem>>, vector<1x1x16xf32>,
      %parallel_loop3A_65 = vector.shape_cast %parallel_loop3A_64 : vector<1x1x16xf32> to vector<16xf32>
      %parallel_loop3A_66 = vector.shape_cast %broadcast_in_dim3A_6 : vector<16xf32> to vector<1x1x16xf32>
      tpu.vector_store %arg8[%parallel_loop3A_61, %parallel_loop3A_62, %parallel_loop3A_63], %parallel_loop3A_66 {strides = array<i32>} : memref<3x40x128xf32, #tpu.memory_space<vmem>>, vector<1x1x16xf32>,
      %parallel_loop3A_67 = arith.constant 2 : i32
      %parallel_loop3A_68 = arith.index_cast %parallel_loop3A_67 : i32 to index
      %parallel_loop3A_69 = arith.index_cast %parallel_loop3A_31 : i32 to index
      %parallel_loop3A_70 = arith.constant 96 : index
      %parallel_loop3A_71 = tpu.vector_load %arg8[%parallel_loop3A_68, %parallel_loop3A_69, %parallel_loop3A_70] {strides = array<i32>} : memref<3x40x128xf32, #tpu.memory_space<vmem>>, vector<1x1x16xf32>,
      %parallel_loop3A_72 = vector.shape_cast %parallel_loop3A_71 : vector<1x1x16xf32> to vector<16xf32>
      %parallel_loop3A_73 = vector.shape_cast %broadcast_in_dim3A_6 : vector<16xf32> to vector<1x1x16xf32>
      tpu.vector_store %arg8[%parallel_loop3A_68, %parallel_loop3A_69, %parallel_loop3A_70], %parallel_loop3A_73 {strides = array<i32>} : memref<3x40x128xf32, #tpu.memory_space<vmem>>, vector<1x1x16xf32>,
      %parallel_loop3A_74 = arith.constant 2 : i32
      %parallel_loop3A_75 = arith.index_cast %parallel_loop3A_74 : i32 to index
      %parallel_loop3A_76 = arith.index_cast %parallel_loop3A_31 : i32 to index
      %parallel_loop3A_77 = arith.constant 112 : index
      %parallel_loop3A_78 = tpu.vector_load %arg8[%parallel_loop3A_75, %parallel_loop3A_76, %parallel_loop3A_77] {strides = array<i32>} : memref<3x40x128xf32, #tpu.memory_space<vmem>>, vector<1x1x16xf32>,
      %parallel_loop3A_79 = vector.shape_cast %parallel_loop3A_78 : vector<1x1x16xf32> to vector<16xf32>
      %parallel_loop3A_80 = vector.shape_cast %broadcast_in_dim3A_6 : vector<16xf32> to vector<1x1x16xf32>
      tpu.vector_store %arg8[%parallel_loop3A_75, %parallel_loop3A_76, %parallel_loop3A_77], %parallel_loop3A_80 {strides = array<i32>} : memref<3x40x128xf32, #tpu.memory_space<vmem>>, vector<1x1x16xf32>,
    } {sc.loop_unroll_factor = 8 : i64, sc.parallel_access}
    %lt3A = arith.constant 10 : i32
    %lt3A_15 = arith.cmpi slt, %arg1, %lt3A : i32
    %convert_element_type3A = arith.extui %lt3A_15 : i1 to i32
    %cond3A = arith.constant 0 : i32
    %cond3A_16 = arith.cmpi ne, %convert_element_type3A, %cond3A : i32
    scf.if %cond3A_16 {
      %mul3A_31 = arith.constant 1000 : i32
      %mul3A_32 = arith.muli %arg1, %mul3A_31 : i32
      %mul3A_33 = arith.constant 1000 : i32
      %mul3A_34 = arith.muli %arg1, %mul3A_33 : i32
      "tpu.region"() ({
        %run_scoped3A = tpu.sem_alloc : memref<!tpu.dma_semaphore, #tpu.memory_space<semaphore_mem>>
        %dma_start3A = arith.constant 0 : i32
        %dma_start3A_35 = tpu.memref_slice %arg9[%mul3A_34, %dma_start3A] : memref<10000x128xf32, #tpu.memory_space<vmem_shared>> -> memref<1000x128xf32, #tpu.memory_space<vmem_shared>>
        %dma_start3A_36 = arith.constant 0 : i32
        %dma_start3A_37 = tpu.memref_slice %arg4[%mul3A_32, %dma_start3A_36] : memref<10000x128xf32, #tpu.memory_space<hbm>> -> memref<1000x128xf32, #tpu.memory_space<hbm>>
        tpu.enqueue_dma source(%dma_start3A_37 : memref<1000x128xf32, #tpu.memory_space<hbm>>) target(%dma_start3A_35 : memref<1000x128xf32, #tpu.memory_space<vmem_shared>>) target_semaphore(%run_scoped3A : memref<!tpu.dma_semaphore, #tpu.memory_space<semaphore_mem>>)
        %dma_wait3A = arith.constant 0 : i32
        %dma_wait3A_38 = tpu.memref_slice %arg9[%mul3A_34, %dma_wait3A] : memref<10000x128xf32, #tpu.memory_space<vmem_shared>> -> memref<1000x128xf32, #tpu.memory_space<vmem_shared>>
        %dma_wait3A_39 = arith.constant 0 : i32
        %dma_wait3A_40 = tpu.memref_slice %arg4[%mul3A_32, %dma_wait3A_39] : memref<10000x128xf32, #tpu.memory_space<hbm>> -> memref<1000x128xf32, #tpu.memory_space<hbm>>
        tpu.wait_dma2 semaphore(%run_scoped3A : memref<!tpu.dma_semaphore, #tpu.memory_space<semaphore_mem>>) src(%dma_wait3A_40 : memref<1000x128xf32, #tpu.memory_space<hbm>>) dst(%dma_wait3A_38 : memref<1000x128xf32, #tpu.memory_space<vmem_shared>>)
        tpu.yield
      }) : () -> ()
    } else {
    }
    %barrier3A = arith.constant 0 : index
    tpu.barrier barrier_id(%barrier3A)
    %mul3A_17 = arith.constant 10000 : i32
    %mul3A_18 = arith.muli %add3A, %mul3A_17 : i32
    %scan3A = arith.constant 0 : i32
    %scan3A_19 = arith.constant 0 : i32
    %scan3A_20 = arith.constant 10 : i32
    %scan3A_21 = arith.addi %scan3A_19, %scan3A_20 : i32
    %scan3A_22 = arith.constant 1 : i32
    %scan3A_23 = scf.for %scan3A_31 = %scan3A_19 to %scan3A_21 step %scan3A_22 iter_args(%scan3A_32 = %scan3A) -> (i32)  : i32 {
      "tpu.region"() ({
        %run_scoped3A = tpu.sem_alloc : memref<!tpu.dma_semaphore, #tpu.memory_space<semaphore_mem>>
        %dma_start3A_88 = arith.constant 0 : i32
        %dma_start3A_89 = arith.constant 0 : i32
        %dma_start3A_90 = tpu.memref_slice %arg2[%add3A, %scan3A_31, %dma_start3A_88, %dma_start3A_89] : memref<32x10x25x40xi32, #tpu.memory_space<hbm>> -> memref<1x1x25x40xi32, #tpu.memory_space<hbm>>
        %dma_start3A_91 = tpu.memref_squeeze %dma_start3A_90 : memref<1x1x25x40xi32, #tpu.memory_space<hbm>> -> memref<25x40xi32, #tpu.memory_space<hbm>>
        %dma_start3A_92 = arith.constant 0 : i32
        %dma_start3A_93 = arith.constant 0 : i32
        %dma_start3A_94 = tpu.memref_slice %arg2[%add3A, %scan3A_31, %dma_start3A_92, %dma_start3A_93] : memref<32x10x25x40xi32, #tpu.memory_space<hbm>> -> memref<1x1x25x40xi32, #tpu.memory_space<hbm>>
        %dma_start3A_95 = tpu.memref_squeeze %dma_start3A_94 : memref<1x1x25x40xi32, #tpu.memory_space<hbm>> -> memref<25x40xi32, #tpu.memory_space<hbm>>
        tpu.enqueue_dma source(%dma_start3A_95 : memref<25x40xi32, #tpu.memory_space<hbm>>) target(%arg6 : memref<25x40xi32, #tpu.memory_space<vmem>>) target_semaphore(%run_scoped3A : memref<!tpu.dma_semaphore, #tpu.memory_space<semaphore_mem>>)
        %dma_wait3A_96 = arith.constant 0 : i32
        %dma_wait3A_97 = arith.constant 0 : i32
        %dma_wait3A_98 = tpu.memref_slice %arg2[%add3A, %scan3A_31, %dma_wait3A_96, %dma_wait3A_97] : memref<32x10x25x40xi32, #tpu.memory_space<hbm>> -> memref<1x1x25x40xi32, #tpu.memory_space<hbm>>
        %dma_wait3A_99 = tpu.memref_squeeze %dma_wait3A_98 : memref<1x1x25x40xi32, #tpu.memory_space<hbm>> -> memref<25x40xi32, #tpu.memory_space<hbm>>
        %dma_wait3A_100 = arith.constant 0 : i32
        %dma_wait3A_101 = arith.constant 0 : i32
        %dma_wait3A_102 = tpu.memref_slice %arg2[%add3A, %scan3A_31, %dma_wait3A_100, %dma_wait3A_101] : memref<32x10x25x40xi32, #tpu.memory_space<hbm>> -> memref<1x1x25x40xi32, #tpu.memory_space<hbm>>
        %dma_wait3A_103 = tpu.memref_squeeze %dma_wait3A_102 : memref<1x1x25x40xi32, #tpu.memory_space<hbm>> -> memref<25x40xi32, #tpu.memory_space<hbm>>
        tpu.wait_dma2 semaphore(%run_scoped3A : memref<!tpu.dma_semaphore, #tpu.memory_space<semaphore_mem>>) src(%dma_wait3A_103 : memref<25x40xi32, #tpu.memory_space<hbm>>) dst(%arg6 : memref<25x40xi32, #tpu.memory_space<vmem>>)
        tpu.yield
      }) : () -> ()
      %mul3A_33 = arith.constant 25 : i32
      %mul3A_34 = arith.muli %scan3A_31, %mul3A_33 : i32
      %mul3A_35 = arith.constant 40 : i32
      %mul3A_36 = arith.muli %mul3A_34, %mul3A_35 : i32
      %add3A_37 = arith.addi %mul3A_18, %mul3A_36 : i32
      %dma_start3A = arith.constant 0 : i32
      %dma_start3A_38 = arith.constant 0 : i32
      %dma_start3A_39 = arith.constant 0 : i32
      %dma_start3A_40 = tpu.memref_slice %arg7[%dma_start3A, %dma_start3A_38, %dma_start3A_39] : memref<2x40x16xf32, #tpu.memory_space<vmem>> -> memref<1x40x16xf32, #tpu.memory_space<vmem>>
      %dma_start3A_41 = tpu.memref_squeeze %dma_start3A_40 : memref<1x40x16xf32, #tpu.memory_space<vmem>> -> memref<40x16xf32, #tpu.memory_space<vmem>>
      %dma_start3A_42 = arith.constant 0 : i32
      %dma_start3A_43 = tpu.memref_slice %arg3[%add3A_37, %dma_start3A_42] : memref<320000x16xf32, #tpu.memory_space<hbm>> -> memref<40x16xf32, #tpu.memory_space<hbm>>
      %dma_start3A_44 = arith.constant 0 : i32
      %dma_start3A_45 = arith.constant 0 : i32
      %dma_start3A_46 = tpu.memref_slice %arg7[%dma_start3A, %dma_start3A_44, %dma_start3A_45] : memref<2x40x16xf32, #tpu.memory_space<vmem>> -> memref<1x40x16xf32, #tpu.memory_space<vmem>>
      %dma_start3A_47 = tpu.memref_squeeze %dma_start3A_46 : memref<1x40x16xf32, #tpu.memory_space<vmem>> -> memref<40x16xf32, #tpu.memory_space<vmem>>
      %dma_start3A_48 = arith.constant 0 : i32
      %dma_start3A_49 = tpu.memref_slice %arg3[%add3A_37, %dma_start3A_48] : memref<320000x16xf32, #tpu.memory_space<hbm>> -> memref<40x16xf32, #tpu.memory_space<hbm>>
      tpu.enqueue_dma source(%dma_start3A_49 : memref<40x16xf32, #tpu.memory_space<hbm>>) target(%dma_start3A_47 : memref<40x16xf32, #tpu.memory_space<vmem>>) target_semaphore(%arg10 : memref<!tpu.dma_semaphore, #tpu.memory_space<semaphore_mem>>)
      %add3A_50 = arith.constant 40 : i32
      %add3A_51 = arith.addi %add3A_37, %add3A_50 : i32
      %dma_start3A_52 = arith.constant 1 : i32
      %dma_start3A_53 = arith.constant 0 : i32
      %dma_start3A_54 = arith.constant 0 : i32
      %dma_start3A_55 = tpu.memref_slice %arg7[%dma_start3A_52, %dma_start3A_53, %dma_start3A_54] : memref<2x40x16xf32, #tpu.memory_space<vmem>> -> memref<1x40x16xf32, #tpu.memory_space<vmem>>
      %dma_start3A_56 = tpu.memref_squeeze %dma_start3A_55 : memref<1x40x16xf32, #tpu.memory_space<vmem>> -> memref<40x16xf32, #tpu.memory_space<vmem>>
      %dma_start3A_57 = arith.constant 0 : i32
      %dma_start3A_58 = tpu.memref_slice %arg3[%add3A_51, %dma_start3A_57] : memref<320000x16xf32, #tpu.memory_space<hbm>> -> memref<40x16xf32, #tpu.memory_space<hbm>>
      %dma_start3A_59 = arith.constant 0 : i32
      %dma_start3A_60 = arith.constant 0 : i32
      %dma_start3A_61 = tpu.memref_slice %arg7[%dma_start3A_52, %dma_start3A_59, %dma_start3A_60] : memref<2x40x16xf32, #tpu.memory_space<vmem>> -> memref<1x40x16xf32, #tpu.memory_space<vmem>>
      %dma_start3A_62 = tpu.memref_squeeze %dma_start3A_61 : memref<1x40x16xf32, #tpu.memory_space<vmem>> -> memref<40x16xf32, #tpu.memory_space<vmem>>
      %dma_start3A_63 = arith.constant 0 : i32
      %dma_start3A_64 = tpu.memref_slice %arg3[%add3A_51, %dma_start3A_63] : memref<320000x16xf32, #tpu.memory_space<hbm>> -> memref<40x16xf32, #tpu.memory_space<hbm>>
      tpu.enqueue_dma source(%dma_start3A_64 : memref<40x16xf32, #tpu.memory_space<hbm>>) target(%dma_start3A_62 : memref<40x16xf32, #tpu.memory_space<vmem>>) target_semaphore(%arg10 : memref<!tpu.dma_semaphore, #tpu.memory_space<semaphore_mem>>)
      %scan3A_65 = arith.constant 0 : i32
      %scan3A_66 = arith.constant 0 : i32
      %scan3A_67 = arith.constant 0 : i32
      %scan3A_68 = arith.constant 25 : i32
      %scan3A_69 = arith.addi %scan3A_67, %scan3A_68 : i32
      %scan3A_70 = arith.constant 1 : i32
      %scan3A_71:2 = scf.for %scan3A_88 = %scan3A_67 to %scan3A_69 step %scan3A_70 iter_args(%scan3A_89 = %scan3A_65, %scan3A_90 = %scan3A_66) -> (i32, i32)  : i32 {
        %dma_wait3A_91 = arith.constant 0 : i32
        %dma_wait3A_92 = arith.constant 0 : i32
        %dma_wait3A_93 = arith.constant 0 : i32
        %dma_wait3A_94 = tpu.memref_slice %arg7[%dma_wait3A_91, %dma_wait3A_92, %dma_wait3A_93] : memref<2x40x16xf32, #tpu.memory_space<vmem>> -> memref<1x40x16xf32, #tpu.memory_space<vmem>>
        %dma_wait3A_95 = tpu.memref_squeeze %dma_wait3A_94 : memref<1x40x16xf32, #tpu.memory_space<vmem>> -> memref<40x16xf32, #tpu.memory_space<vmem>>
        %dma_wait3A_96 = arith.constant 0 : i32
        %dma_wait3A_97 = arith.constant 0 : i32
        %dma_wait3A_98 = tpu.memref_slice %arg3[%dma_wait3A_96, %dma_wait3A_97] : memref<320000x16xf32, #tpu.memory_space<hbm>> -> memref<40x16xf32, #tpu.memory_space<hbm>>
        %dma_wait3A_99 = arith.constant 0 : i32
        %dma_wait3A_100 = arith.constant 0 : i32
        %dma_wait3A_101 = tpu.memref_slice %arg7[%dma_wait3A_91, %dma_wait3A_99, %dma_wait3A_100] : memref<2x40x16xf32, #tpu.memory_space<vmem>> -> memref<1x40x16xf32, #tpu.memory_space<vmem>>
        %dma_wait3A_102 = tpu.memref_squeeze %dma_wait3A_101 : memref<1x40x16xf32, #tpu.memory_space<vmem>> -> memref<40x16xf32, #tpu.memory_space<vmem>>
        %dma_wait3A_103 = arith.constant 0 : i32
        %dma_wait3A_104 = arith.constant 0 : i32
        %dma_wait3A_105 = tpu.memref_slice %arg3[%dma_wait3A_103, %dma_wait3A_104] : memref<320000x16xf32, #tpu.memory_space<hbm>> -> memref<40x16xf32, #tpu.memory_space<hbm>>
        tpu.wait_dma2 semaphore(%arg10 : memref<!tpu.dma_semaphore, #tpu.memory_space<semaphore_mem>>) src(%dma_wait3A_105 : memref<40x16xf32, #tpu.memory_space<hbm>>) dst(%dma_wait3A_102 : memref<40x16xf32, #tpu.memory_space<vmem>>)
        %parallel_loop3A_106 = arith.constant 0 : i32
        %parallel_loop3A_107 = arith.constant 40 : i32
        %parallel_loop3A_108 = arith.constant 1 : i32
        scf.for %parallel_loop3A_137 = %parallel_loop3A_106 to %parallel_loop3A_107 step %parallel_loop3A_108  : i32 {
          %parallel_loop3A_138 = arith.index_cast %scan3A_90 : i32 to index
          %parallel_loop3A_139 = arith.index_cast %parallel_loop3A_137 : i32 to index
          %parallel_loop3A_140 = arith.constant 0 : index
          %parallel_loop3A_141 = tpu.vector_load %arg7[%parallel_loop3A_138, %parallel_loop3A_139, %parallel_loop3A_140] {strides = array<i32>} : memref<2x40x16xf32, #tpu.memory_space<vmem>>, vector<1x1x16xf32>,
          %parallel_loop3A_142 = vector.shape_cast %parallel_loop3A_141 : vector<1x1x16xf32> to vector<16xf32>
          %parallel_loop3A_143 = arith.index_cast %scan3A_89 : i32 to index
          %parallel_loop3A_144 = arith.index_cast %parallel_loop3A_137 : i32 to index
          %parallel_loop3A_145 = arith.constant 0 : index
          %parallel_loop3A_146 = tpu.vector_load %arg8[%parallel_loop3A_143, %parallel_loop3A_144, %parallel_loop3A_145] {strides = array<i32>} : memref<3x40x128xf32, #tpu.memory_space<vmem>>, vector<1x1x16xf32>,
          %parallel_loop3A_147 = vector.shape_cast %parallel_loop3A_146 : vector<1x1x16xf32> to vector<16xf32>
          %parallel_loop3A_148 = vector.shape_cast %parallel_loop3A_142 : vector<16xf32> to vector<1x1x16xf32>
          tpu.vector_store %arg8[%parallel_loop3A_143, %parallel_loop3A_144, %parallel_loop3A_145], %parallel_loop3A_148 {strides = array<i32>} : memref<3x40x128xf32, #tpu.memory_space<vmem>>, vector<1x1x16xf32>,
        } {sc.loop_unroll_factor = 8 : i64, sc.parallel_access}
        %ge3A = arith.constant 1 : i32
        %ge3A_109 = arith.cmpi sge, %scan3A_88, %ge3A : i32
        %convert_element_type3A_110 = arith.extui %ge3A_109 : i1 to i32
        %cond3A_111 = arith.constant 0 : i32
        %cond3A_112 = arith.cmpi ne, %convert_element_type3A_110, %cond3A_111 : i32
        scf.if %cond3A_112 {
          %dma_wait3A_137 = arith.constant 0 : i32
          %dma_wait3A_138 = arith.constant 0 : i32
          %dma_wait3A_139 = arith.constant 0 : i32
          %dma_wait3A_140 = tpu.memref_slice %arg8[%dma_wait3A_137, %dma_wait3A_138, %dma_wait3A_139] : memref<3x40x128xf32, #tpu.memory_space<vmem>> -> memref<1x40x128xf32, #tpu.memory_space<vmem>>
          %dma_wait3A_141 = tpu.memref_squeeze %dma_wait3A_140 : memref<1x40x128xf32, #tpu.memory_space<vmem>> -> memref<40x128xf32, #tpu.memory_space<vmem>>
          %dma_wait3A_142 = arith.constant 0 : i32
          %dma_wait3A_143 = arith.constant 0 : i32
          %dma_wait3A_144 = tpu.memref_slice %arg4[%dma_wait3A_142, %dma_wait3A_143] : memref<10000x128xf32, #tpu.memory_space<hbm>> -> memref<40x128xf32, #tpu.memory_space<hbm>>
          %dma_wait3A_145 = arith.constant 0 : i32
          %dma_wait3A_146 = arith.constant 0 : i32
          %dma_wait3A_147 = tpu.memref_slice %arg8[%dma_wait3A_137, %dma_wait3A_145, %dma_wait3A_146] : memref<3x40x128xf32, #tpu.memory_space<vmem>> -> memref<1x40x128xf32, #tpu.memory_space<vmem>>
          %dma_wait3A_148 = tpu.memref_squeeze %dma_wait3A_147 : memref<1x40x128xf32, #tpu.memory_space<vmem>> -> memref<40x128xf32, #tpu.memory_space<vmem>>
          %dma_wait3A_149 = arith.constant 0 : i32
          %dma_wait3A_150 = arith.constant 0 : i32
          %dma_wait3A_151 = tpu.memref_slice %arg4[%dma_wait3A_149, %dma_wait3A_150] : memref<10000x128xf32, #tpu.memory_space<hbm>> -> memref<40x128xf32, #tpu.memory_space<hbm>>
          tpu.wait_dma2 semaphore(%arg11 : memref<!tpu.dma_semaphore, #tpu.memory_space<semaphore_mem>>) src(%dma_wait3A_151 : memref<40x128xf32, #tpu.memory_space<hbm>>) dst(%dma_wait3A_148 : memref<40x128xf32, #tpu.memory_space<vmem>>)
        } else {
        }
        %dma_start3A_113 = arith.constant 0 : i32
        %dma_start3A_114 = arith.constant 0 : i32
        %dma_start3A_115 = tpu.memref_slice %arg8[%scan3A_89, %dma_start3A_113, %dma_start3A_114] : memref<3x40x128xf32, #tpu.memory_space<vmem>> -> memref<1x40x128xf32, #tpu.memory_space<vmem>>
        %dma_start3A_116 = tpu.memref_squeeze %dma_start3A_115 : memref<1x40x128xf32, #tpu.memory_space<vmem>> -> memref<40x128xf32, #tpu.memory_space<vmem>>
        %dma_start3A_117 = arith.constant 0 : i32
        %dma_start3A_118 = tpu.memref_slice %arg6[%scan3A_88, %dma_start3A_117] : memref<25x40xi32, #tpu.memory_space<vmem>> -> memref<1x40xi32, #tpu.memory_space<vmem>>
        %dma_start3A_119 = tpu.memref_squeeze %dma_start3A_118 : memref<1x40xi32, #tpu.memory_space<vmem>> -> memref<40xi32, #tpu.memory_space<vmem>>
        %dma_start3A_120 = arith.constant 0 : i32
        %dma_start3A_121 = arith.constant 0 : i32
        %dma_start3A_122 = tpu.memref_slice %arg9[%dma_start3A_120, %dma_start3A_121] : memref<10000x128xf32, #tpu.memory_space<vmem_shared>> -> memref<10000x128xf32, #tpu.memory_space<vmem_shared>>
        tpu.enqueue_indirect_dma source(%dma_start3A_116 : memref<40x128xf32, #tpu.memory_space<vmem>>) target(%dma_start3A_122 : memref<10000x128xf32, #tpu.memory_space<vmem_shared>>) offsets(%dma_start3A_119 : memref<40xi32, #tpu.memory_space<vmem>>) semaphore(%arg11 : memref<!tpu.dma_semaphore, #tpu.memory_space<semaphore_mem>>) {add = true}
        %add3A_123 = arith.constant 2 : i32
        %add3A_124 = arith.addi %scan3A_88, %add3A_123 : i32
        %lt3A_125 = arith.constant 25 : i32
        %lt3A_126 = arith.cmpi slt, %add3A_124, %lt3A_125 : i32
        %convert_element_type3A_127 = arith.extui %lt3A_126 : i1 to i32
        %cond3A_128 = arith.constant 0 : i32
        %cond3A_129 = arith.cmpi ne, %convert_element_type3A_127, %cond3A_128 : i32
        scf.if %cond3A_129 {
          %add3A_137 = arith.constant 2 : i32
          %add3A_138 = arith.addi %scan3A_88, %add3A_137 : i32
          %mul3A_139 = arith.constant 40 : i32
          %mul3A_140 = arith.muli %add3A_138, %mul3A_139 : i32
          %add3A_141 = arith.addi %add3A_37, %mul3A_140 : i32
          %dma_start3A_142 = arith.constant 0 : i32
          %dma_start3A_143 = arith.constant 0 : i32
          %dma_start3A_144 = tpu.memref_slice %arg7[%scan3A_90, %dma_start3A_142, %dma_start3A_143] : memref<2x40x16xf32, #tpu.memory_space<vmem>> -> memref<1x40x16xf32, #tpu.memory_space<vmem>>
          %dma_start3A_145 = tpu.memref_squeeze %dma_start3A_144 : memref<1x40x16xf32, #tpu.memory_space<vmem>> -> memref<40x16xf32, #tpu.memory_space<vmem>>
          %dma_start3A_146 = arith.constant 0 : i32
          %dma_start3A_147 = tpu.memref_slice %arg3[%add3A_141, %dma_start3A_146] : memref<320000x16xf32, #tpu.memory_space<hbm>> -> memref<40x16xf32, #tpu.memory_space<hbm>>
          %dma_start3A_148 = arith.constant 0 : i32
          %dma_start3A_149 = arith.constant 0 : i32
          %dma_start3A_150 = tpu.memref_slice %arg7[%scan3A_90, %dma_start3A_148, %dma_start3A_149] : memref<2x40x16xf32, #tpu.memory_space<vmem>> -> memref<1x40x16xf32, #tpu.memory_space<vmem>>
          %dma_start3A_151 = tpu.memref_squeeze %dma_start3A_150 : memref<1x40x16xf32, #tpu.memory_space<vmem>> -> memref<40x16xf32, #tpu.memory_space<vmem>>
          %dma_start3A_152 = arith.constant 0 : i32
          %dma_start3A_153 = tpu.memref_slice %arg3[%add3A_141, %dma_start3A_152] : memref<320000x16xf32, #tpu.memory_space<hbm>> -> memref<40x16xf32, #tpu.memory_space<hbm>>
          tpu.enqueue_dma source(%dma_start3A_153 : memref<40x16xf32, #tpu.memory_space<hbm>>) target(%dma_start3A_151 : memref<40x16xf32, #tpu.memory_space<vmem>>) target_semaphore(%arg10 : memref<!tpu.dma_semaphore, #tpu.memory_space<semaphore_mem>>)
        } else {
        }
        %eq3A_130 = arith.constant 2 : i32
        %eq3A_131 = arith.cmpi eq, %scan3A_89, %eq3A_130 : i32
        %add3A_132 = arith.constant 1 : i32
        %add3A_133 = arith.addi %scan3A_89, %add3A_132 : i32
        %jit3A_134 = arith.constant 0 : i32
        %select_n3A_135 = arith.select %eq3A_131, %jit3A_134, %add3A_133 : i32
        %sub3A = arith.constant 1 : i32
        %sub3A_136 = arith.subi %sub3A, %scan3A_90 : i32
        scf.yield %select_n3A_135, %sub3A_136 : i32, i32
      }
      %scan3A_72 = arith.constant 25 : i32
      %dma_wait3A = arith.constant 0 : i32
      %dma_wait3A_73 = arith.constant 0 : i32
      %dma_wait3A_74 = arith.constant 0 : i32
      %dma_wait3A_75 = tpu.memref_slice %arg8[%dma_wait3A, %dma_wait3A_73, %dma_wait3A_74] : memref<3x40x128xf32, #tpu.memory_space<vmem>> -> memref<1x40x128xf32, #tpu.memory_space<vmem>>
      %dma_wait3A_76 = tpu.memref_squeeze %dma_wait3A_75 : memref<1x40x128xf32, #tpu.memory_space<vmem>> -> memref<40x128xf32, #tpu.memory_space<vmem>>
      %dma_wait3A_77 = arith.constant 0 : i32
      %dma_wait3A_78 = arith.constant 0 : i32
      %dma_wait3A_79 = tpu.memref_slice %arg4[%dma_wait3A_77, %dma_wait3A_78] : memref<10000x128xf32, #tpu.memory_space<hbm>> -> memref<40x128xf32, #tpu.memory_space<hbm>>
      %dma_wait3A_80 = arith.constant 0 : i32
      %dma_wait3A_81 = arith.constant 0 : i32
      %dma_wait3A_82 = tpu.memref_slice %arg8[%dma_wait3A, %dma_wait3A_80, %dma_wait3A_81] : memref<3x40x128xf32, #tpu.memory_space<vmem>> -> memref<1x40x128xf32, #tpu.memory_space<vmem>>
      %dma_wait3A_83 = tpu.memref_squeeze %dma_wait3A_82 : memref<1x40x128xf32, #tpu.memory_space<vmem>> -> memref<40x128xf32, #tpu.memory_space<vmem>>
      %dma_wait3A_84 = arith.constant 0 : i32
      %dma_wait3A_85 = arith.constant 0 : i32
      %dma_wait3A_86 = tpu.memref_slice %arg4[%dma_wait3A_84, %dma_wait3A_85] : memref<10000x128xf32, #tpu.memory_space<hbm>> -> memref<40x128xf32, #tpu.memory_space<hbm>>
      tpu.wait_dma2 semaphore(%arg11 : memref<!tpu.dma_semaphore, #tpu.memory_space<semaphore_mem>>) src(%dma_wait3A_86 : memref<40x128xf32, #tpu.memory_space<hbm>>) dst(%dma_wait3A_83 : memref<40x128xf32, #tpu.memory_space<vmem>>)
      %scan3A_87 = arith.constant 0 : i32
      scf.yield %scan3A_87 : i32
    }
    %scan3A_24 = arith.constant 10 : i32
    %barrier3A_25 = arith.constant 0 : index
    tpu.barrier barrier_id(%barrier3A_25)
    %lt3A_26 = arith.constant 10 : i32
    %lt3A_27 = arith.cmpi slt, %arg1, %lt3A_26 : i32
    %convert_element_type3A_28 = arith.extui %lt3A_27 : i1 to i32
    %cond3A_29 = arith.constant 0 : i32
    %cond3A_30 = arith.cmpi ne, %convert_element_type3A_28, %cond3A_29 : i32
    scf.if %cond3A_30 {
      %mul3A_31 = arith.constant 1000 : i32
      %mul3A_32 = arith.muli %arg1, %mul3A_31 : i32
      %mul3A_33 = arith.constant 10000 : i32
      %mul3A_34 = arith.muli %arg0, %mul3A_33 : i32
      %mul3A_35 = arith.constant 1000 : i32
      %mul3A_36 = arith.muli %arg1, %mul3A_35 : i32
      %add3A_37 = arith.addi %mul3A_34, %mul3A_36 : i32
      "tpu.region"() ({
        %run_scoped3A = tpu.sem_alloc : memref<!tpu.dma_semaphore, #tpu.memory_space<semaphore_mem>>
        %dma_start3A = arith.constant 0 : i32
        %dma_start3A_38 = tpu.memref_slice %arg5[%add3A_37, %dma_start3A] : memref<20000x128xf32, #tpu.memory_space<hbm>> -> memref<1000x128xf32, #tpu.memory_space<hbm>>
        %dma_start3A_39 = arith.constant 0 : i32
        %dma_start3A_40 = tpu.memref_slice %arg9[%mul3A_32, %dma_start3A_39] : memref<10000x128xf32, #tpu.memory_space<vmem_shared>> -> memref<1000x128xf32, #tpu.memory_space<vmem_shared>>
        tpu.enqueue_dma source(%dma_start3A_40 : memref<1000x128xf32, #tpu.memory_space<vmem_shared>>) target(%dma_start3A_38 : memref<1000x128xf32, #tpu.memory_space<hbm>>) target_semaphore(%run_scoped3A : memref<!tpu.dma_semaphore, #tpu.memory_space<semaphore_mem>>)
        %dma_wait3A = arith.constant 0 : i32
        %dma_wait3A_41 = tpu.memref_slice %arg5[%add3A_37, %dma_wait3A] : memref<20000x128xf32, #tpu.memory_space<hbm>> -> memref<1000x128xf32, #tpu.memory_space<hbm>>
        %dma_wait3A_42 = arith.constant 0 : i32
        %dma_wait3A_43 = tpu.memref_slice %arg9[%mul3A_32, %dma_wait3A_42] : memref<10000x128xf32, #tpu.memory_space<vmem_shared>> -> memref<1000x128xf32, #tpu.memory_space<vmem_shared>>
        tpu.wait_dma2 semaphore(%run_scoped3A : memref<!tpu.dma_semaphore, #tpu.memory_space<semaphore_mem>>) src(%dma_wait3A_43 : memref<1000x128xf32, #tpu.memory_space<vmem_shared>>) dst(%dma_wait3A_41 : memref<1000x128xf32, #tpu.memory_space<hbm>>)
        tpu.yield
      }) : () -> ()
    } else {
    }
    return
  }
}

module attributes {stable_mosaic.version = 14 : i64} {
  func.func @_p4_body(%arg0: i32, %arg1: memref<2000x16xf32, #tpu.memory_space<vmem>>, %arg2: memref<16x128xf32, #tpu.memory_space<vmem>>, %arg3: memref<2000x128xf32, #tpu.memory_space<vmem>>) attributes {dimension_semantics = [#tpu.dimension_semantics<arbitrary>], iteration_bounds = array<i64: 160>, scalar_prefetch = 0 : i64, scratch_operands = 0 : i64, tpu.core_type = #tpu.core_type<tc>, window_params = [{transform_indices = @transform_0, window_bounds = array<i64: 2000, 16>}, {pipeline_mode = #tpu.pipeline_mode<synchronous>, transform_indices = @transform_1, window_bounds = array<i64: 16, 128>}, {transform_indices = @transform_2, window_bounds = array<i64: 2000, 128>}]} {
    %get3A = arith.constant 0 : index
    %get3A_0 = arith.constant 0 : index
    %get3A_1 = vector.load %arg1[%get3A, %get3A_0] : memref<2000x16xf32, #tpu.memory_space<vmem>>, vector<2000x16xf32>
    %get3A_2 = arith.constant 0 : index
    %get3A_3 = arith.constant 0 : index
    %get3A_4 = vector.load %arg2[%get3A_2, %get3A_3] : memref<16x128xf32, #tpu.memory_space<vmem>>, vector<16x128xf32>
    %dot_general3A = arith.constant dense<0.000000e+00> : vector<2000x128xf32>
    %dot_general3A_5 = tpu.matmul %get3A_1, %get3A_4, %dot_general3A {dimension_numbers = #tpu.dot_dimension_numbers<[1], [0], [0], [1], [0, 0, 1, 1], [], []>, transpose_lhs_hint = false} : vector<2000x16xf32>, vector<16x128xf32>, vector<2000x128xf32> -> vector<2000x128xf32>
    %swap3A = arith.constant 0 : index
    %swap3A_6 = arith.constant 0 : index
    %swap3A_7 = vector.load %arg3[%swap3A, %swap3A_6] : memref<2000x128xf32, #tpu.memory_space<vmem>>, vector<2000x128xf32>
    tpu.vector_store %arg3[%swap3A, %swap3A_6], %dot_general3A_5 {strides = array<i32>} : memref<2000x128xf32, #tpu.memory_space<vmem>>, vector<2000x128xf32>,
    return
  }
  func.func @transform_0(%arg0: i32) -> (i32, i32) {
    %c0_i32 = arith.constant 0 : i32
    %c0_i32_0 = arith.constant 0 : i32
    return %arg0, %c0_i32 : i32, i32
  }
  func.func @transform_1(%arg0: i32) -> (i32, i32) {
    %c0_i32 = arith.constant 0 : i32
    %c0_i32_0 = arith.constant 0 : i32
    %c0_i32_1 = arith.constant 0 : i32
    return %c0_i32, %c0_i32_0 : i32, i32
  }
  func.func @transform_2(%arg0: i32) -> (i32, i32) {
    %c0_i32 = arith.constant 0 : i32
    %c0_i32_0 = arith.constant 0 : i32
    return %arg0, %c0_i32 : i32, i32
  }
}

module attributes {stable_mosaic.version = 14 : i64} {
  func.func @_p2_body(%arg0: i32, %arg1: memref<1000x128xf32, #tpu.memory_space<vmem>>, %arg2: memref<1000x128xf32, #tpu.memory_space<vmem>>, %arg3: memref<1000x128xf32, #tpu.memory_space<vmem>>, %arg4: memref<128x128xf32, #tpu.memory_space<vmem>>, %arg5: memref<16x128xf32, #tpu.memory_space<vmem>>, %arg6: memref<1x128xf32, #tpu.memory_space<vmem>>, %arg7: memref<1000x256xf32, #tpu.memory_space<vmem>>, %arg8: memref<1000x128xf32, #tpu.memory_space<vmem>>, %arg9: memref<1000x128xf32, #tpu.memory_space<vmem>>) attributes {dimension_semantics = [#tpu.dimension_semantics<arbitrary>], iteration_bounds = array<i64: 10>, scalar_prefetch = 0 : i64, scratch_operands = 0 : i64, tpu.core_type = #tpu.core_type<tc>, window_params = [{transform_indices = @transform_0, window_bounds = array<i64: 1000, 128>}, {transform_indices = @transform_1, window_bounds = array<i64: 1000, 128>}, {transform_indices = @transform_2, window_bounds = array<i64: 1000, 128>}, {pipeline_mode = #tpu.pipeline_mode<synchronous>, transform_indices = @transform_3, window_bounds = array<i64: 128, 128>}, {pipeline_mode = #tpu.pipeline_mode<synchronous>, transform_indices = @transform_4, window_bounds = array<i64: 16, 128>}, {pipeline_mode = #tpu.pipeline_mode<synchronous>, transform_indices = @transform_5, window_bounds = array<i64: 1, 128>}, {transform_indices = @transform_6, window_bounds = array<i64: 1000, 256>}, {transform_indices = @transform_7, window_bounds = array<i64: 1000, 128>}, {transform_indices = @transform_8, window_bounds = array<i64: 1000, 128>}]} {
    %get3A = arith.constant 0 : index
    %get3A_0 = arith.constant 16 : index
    %get3A_1 = vector.load %arg2[%get3A, %get3A_0] : memref<1000x128xf32, #tpu.memory_space<vmem>>, vector<1000x1xf32>
    %get3A_2 = arith.constant 0 : index
    %get3A_3 = arith.constant 16 : index
    %get3A_4 = vector.load %arg3[%get3A_2, %get3A_3] : memref<1000x128xf32, #tpu.memory_space<vmem>>, vector<1000x1xf32>
    %add3A = arith.addf %get3A_1, %get3A_4 : vector<1000x1xf32>
    %get3A_5 = arith.constant 0 : index
    %get3A_6 = arith.constant 0 : index
    %get3A_7 = vector.load %arg2[%get3A_5, %get3A_6] : memref<1000x128xf32, #tpu.memory_space<vmem>>, vector<1000x16xf32>
    %get3A_8 = arith.constant 0 : index
    %get3A_9 = arith.constant 0 : index
    %get3A_10 = vector.load %arg3[%get3A_8, %get3A_9] : memref<1000x128xf32, #tpu.memory_space<vmem>>, vector<1000x16xf32>
    %add3A_11 = arith.addf %get3A_7, %get3A_10 : vector<1000x16xf32>
    %add3A_12 = arith.constant 1.000000e+00 : f32
    %add3A_13 = vector.broadcast %add3A_12 : f32 to vector<1000x1xf32>
    %add3A_14 = arith.addf %add3A, %add3A_13 : vector<1000x1xf32>
    %rsqrt3A = math.rsqrt %add3A_14 : vector<1000x1xf32>
    %max3A = arith.constant 1.000000e+00 : f32
    %max3A_15 = vector.broadcast %max3A : f32 to vector<1000x1xf32>
    %max3A_16 = arith.maximumf %add3A, %max3A_15 : vector<1000x1xf32>
    %div3A = vector.broadcast %max3A_16 : vector<1000x1xf32> to vector<1000x16xf32>
    %div3A_17 = arith.divf %add3A_11, %div3A : vector<1000x16xf32>
    %get3A_18 = arith.constant 0 : index
    %get3A_19 = arith.constant 0 : index
    %get3A_20 = vector.load %arg1[%get3A_18, %get3A_19] : memref<1000x128xf32, #tpu.memory_space<vmem>>, vector<1000x128xf32>
    %get3A_21 = arith.constant 0 : index
    %get3A_22 = arith.constant 0 : index
    %get3A_23 = vector.load %arg4[%get3A_21, %get3A_22] : memref<128x128xf32, #tpu.memory_space<vmem>>, vector<128x128xf32>
    %dot_general3A = arith.constant dense<0.000000e+00> : vector<1000x128xf32>
    %dot_general3A_24 = tpu.matmul %get3A_20, %get3A_23, %dot_general3A {dimension_numbers = #tpu.dot_dimension_numbers<[1], [0], [0], [1], [0, 0, 1, 1], [], []>, transpose_lhs_hint = false} : vector<1000x128xf32>, vector<128x128xf32>, vector<1000x128xf32> -> vector<1000x128xf32>
    %get3A_25 = arith.constant 0 : index
    %get3A_26 = arith.constant 0 : index
    %get3A_27 = vector.load %arg6[%get3A_25, %get3A_26] : memref<1x128xf32, #tpu.memory_space<vmem>>, vector<1x128xf32>
    %add3A_28 = vector.broadcast %get3A_27 : vector<1x128xf32> to vector<1000x128xf32>
    %add3A_29 = arith.addf %dot_general3A_24, %add3A_28 : vector<1000x128xf32>
    %get3A_30 = arith.constant 0 : index
    %get3A_31 = arith.constant 0 : index
    %get3A_32 = vector.load %arg5[%get3A_30, %get3A_31] : memref<16x128xf32, #tpu.memory_space<vmem>>, vector<16x128xf32>
    %dot_general3A_33 = arith.constant dense<0.000000e+00> : vector<1000x128xf32>
    %dot_general3A_34 = tpu.matmul %div3A_17, %get3A_32, %dot_general3A_33 {dimension_numbers = #tpu.dot_dimension_numbers<[1], [0], [0], [1], [0, 0, 1, 1], [], []>, transpose_lhs_hint = false} : vector<1000x16xf32>, vector<16x128xf32>, vector<1000x128xf32> -> vector<1000x128xf32>
    %add3A_35 = arith.addf %add3A_29, %dot_general3A_34 : vector<1000x128xf32>
    %max3A_36 = arith.constant 0.000000e+00 : f32
    %max3A_37 = vector.broadcast %max3A_36 : f32 to vector<1000x128xf32>
    %max3A_38 = arith.maximumf %add3A_35, %max3A_37 : vector<1000x128xf32>
    %div3A_39 = vector.broadcast %add3A_14 : vector<1000x1xf32> to vector<1000x128xf32>
    %div3A_40 = arith.divf %max3A_38, %div3A_39 : vector<1000x128xf32>
    %broadcast_in_dim3A = vector.shape_cast %rsqrt3A : vector<1000x1xf32> to vector<1000x1xf32>
    %broadcast_in_dim3A_41 = vector.broadcast %broadcast_in_dim3A : vector<1000x1xf32> to vector<1000x128xf32>
    %mul3A = vector.broadcast %rsqrt3A : vector<1000x1xf32> to vector<1000x128xf32>
    %mul3A_42 = arith.mulf %add3A_29, %mul3A : vector<1000x128xf32>
    %concatenate3A = tpu.concatenate %mul3A_42, %broadcast_in_dim3A_41 in 1 : vector<1000x128xf32>, vector<1000x128xf32> -> vector<1000x256xf32>
    %swap3A = arith.constant 0 : index
    %swap3A_43 = arith.constant 0 : index
    %swap3A_44 = vector.load %arg7[%swap3A, %swap3A_43] : memref<1000x256xf32, #tpu.memory_space<vmem>>, vector<1000x256xf32>
    tpu.vector_store %arg7[%swap3A, %swap3A_43], %concatenate3A {strides = array<i32>} : memref<1000x256xf32, #tpu.memory_space<vmem>>, vector<1000x256xf32>,
    %swap3A_45 = arith.constant 0 : index
    %swap3A_46 = arith.constant 0 : index
    %swap3A_47 = vector.load %arg8[%swap3A_45, %swap3A_46] : memref<1000x128xf32, #tpu.memory_space<vmem>>, vector<1000x128xf32>
    tpu.vector_store %arg8[%swap3A_45, %swap3A_46], %div3A_40 {strides = array<i32>} : memref<1000x128xf32, #tpu.memory_space<vmem>>, vector<1000x128xf32>,
    %swap3A_48 = arith.constant 0 : index
    %swap3A_49 = arith.constant 0 : index
    %swap3A_50 = vector.load %arg9[%swap3A_48, %swap3A_49] : memref<1000x128xf32, #tpu.memory_space<vmem>>, vector<1000x128xf32>
    tpu.vector_store %arg9[%swap3A_48, %swap3A_49], %broadcast_in_dim3A_41 {strides = array<i32>} : memref<1000x128xf32, #tpu.memory_space<vmem>>, vector<1000x128xf32>,
    return
  }
  func.func @transform_0(%arg0: i32) -> (i32, i32) {
    %c0_i32 = arith.constant 0 : i32
    %c0_i32_0 = arith.constant 0 : i32
    return %arg0, %c0_i32 : i32, i32
  }
  func.func @transform_1(%arg0: i32) -> (i32, i32) {
    %c0_i32 = arith.constant 0 : i32
    %c0_i32_0 = arith.constant 0 : i32
    return %arg0, %c0_i32 : i32, i32
  }
  func.func @transform_2(%arg0: i32) -> (i32, i32) {
    %add3A = arith.constant 10 : i32
    %add3A_0 = arith.addi %arg0, %add3A : i32
    %c0_i32 = arith.constant 0 : i32
    %c0_i32_1 = arith.constant 0 : i32
    return %add3A_0, %c0_i32 : i32, i32
  }
  func.func @transform_3(%arg0: i32) -> (i32, i32) {
    %c0_i32 = arith.constant 0 : i32
    %c0_i32_0 = arith.constant 0 : i32
    %c0_i32_1 = arith.constant 0 : i32
    return %c0_i32, %c0_i32_0 : i32, i32
  }
  func.func @transform_4(%arg0: i32) -> (i32, i32) {
    %c0_i32 = arith.constant 0 : i32
    %c0_i32_0 = arith.constant 0 : i32
    %c0_i32_1 = arith.constant 0 : i32
    return %c0_i32, %c0_i32_0 : i32, i32
  }
  func.func @transform_5(%arg0: i32) -> (i32, i32) {
    %c0_i32 = arith.constant 0 : i32
    %c0_i32_0 = arith.constant 0 : i32
    %c0_i32_1 = arith.constant 0 : i32
    return %c0_i32, %c0_i32_0 : i32, i32
  }
  func.func @transform_6(%arg0: i32) -> (i32, i32) {
    %c0_i32 = arith.constant 0 : i32
    %c0_i32_0 = arith.constant 0 : i32
    return %arg0, %c0_i32 : i32, i32
  }
  func.func @transform_7(%arg0: i32) -> (i32, i32) {
    %c0_i32 = arith.constant 0 : i32
    %c0_i32_0 = arith.constant 0 : i32
    return %arg0, %c0_i32 : i32, i32
  }
  func.func @transform_8(%arg0: i32) -> (i32, i32) {
    %c0_i32 = arith.constant 0 : i32
    %c0_i32_0 = arith.constant 0 : i32
    return %arg0, %c0_i32 : i32, i32
  }
}

module attributes {stable_mosaic.version = 14 : i64} {
  func.func @_p6_body(%arg0: i32, %arg1: memref<1000x128xf32, #tpu.memory_space<vmem>>, %arg2: memref<1000x128xf32, #tpu.memory_space<vmem>>, %arg3: memref<1000x128xf32, #tpu.memory_space<vmem>>, %arg4: memref<1000x128xf32, #tpu.memory_space<vmem>>, %arg5: memref<1000x128xf32, #tpu.memory_space<vmem>>, %arg6: memref<1000x1xi32, #tpu.memory_space<vmem>>, %arg7: memref<128x256xf32, #tpu.memory_space<vmem>>, %arg8: memref<128x256xf32, #tpu.memory_space<vmem>>, %arg9: memref<1x256xf32, #tpu.memory_space<vmem>>, %arg10: memref<1x256xf32, #tpu.memory_space<vmem>>, %arg11: memref<1x256xf32, #tpu.memory_space<vmem>>, %arg12: memref<256x128xf32, #tpu.memory_space<vmem>>, %arg13: memref<1x128xf32, #tpu.memory_space<vmem>>, %arg14: memref<128x1xf32, #tpu.memory_space<vmem>>, %arg15: memref<1x1xf32, #tpu.memory_space<vmem>>, %arg16: memref<64x1xf32, #tpu.memory_space<vmem>>, %arg17: memref<64x256xf32, #tpu.memory_space<vmem>>, %arg18: memref<64x128xf32, #tpu.memory_space<vmem>>) attributes {dimension_semantics = [#tpu.dimension_semantics<arbitrary>], iteration_bounds = array<i64: 10>, scalar_prefetch = 0 : i64, scratch_operands = 2 : i64, tpu.core_type = #tpu.core_type<tc>, window_params = [{transform_indices = @transform_0, window_bounds = array<i64: 1000, 128>}, {transform_indices = @transform_1, window_bounds = array<i64: 1000, 128>}, {transform_indices = @transform_2, window_bounds = array<i64: 1000, 128>}, {transform_indices = @transform_3, window_bounds = array<i64: 1000, 128>}, {transform_indices = @transform_4, window_bounds = array<i64: 1000, 128>}, {transform_indices = @transform_5, window_bounds = array<i64: 1000, 1>}, {pipeline_mode = #tpu.pipeline_mode<synchronous>, transform_indices = @transform_6, window_bounds = array<i64: 128, 256>}, {pipeline_mode = #tpu.pipeline_mode<synchronous>, transform_indices = @transform_7, window_bounds = array<i64: 128, 256>}, {pipeline_mode = #tpu.pipeline_mode<synchronous>, transform_indices = @transform_8, window_bounds = array<i64: 1, 256>}, {pipeline_mode = #tpu.pipeline_mode<synchronous>, transform_indices = @transform_9, window_bounds = array<i64: 1, 256>}, {pipeline_mode = #tpu.pipeline_mode<synchronous>, transform_indices = @transform_10, window_bounds = array<i64: 1, 256>}, {pipeline_mode = #tpu.pipeline_mode<synchronous>, transform_indices = @transform_11, window_bounds = array<i64: 256, 128>}, {pipeline_mode = #tpu.pipeline_mode<synchronous>, transform_indices = @transform_12, window_bounds = array<i64: 1, 128>}, {pipeline_mode = #tpu.pipeline_mode<synchronous>, transform_indices = @transform_13, window_bounds = array<i64: 128, 1>}, {pipeline_mode = #tpu.pipeline_mode<synchronous>, transform_indices = @transform_14, window_bounds = array<i64: 1, 1>}, {pipeline_mode = #tpu.pipeline_mode<synchronous>, transform_indices = @transform_15, window_bounds = array<i64: 64, 1>}]} {
    %eq3A = arith.constant 0 : i32
    %eq3A_0 = arith.cmpi eq, %arg0, %eq3A : i32
    %convert_element_type3A = arith.extui %eq3A_0 : i1 to i32
    %cond3A = arith.constant 0 : i32
    %cond3A_1 = arith.cmpi ne, %convert_element_type3A, %cond3A : i32
    scf.if %cond3A_1 {
      %broadcast_in_dim3A_65 = arith.constant 0.000000e+00 : f32
      %broadcast_in_dim3A_66 = vector.broadcast %broadcast_in_dim3A_65 : f32 to vector<64x256xf32>
      %swap3A_67 = arith.constant 0 : index
      %swap3A_68 = arith.constant 0 : index
      %swap3A_69 = vector.load %arg17[%swap3A_67, %swap3A_68] : memref<64x256xf32, #tpu.memory_space<vmem>>, vector<64x256xf32>
      tpu.vector_store %arg17[%swap3A_67, %swap3A_68], %broadcast_in_dim3A_66 {strides = array<i32>} : memref<64x256xf32, #tpu.memory_space<vmem>>, vector<64x256xf32>,
      %broadcast_in_dim3A_70 = arith.constant 0.000000e+00 : f32
      %broadcast_in_dim3A_71 = vector.broadcast %broadcast_in_dim3A_70 : f32 to vector<64x128xf32>
      %swap3A_72 = arith.constant 0 : index
      %swap3A_73 = arith.constant 0 : index
      %swap3A_74 = vector.load %arg18[%swap3A_72, %swap3A_73] : memref<64x128xf32, #tpu.memory_space<vmem>>, vector<64x128xf32>
      tpu.vector_store %arg18[%swap3A_72, %swap3A_73], %broadcast_in_dim3A_71 {strides = array<i32>} : memref<64x128xf32, #tpu.memory_space<vmem>>, vector<64x128xf32>,
    } else {
    }
    %get3A = arith.constant 0 : index
    %get3A_2 = arith.constant 0 : index
    %get3A_3 = vector.load %arg2[%get3A, %get3A_2] : memref<1000x128xf32, #tpu.memory_space<vmem>>, vector<1000x128xf32>
    %get3A_4 = arith.constant 0 : index
    %get3A_5 = arith.constant 0 : index
    %get3A_6 = vector.load %arg3[%get3A_4, %get3A_5] : memref<1000x128xf32, #tpu.memory_space<vmem>>, vector<1000x128xf32>
    %add3A = arith.addf %get3A_3, %get3A_6 : vector<1000x128xf32>
    %get3A_7 = arith.constant 0 : index
    %get3A_8 = arith.constant 0 : index
    %get3A_9 = vector.load %arg5[%get3A_7, %get3A_8] : memref<1000x128xf32, #tpu.memory_space<vmem>>, vector<1000x128xf32>
    %mul3A = arith.mulf %add3A, %get3A_9 : vector<1000x128xf32>
    %get3A_10 = arith.constant 0 : index
    %get3A_11 = arith.constant 0 : index
    %get3A_12 = vector.load %arg4[%get3A_10, %get3A_11] : memref<1000x128xf32, #tpu.memory_space<vmem>>, vector<1000x128xf32>
    %add3A_13 = arith.addf %mul3A, %get3A_12 : vector<1000x128xf32>
    %get3A_14 = arith.constant 0 : index
    %get3A_15 = arith.constant 0 : index
    %get3A_16 = vector.load %arg1[%get3A_14, %get3A_15] : memref<1000x128xf32, #tpu.memory_space<vmem>>, vector<1000x128xf32>
    %get3A_17 = arith.constant 0 : index
    %get3A_18 = arith.constant 0 : index
    %get3A_19 = vector.load %arg7[%get3A_17, %get3A_18] : memref<128x256xf32, #tpu.memory_space<vmem>>, vector<128x256xf32>
    %dot_general3A = arith.constant dense<0.000000e+00> : vector<1000x256xf32>
    %dot_general3A_20 = tpu.matmul %get3A_16, %get3A_19, %dot_general3A {dimension_numbers = #tpu.dot_dimension_numbers<[1], [0], [0], [1], [0, 0, 1, 1], [], []>, transpose_lhs_hint = false} : vector<1000x128xf32>, vector<128x256xf32>, vector<1000x256xf32> -> vector<1000x256xf32>
    %get3A_21 = arith.constant 0 : index
    %get3A_22 = arith.constant 0 : index
    %get3A_23 = vector.load %arg8[%get3A_21, %get3A_22] : memref<128x256xf32, #tpu.memory_space<vmem>>, vector<128x256xf32>
    %dot_general3A_24 = arith.constant dense<0.000000e+00> : vector<1000x256xf32>
    %dot_general3A_25 = tpu.matmul %add3A_13, %get3A_23, %dot_general3A_24 {dimension_numbers = #tpu.dot_dimension_numbers<[1], [0], [0], [1], [0, 0, 1, 1], [], []>, transpose_lhs_hint = false} : vector<1000x128xf32>, vector<128x256xf32>, vector<1000x256xf32> -> vector<1000x256xf32>
    %add3A_26 = arith.addf %dot_general3A_20, %dot_general3A_25 : vector<1000x256xf32>
    %get3A_27 = arith.constant 0 : index
    %get3A_28 = arith.constant 0 : index
    %get3A_29 = vector.load %arg9[%get3A_27, %get3A_28] : memref<1x256xf32, #tpu.memory_space<vmem>>, vector<1x256xf32>
    %add3A_30 = vector.broadcast %get3A_29 : vector<1x256xf32> to vector<1000x256xf32>
    %add3A_31 = arith.addf %add3A_26, %add3A_30 : vector<1000x256xf32>
    %max3A = arith.constant 0.000000e+00 : f32
    %max3A_32 = vector.broadcast %max3A : f32 to vector<1000x256xf32>
    %max3A_33 = arith.maximumf %add3A_31, %max3A_32 : vector<1000x256xf32>
    %get3A_34 = arith.constant 0 : index
    %get3A_35 = arith.constant 0 : index
    %get3A_36 = vector.load %arg6[%get3A_34, %get3A_35] : memref<1000x1xi32, #tpu.memory_space<vmem>>, vector<1000x1xi32>
    %iota3A = tpu.iota {dimensions = array<i32: 1>} : vector<1x64xi32>
    %eq3A_37 = vector.broadcast %get3A_36 : vector<1000x1xi32> to vector<1000x64xi32>
    %eq3A_38 = vector.broadcast %iota3A : vector<1x64xi32> to vector<1000x64xi32>
    %eq3A_39 = arith.cmpi eq, %eq3A_37, %eq3A_38 : vector<1000x64xi32>
    %convert_element_type3A_40 = arith.extui %eq3A_39 : vector<1000x64xi1> to vector<1000x64xi32>
    %convert_element_type3A_41 = arith.sitofp %convert_element_type3A_40 : vector<1000x64xi32> to vector<1000x64xf32>
    %get3A_42 = arith.constant 0 : index
    %get3A_43 = arith.constant 0 : index
    %get3A_44 = vector.load %arg17[%get3A_42, %get3A_43] : memref<64x256xf32, #tpu.memory_space<vmem>>, vector<64x256xf32>
    %dot_general3A_45 = arith.constant dense<0.000000e+00> : vector<64x256xf32>
    %dot_general3A_46 = tpu.matmul %convert_element_type3A_41, %max3A_33, %dot_general3A_45 {dimension_numbers = #tpu.dot_dimension_numbers<[0], [0], [1], [1], [0, 1, 1, 1], [], []>, precision = #tpu.contract_precision<fp32>, transpose_lhs_hint = false} : vector<1000x64xf32>, vector<1000x256xf32>, vector<64x256xf32> -> vector<64x256xf32>
    %add3A_47 = arith.addf %get3A_44, %dot_general3A_46 : vector<64x256xf32>
    %swap3A = arith.constant 0 : index
    %swap3A_48 = arith.constant 0 : index
    %swap3A_49 = vector.load %arg17[%swap3A, %swap3A_48] : memref<64x256xf32, #tpu.memory_space<vmem>>, vector<64x256xf32>
    tpu.vector_store %arg17[%swap3A, %swap3A_48], %add3A_47 {strides = array<i32>} : memref<64x256xf32, #tpu.memory_space<vmem>>, vector<64x256xf32>,
    %get3A_50 = arith.constant 0 : index
    %get3A_51 = arith.constant 0 : index
    %get3A_52 = vector.load %arg18[%get3A_50, %get3A_51] : memref<64x128xf32, #tpu.memory_space<vmem>>, vector<64x128xf32>
    %reduce_sum3A = arith.constant dense<0.000000e+00> : vector<64xf32>
    %reduce_sum3A_53 = vector.multi_reduction <add>, %convert_element_type3A_41, %reduce_sum3A [0] : vector<1000x64xf32> to vector<64xf32>
    %broadcast_in_dim3A = vector.shape_cast %reduce_sum3A_53 : vector<64xf32> to vector<64x1xf32>
    %broadcast_in_dim3A_54 = vector.shape_cast %broadcast_in_dim3A : vector<64x1xf32> to vector<64x1xf32>
    %broadcast_in_dim3A_55 = vector.broadcast %broadcast_in_dim3A_54 : vector<64x1xf32> to vector<64x128xf32>
    %add3A_56 = arith.addf %get3A_52, %broadcast_in_dim3A_55 : vector<64x128xf32>
    %swap3A_57 = arith.constant 0 : index
    %swap3A_58 = arith.constant 0 : index
    %swap3A_59 = vector.load %arg18[%swap3A_57, %swap3A_58] : memref<64x128xf32, #tpu.memory_space<vmem>>, vector<64x128xf32>
    tpu.vector_store %arg18[%swap3A_57, %swap3A_58], %add3A_56 {strides = array<i32>} : memref<64x128xf32, #tpu.memory_space<vmem>>, vector<64x128xf32>,
    %eq3A_60 = arith.constant 9 : i32
    %eq3A_61 = arith.cmpi eq, %arg0, %eq3A_60 : i32
    %convert_element_type3A_62 = arith.extui %eq3A_61 : i1 to i32
    %cond3A_63 = arith.constant 0 : i32
    %cond3A_64 = arith.cmpi ne, %convert_element_type3A_62, %cond3A_63 : i32
    scf.if %cond3A_64 {
      %get3A_65 = arith.constant 0 : index
      %get3A_66 = arith.constant 0 : index
      %get3A_67 = vector.load %arg18[%get3A_65, %get3A_66] : memref<64x128xf32, #tpu.memory_space<vmem>>, vector<64x1xf32>
      %max3A_68 = arith.constant 1.000000e+00 : f32
      %max3A_69 = vector.broadcast %max3A_68 : f32 to vector<64x1xf32>
      %max3A_70 = arith.maximumf %get3A_67, %max3A_69 : vector<64x1xf32>
      %get3A_71 = arith.constant 0 : index
      %get3A_72 = arith.constant 0 : index
      %get3A_73 = vector.load %arg17[%get3A_71, %get3A_72] : memref<64x256xf32, #tpu.memory_space<vmem>>, vector<64x256xf32>
      %div3A = vector.broadcast %max3A_70 : vector<64x1xf32> to vector<64x256xf32>
      %div3A_74 = arith.divf %get3A_73, %div3A : vector<64x256xf32>
      %get3A_75 = arith.constant 0 : index
      %get3A_76 = arith.constant 0 : index
      %get3A_77 = vector.load %arg10[%get3A_75, %get3A_76] : memref<1x256xf32, #tpu.memory_space<vmem>>, vector<1x256xf32>
      %sqrt3A = arith.constant 1.000010e+00 : f32
      %sqrt3A_78 = math.sqrt %sqrt3A : f32
      %div3A_79 = vector.broadcast %sqrt3A_78 : f32 to vector<1x256xf32>
      %div3A_80 = arith.divf %get3A_77, %div3A_79 : vector<1x256xf32>
      %mul3A_81 = vector.broadcast %div3A_80 : vector<1x256xf32> to vector<64x256xf32>
      %mul3A_82 = arith.mulf %div3A_74, %mul3A_81 : vector<64x256xf32>
      %get3A_83 = arith.constant 0 : index
      %get3A_84 = arith.constant 0 : index
      %get3A_85 = vector.load %arg11[%get3A_83, %get3A_84] : memref<1x256xf32, #tpu.memory_space<vmem>>, vector<1x256xf32>
      %add3A_86 = vector.broadcast %get3A_85 : vector<1x256xf32> to vector<64x256xf32>
      %add3A_87 = arith.addf %mul3A_82, %add3A_86 : vector<64x256xf32>
      %get3A_88 = arith.constant 0 : index
      %get3A_89 = arith.constant 0 : index
      %get3A_90 = vector.load %arg12[%get3A_88, %get3A_89] : memref<256x128xf32, #tpu.memory_space<vmem>>, vector<256x128xf32>
      %dot_general3A_91 = arith.constant dense<0.000000e+00> : vector<64x128xf32>
      %dot_general3A_92 = tpu.matmul %add3A_87, %get3A_90, %dot_general3A_91 {dimension_numbers = #tpu.dot_dimension_numbers<[1], [0], [0], [1], [0, 0, 1, 1], [], []>, transpose_lhs_hint = false} : vector<64x256xf32>, vector<256x128xf32>, vector<64x128xf32> -> vector<64x128xf32>
      %get3A_93 = arith.constant 0 : index
      %get3A_94 = arith.constant 0 : index
      %get3A_95 = vector.load %arg13[%get3A_93, %get3A_94] : memref<1x128xf32, #tpu.memory_space<vmem>>, vector<1x128xf32>
      %add3A_96 = vector.broadcast %get3A_95 : vector<1x128xf32> to vector<64x128xf32>
      %add3A_97 = arith.addf %dot_general3A_92, %add3A_96 : vector<64x128xf32>
      %max3A_98 = arith.constant 0.000000e+00 : f32
      %max3A_99 = vector.broadcast %max3A_98 : f32 to vector<64x128xf32>
      %max3A_100 = arith.maximumf %add3A_97, %max3A_99 : vector<64x128xf32>
      %get3A_101 = arith.constant 0 : index
      %get3A_102 = arith.constant 0 : index
      %get3A_103 = vector.load %arg14[%get3A_101, %get3A_102] : memref<128x1xf32, #tpu.memory_space<vmem>>, vector<128x1xf32>
      %dot_general3A_104 = arith.constant dense<0.000000e+00> : vector<64x1xf32>
      %dot_general3A_105 = tpu.matmul %max3A_100, %get3A_103, %dot_general3A_104 {dimension_numbers = #tpu.dot_dimension_numbers<[1], [0], [0], [1], [0, 0, 1, 1], [], []>, transpose_lhs_hint = false} : vector<64x128xf32>, vector<128x1xf32>, vector<64x1xf32> -> vector<64x1xf32>
      %get3A_106 = arith.constant 0 : index
      %get3A_107 = arith.constant 0 : index
      %get3A_108 = vector.load %arg15[%get3A_106, %get3A_107] : memref<1x1xf32, #tpu.memory_space<vmem>>, vector<1x1xf32>
      %add3A_109 = vector.broadcast %get3A_108 : vector<1x1xf32> to vector<64x1xf32>
      %add3A_110 = arith.addf %dot_general3A_105, %add3A_109 : vector<64x1xf32>
      %swap3A_111 = arith.constant 0 : index
      %swap3A_112 = arith.constant 0 : index
      %swap3A_113 = vector.load %arg16[%swap3A_111, %swap3A_112] : memref<64x1xf32, #tpu.memory_space<vmem>>, vector<64x1xf32>
      tpu.vector_store %arg16[%swap3A_111, %swap3A_112], %add3A_110 {strides = array<i32>} : memref<64x1xf32, #tpu.memory_space<vmem>>, vector<64x1xf32>,
    } else {
    }
    return
  }
  func.func @transform_0(%arg0: i32) -> (i32, i32) {
    %c0_i32 = arith.constant 0 : i32
    %c0_i32_0 = arith.constant 0 : i32
    return %arg0, %c0_i32 : i32, i32
  }
  func.func @transform_1(%arg0: i32) -> (i32, i32) {
    %c0_i32 = arith.constant 0 : i32
    %c0_i32_0 = arith.constant 0 : i32
    return %arg0, %c0_i32 : i32, i32
  }
  func.func @transform_2(%arg0: i32) -> (i32, i32) {
    %add3A = arith.constant 10 : i32
    %add3A_0 = arith.addi %arg0, %add3A : i32
    %c0_i32 = arith.constant 0 : i32
    %c0_i32_1 = arith.constant 0 : i32
    return %add3A_0, %c0_i32 : i32, i32
  }
  func.func @transform_3(%arg0: i32) -> (i32, i32) {
    %c0_i32 = arith.constant 0 : i32
    %c0_i32_0 = arith.constant 0 : i32
    return %arg0, %c0_i32 : i32, i32
  }
  func.func @transform_4(%arg0: i32) -> (i32, i32) {
    %c0_i32 = arith.constant 0 : i32
    %c0_i32_0 = arith.constant 0 : i32
    return %arg0, %c0_i32 : i32, i32
  }
  func.func @transform_5(%arg0: i32) -> (i32, i32) {
    %c0_i32 = arith.constant 0 : i32
    %c0_i32_0 = arith.constant 0 : i32
    return %arg0, %c0_i32 : i32, i32
  }
  func.func @transform_6(%arg0: i32) -> (i32, i32) {
    %c0_i32 = arith.constant 0 : i32
    %c0_i32_0 = arith.constant 0 : i32
    %c0_i32_1 = arith.constant 0 : i32
    return %c0_i32, %c0_i32_0 : i32, i32
  }
  func.func @transform_7(%arg0: i32) -> (i32, i32) {
    %c0_i32 = arith.constant 0 : i32
    %c0_i32_0 = arith.constant 0 : i32
    %c0_i32_1 = arith.constant 0 : i32
    return %c0_i32, %c0_i32_0 : i32, i32
  }
  func.func @transform_8(%arg0: i32) -> (i32, i32) {
    %c0_i32 = arith.constant 0 : i32
    %c0_i32_0 = arith.constant 0 : i32
    %c0_i32_1 = arith.constant 0 : i32
    return %c0_i32, %c0_i32_0 : i32, i32
  }
  func.func @transform_9(%arg0: i32) -> (i32, i32) {
    %c0_i32 = arith.constant 0 : i32
    %c0_i32_0 = arith.constant 0 : i32
    %c0_i32_1 = arith.constant 0 : i32
    return %c0_i32, %c0_i32_0 : i32, i32
  }
  func.func @transform_10(%arg0: i32) -> (i32, i32) {
    %c0_i32 = arith.constant 0 : i32
    %c0_i32_0 = arith.constant 0 : i32
    %c0_i32_1 = arith.constant 0 : i32
    return %c0_i32, %c0_i32_0 : i32, i32
  }
  func.func @transform_11(%arg0: i32) -> (i32, i32) {
    %c0_i32 = arith.constant 0 : i32
    %c0_i32_0 = arith.constant 0 : i32
    %c0_i32_1 = arith.constant 0 : i32
    return %c0_i32, %c0_i32_0 : i32, i32
  }
  func.func @transform_12(%arg0: i32) -> (i32, i32) {
    %c0_i32 = arith.constant 0 : i32
    %c0_i32_0 = arith.constant 0 : i32
    %c0_i32_1 = arith.constant 0 : i32
    return %c0_i32, %c0_i32_0 : i32, i32
  }
  func.func @transform_13(%arg0: i32) -> (i32, i32) {
    %c0_i32 = arith.constant 0 : i32
    %c0_i32_0 = arith.constant 0 : i32
    %c0_i32_1 = arith.constant 0 : i32
    return %c0_i32, %c0_i32_0 : i32, i32
  }
  func.func @transform_14(%arg0: i32) -> (i32, i32) {
    %c0_i32 = arith.constant 0 : i32
    %c0_i32_0 = arith.constant 0 : i32
    %c0_i32_1 = arith.constant 0 : i32
    return %c0_i32, %c0_i32_0 : i32, i32
  }
  func.func @transform_15(%arg0: i32) -> (i32, i32) {
    %c0_i32 = arith.constant 0 : i32
    %c0_i32_0 = arith.constant 0 : i32
    %c0_i32_1 = arith.constant 0 : i32
    return %c0_i32, %c0_i32_0 : i32, i32
  }
}

</mosaic_0001>

<sc_bundles>
// kernel: kernel.10.cloned.1.call-start
scs
__scs_entry_jumppad:
0x0: {  	(pc) =	sbr.rel $0x88, $3  }
0x1: {  	(tag) =	ssettag $0x0;
	lr =	simm.s32 $0x1  }
0x2: {  	[smem:$0x3F93] =	sst lr;
	_ =	strace $0xD0000000  }
0x3: {  	_ = 	snop  }
0x4: {  	_ = 	snop  }
0x5: {  	_ = 	snop  }
0x6: {  	_ = 	snop  }
0x7: {  	_ = 	snop  }
__scs_overlays_trampoline_lowered:
0x8: {  	[smem:$0x3FA2] =	sst s0  }
0x9: {  	[smem:$0x3FA3] =	sst s1  }
0xa: {  	[smem:$0x3FA4] =	sst s2  }
0xb: {  	[smem:$0x3FA5] =	sst s3  }
0xc: {  	[smem:$0x3FA6] =	sst s4  }
0xd: {  	[smem:$0x3FA7] =	sst s5  }
0xe: {  	[smem:$0x3FA8] =	sst s6  }
0xf: {  	[smem:$0x3FA9] =	sst s7  }
0x10: {  	[smem:$0x3FAA] =	sst s8  }
0x11: {  	[smem:$0x3FAB] =	sst s9;
	s0 =	simm.s32 @!p0 $0x0  }
0x12: {  	s1 =	sld [smem:$0x3F91];
	s0 =	simm.s32 @p0 $0x1  }
0x13: {  	[smem:$0x3FAC] =	sst s0;
	s0 =	simm.s32 @!p1 $0x0  }
0x14: {  	s2 =	sld [smem:$0x3F90];
	s0 =	simm.s32 @p1 $0x1  }
0x15: {  	[smem:$0x3FAD] =	sst s0;
	s0 =	simm.s32 @!p2 $0x0  }
0x16: {  	s3 =	sld [smem:$0x3FDB];
	s0 =	simm.s32 @p2 $0x1  }
0x17: {  	s4 =	simm.s32 $0x1BF5;
	[smem:$0x3FAF] =	sst s0  }
0x18: {  	s0 =	sld [smem:$0x3F92];
	_ =	swait.ge [sflag:s4], $0x0  }
0x19: {  	s7 =	sld [smem:$0x3F93]  }
0x1a: {  	s8 =	sadd.s32 $0xFFFFE003, lr  }
0x1b: {  	s9 =	sadd.s32 $0xFFFFFEF7, lr;
	s5 =	simm.s32 $0xFFFFFFFF;
	p2 =	slt.u32 s8, $0xFFFFF086  }
0x1c: {  	p1 =	slt.u32 s9, $0xF7A;
	s5 =	simm.s32 @!p2 $0x0  }
0x1d: {  	s5 =	simm.s32 @p1 $0x1;
	p0 =	seq.s32 s7, s2  }
0x1e: {  	s7 =	smul.u32 @!p0 $0xF7A, s2;
	p2 =	seq.s32 @!p0 s5, $0x0  }
0x1f: {  	s9 =	smul.u32 $0xF7A, s1;
	s8 =	simm.s32 @!p0 $0x1BF5;
	p2 =	por !p2, p0  }
0x20: {  	[sflag:s8] =	ssyncset.s32 @!p0 $0xFFFFF086;
	s6 =	sadd.s32 @!p0 s3, s7;
	s7 =	simm.s32 @!p0 $0x108  }
0x21: {  	s3 =	sadd.s32 s3, s9;
	s6 =	sadd.s32 @!p0 $0x88, s6;
	s7 =	simm.s32 @p2 $0x1082  }
0x22: {  	[simem:s7], [sflag:s8] =	dma.local @!p0 [hbm:s6], $0xF7A  }
0x23: {  	s9 =	sor.u32 $0xD0000000, s2;
	s6 =	simm.s32 $0x108;
	_ =	swait.ge @!p0 [sflag:s8], $0x0  }
0x24: {  	s3 =	sadd.s32 $0x88, s3;
	s6 =	simm.s32 @!p1 $0x1082;
	[sflag:s4] =	ssyncset.s32 $0xFFFFF086  }
0x25: {  	[simem:s6], [sflag:s4] =	dma.local [hbm:s3], $0xF7A  }
0x26: {  	[smem:$0x3F93] =	sst s1;
	(tag) =	ssettag s2;
	_ =	strace s9  }
0x27: {  	s1 =	sld [smem:$0x3FA3]  }
0x28: {  	s2 =	sld [smem:$0x3FA4]  }
0x29: {  	s4 =	sld [smem:$0x3FA6]  }
0x2a: {  	p0 =	seq.s32 s5, $0x0;
	s5 =	sld [smem:$0x3FA7]  }
0x2b: {  	s6 =	sld [smem:$0x3FA8]  }
0x2c: {  	s7 =	sld [smem:$0x3FA9]  }
0x2d: {  	s3 =	simm.s32 $0x108;
	s8 =	sld [smem:$0x3FAA]  }
0x2e: {  	s3 =	simm.s32 @!p0 $0x1082;
	s9 =	sld [smem:$0x3FAB]  }
0x2f: {  	lr =	sadd.s32 s0, s3;
	s0 =	sld [smem:$0x3FA2]  }
0x30: {  	s3 =	sld [smem:$0x3FA5]  }
0x31: {  	[smem:$0x3FAE] =	sst s10  }
0x32: {  	s10 =	sld [smem:$0x3FAC];
	_ =	sdelay $0x3  }
0x33: {  	p0 =	seq.s32 s10, $0x1;
	s10 =	sld [smem:$0x3FAE];
	_ =	sdelay $0x3  }
0x34: {  	[smem:$0x3FAE] =	sst s10  }
0x35: {  	s10 =	sld [smem:$0x3FAD];
	_ =	sdelay $0x3  }
0x36: {  	p1 =	seq.s32 s10, $0x1;
	s10 =	sld [smem:$0x3FAE];
	_ =	sdelay $0x3  }
0x37: {  	[smem:$0x3FAE] =	sst s10  }
0x38: {  	s10 =	sld [smem:$0x3FAF]  }
0x39: {  	_ = 	snop;
	(pc) =	sbr.ind lr, $3  }
0x3a: {  	_ = 	snop  }
0x3b: {  	_ = 	snop  }
0x3c: {  	p2 =	seq.s32 s10, $0x1;
	s10 =	sld [smem:$0x3FAE]  }
0x3d: {  	_ =	shalt  }
0x3e: {  	_ =	shalt  }
0x3f: {  	_ =	shalt  }
0x40: {  	_ =	shalt  }
0x41: {  	_ =	shalt  }
0x42: {  	_ =	shalt  }
0x43: {  	_ =	shalt  }
0x44: {  	_ =	shalt  }
0x45: {  	_ =	shalt  }
0x46: {  	_ =	shalt  }
0x47: {  	_ =	shalt  }
0x48: {  	_ =	shalt  }
0x49: {  	_ =	shalt  }
0x4a: {  	_ =	shalt  }
0x4b: {  	_ =	shalt  }
0x4c: {  	_ =	shalt  }
0x4d: {  	_ =	shalt  }
0x4e: {  	_ =	shalt  }
0x4f: {  	_ =	shalt  }
0x50: {  	_ =	shalt  }
0x51: {  	_ =	shalt  }
0x52: {  	_ =	shalt  }
0x53: {  	_ =	shalt  }
0x54: {  	_ =	shalt  }
0x55: {  	_ =	shalt  }
0x56: {  	_ =	shalt  }
0x57: {  	_ =	shalt  }
0x58: {  	_ =	shalt  }
0x59: {  	_ =	shalt  }
0x5a: {  	_ =	shalt  }
0x5b: {  	_ =	shalt  }
0x5c: {  	_ =	shalt  }
0x5d: {  	_ =	shalt  }
0x5e: {  	_ =	shalt  }
0x5f: {  	_ =	shalt  }
0x60: {  	_ =	shalt  }
0x61: {  	_ =	shalt  }
0x62: {  	_ =	shalt  }
0x63: {  	_ =	shalt  }
0x64: {  	_ =	shalt  }
0x65: {  	_ =	shalt  }
0x66: {  	_ =	shalt  }
0x67: {  	_ =	shalt  }
0x68: {  	_ =	shalt  }
0x69: {  	_ =	shalt  }
0x6a: {  	_ =	shalt  }
0x6b: {  	_ =	shalt  }
0x6c: {  	_ =	shalt  }
0x6d: {  	_ =	shalt  }
0x6e: {  	_ =	shalt  }
0x6f: {  	_ =	shalt  }
0x70: {  	_ =	shalt  }
0x71: {  	_ =	shalt  }
0x72: {  	_ =	shalt  }
0x73: {  	_ =	shalt  }
0x74: {  	_ =	shalt  }
0x75: {  	_ =	shalt  }
0x76: {  	_ =	shalt  }
0x77: {  	_ =	shalt  }
0x78: {  	_ =	shalt  }
0x79: {  	_ =	shalt  }
0x7a: {  	_ =	shalt  }
0x7b: {  	_ =	shalt  }
0x7c: {  	_ =	shalt  }
0x7d: {  	_ =	shalt  }
0x7e: {  	_ =	shalt  }
0x7f: {  	_ =	shalt  }
0x80: {  	_ =	shalt  }
0x81: {  	_ =	shalt  }
0x82: {  	_ =	shalt  }
0x83: {  	_ =	shalt  }
0x84: {  	_ =	shalt  }
0x85: {  	_ =	shalt  }
0x86: {  	_ =	shalt  }
0x87: {  	_ =	shalt  }
.Lfunc_end0:
.L_simem_size_0:
called_computation.1_lowered:
.L_overlay_start_0:
0x88: {  	s2 =	sld [smem:$0x3FD9]  }
0x89: {  	s3 =	sld [smem:$0x3FFE];
	_ =	sdelay $0x1  }
0x8a: {  	s1 =	srdreg.scid  }
0x8b: {  	s0 =	sand.u32 $0x1, s1  }
0x8c: {  	s16 =	sshll.u32 s0, $0xA;
	s2 =	sadd.s32 s3, s2  }
0x8d: {  	s2 =	sadd.s32 s2, s16  }
0x8e: {  	[smem:$0x3FBA] =	sst s2  }
0x8f: {  	_ = 	snop  }
0x90: {  	(tm) =	ssettm $0x1  }
0x91: {  	s17 =	sld [smem:$0x3FFB];
	_ =	sdelay $0x3  }
0x92: {  	_ =	strace s17  }
0x93: {  	s2 =	sld [smem:$0x3FFC];
	_ =	sdelay $0x3  }
0x94: {  	_ =	strace s2  }
0x95: {  	s2 =	sld [smem:$0x3FFD];
	_ =	sdelay $0x3  }
0x96: {  	_ =	strace s2  }
0x97: {  	_ =	strace $0x8FFFFFFF  }
0x98: {  	s18 =	sld [smem:$0x3FDB];
	_ =	sdelay $0x1  }
0x99: {  	s19 =	simm.s32 $_scs_section_size  }
0x9a: {  	s4 =	simm.s32 $_size__tile_overlayer_lowered;
	s5 =	simm.s32 $_tile_overlayer_lowered  }
0x9b: {  	s22 =	simm.s32 $0x1BFF;
	s21 =	sshll.u32 s5, $0x1;
	s2 =	sadd.s32 s19, s18  }
0x9c: {  	s6 =	simm.s32 $0x0;
	s20 =	sshll.u32 s4, $0x1;
	s4 =	sadd.s32 s21, s2  }
0x9d: {  	[timem:s6], [sflag:s22] =	dma.local [hbm:s4], s20  }
0x9e: {  	_ =	swait.ge [sflag:s22], s20  }
0x9f: {  	s3 =	ssub.s32 $0x0, s20;
	[sflag:s22] =	ssyncset.done $0x0  }
0xa0: {  	[sflag:s22] =	ssyncadd.s32 s3;
	_ =	sdelay $0x1  }
0xa1: {  	s23 =	simm.s32 $0x1B8B  }
0xa2: {  	_ =	swait.ge [sflag:s23], $0x1  }
0xa3: {  	[sflag:s23] =	ssyncset.done $0x0  }
0xa4: {  	s25 =	simm.s32 $0x1B8E;
	s24 =	sld [smem:$0x3FFE];
	[sflag:s23] =	ssyncadd.s32 $0xFFFFFFFF  }
0xa5: {  	s26 =	simm.s32 $execute0_lowered;
	[smem:$0x3FD2] =	sst s25  }
0xa6: {  	s4 =	sshll.u32 s26, $0x1;
	_ =	strace $0x80000049;
	[dreg:$0x1] =	wrdreg $0xFFFFFFFF  }
0xa7: {  	s28 =	simm.s32 $_size_execute0_lowered;
	s2 =	sadd.s32 s2, s4;
	[dreg:$0x0] =	wrdreg $0x0  }
0xa8: {  	s4 =	sshll.u32 s28, $0x1;
	[dreg:$0x2] =	wrdreg s2  }
0xa9: {  	[dreg:$0x3] =	wrdreg s4  }
0xaa: {  	[dreg:$0x4] =	wrdreg $0xC0  }
0xab: {  	_ =	task [dreg:s6], $0x5FFFF  }
0xac: {  	[dreg:$0x1] =	wrdreg $0xFFFFFFFF  }
0xad: {  	[dreg:$0x0] =	wrdreg $0x60  }
0xae: {  	[dreg:$0x2] =	wrdreg s24  }
0xaf: {  	[dreg:$0x3] =	wrdreg $0x98000  }
0xb0: {  	[dreg:$0x4] =	wrdreg $0x9  }
0xb1: {  	_ =	task.clear_ibuf [dreg:s6], $0x5FFFF;
	_ =	strace $0x90000049  }
0xb2: {  	s29 =	simm.s32 $0x9;
	_ =	strace $0x8000004B  }
0xb3: {  	_ =	swait.ge [sflag:s29], $0x1  }
0xb4: {  	[sflag:s29] =	ssyncadd.s32 $0xFFFFFFFF  }
0xb5: {  	_ =	strace $0x9000004B  }
0xb6: {  	_ =	sfence  }
0xb7: {  	s30 =	sld [smem:$0x0];
	_ =	sdelay $0x2  }
0xb8: {  	s31 =	sshll.u32 s1, $0xD;
	s1 =	sshrl.u32 s1, $0x2  }
0xb9: {  	s3 =	sand.u32 $0x4000, s31;
	s1 =	sadd.s32 s1, s30  }
0xba: {  	s0 =	sor.u32 s3, s0;
	s1 =	sshll.u32 s1, $0x11  }
0xbb: {  	s0 =	sor.u32 s1, s0  }
0xbc: {  	s0 =	sadd.s32 $0x8F2B, s0  }
0xbd: {  	[sflag:s0] =	ssyncadd.remote.s32 $0x1  }
0xbe: {  	_ =	sfence.sel $0xFFFF  }
0xbf: {  	[dreg:$0x0] =	wrdreg $0xFFFFFFFF;
	(pc) =	sbr.abs _section_cstart, $3  }
0xc0: {  	[dreg:$0x1] =	wrdreg $0xFFFFFFFF  }
0xc1: {  	_ =	task.clear_ibuf [dreg:s6], $0x2FFFF;
	_ =	strace $0x9FFFFFFF  }
0xc2: {  	(tm) =	ssettm $0x7FFFFFFF  }
0xc3: {  	_ =	shalt  }
tec
execute0_lowered:
.L_overlay_start_1:
0x0: {  	(tag) =	ssettag $0x1  }
0x1: {  	s0 =	rddreg [dreg:$0x0]  }
0x2: {  	s2 =	rddreg [dreg:$0x1]  }
0x3: {  	s12 =	simm.s32 $0x0;
	s11 =	stileid.u32;
	s1 =	srdreg.scid  }
0x4: {  	[smem:$0x7FF] =	sst s12;
	s3 =	smul.u32 $0x3E80, s11  }
0x5: {  	s1 =	sand.u32 $0x1, s1;
	s4 =	sadd.s32 $0x58BC00, s0;
	s5 =	sadd.s32 $0xC800, s0  }
0x6: {  	s6 =	sadd.s32 $0x5B3C00, s0;
	s7 =	sadd.s32 $0x34800, s0;
	s26 =	smul.u32 $0x7D000, s11  }
0x7: {  	s10 =	sshll.u32 s11, $0x1;
	_ =	strace $0x8000004A;
	[dreg:$0x4] =	wrdreg s4  }
0x8: {  	s25 =	smul.u32 $0x27100, s1;
	s8 =	ssub.s32 $0x2, s1;
	s1 =	sor.u32 s1, s10  }
0x9: {  	p0 =	sgt.u32 s11, $0x9;
	[dreg:$0x5] =	wrdreg s5;
	s28 =	smul.u32 $0x2710, s1  }
0xa: {  	s9 =	sshrl.u32 s8, $0x1;
	s5 =	sshrl.u32 s26, $0x2;
	s1 =	smul.u32 $0xA000, s1  }
0xb: {  	s4 =	sadd.s32 s3, s25;
	s3 =	sadd.s32 s3, s0;
	[dreg:$0x7] =	wrdreg s28  }
0xc: {  	s8 =	ssub.s32 s8, s9;
	s3 =	sadd.s32 $0x516800, s3;
	[dreg:$0x8] =	wrdreg s1  }
0xd: {  	s4 =	sadd.s32 s4, s0;
	s0 =	sadd.s32 $0x5B3E80, s0;
	[dreg:$0x6] =	wrdreg s3  }
0xe: {  	s5 =	sadd.s32 s5, s2;
	s30 =	smax.u32 s8, $0x1;
	[dreg:$0x9] =	wrdreg s0  }
0xf: {  	s16 =	simm.s32 $0x3;
	s5 =	sshrl.u32 @!p0 s5, $0x3;
	[dreg:$0xb] =	wrdreg s30  }
0x10: {  	v2 =	vlaneseq.u32;
	s0 =	sshll.u32 @!p0 s11, $0x6;
	s29 =	sadd.s32 $0xA9C00, s4;
	[dreg:$0xd] =	wrdreg s5  }
0x11: {  	vm0 =	vmmov $0xffff;
	s31 =	simm.s32 $0x1;
	v1 =	vshrl.u32 v2, $0x3;
	[dreg:$0xa] =	wrdreg s29;
	s8 =	sor.u32 @!p0 $0x1C03, s0  }
0x12: {  	v0 =	vand.u32 $0x7, v2;
	v2 =	vor.u32 $0x8, v2;
	v1 =	vmul.u32 $0x8, v1;
	s1 =	simm.s32 $0x28;
	s0 =	simm.s32 $0x2;
	[dreg:$0xc] =	wrdreg s8  }
.LBB2_1:
0x13: {  	[dreg:$0x3] =	wrdreg s12  }
0x14: {  	s3 =	rddreg [dreg:$0x6]  }
0x15: {  	[spmem:s5], [sflag:s8] =	dma.local @!p0 [hbm:s3], $0x3E80  }
0x16: {  	s3 =	simm.s32 @!p0 $0x3  }
0x17: {  	_ =	swait.ge @!p0 [sflag:s3], $0x3E80  }
0x18: {  	[sflag:s3] =	ssyncset.done @!p0 $0x0  }
0x19: {  	[sflag:s3] =	ssyncadd.s32 @!p0 $0xFFFFC180  }
0x1a: {  	s8 =	simm.s32 $0x0;
	[bflag:$0x0] =	sbarrier.arrive $0xFFFF  }
.LBB2_2:
0x1b: {  	s3 =	sshll.u32 s8, $0xC;
	s4 =	rddreg [dreg:$0x8]  }
0x1c: {  	s3 =	sadd.s32 s4, s3  }
0x1d: {  	s10 =	rddreg [dreg:$0x4];
	s3 =	sshrl.u32 s3, $0x3  }
0x1e: {  	s12 =	simm.s32 $0x0;
	s4 =	sadd.s32 s10, s3  }
0x1f: {  	[tilespmem:s12], [sflag:$0x3] =	stream.linear.gather [hbm4b:s4+s12], $0xC80, $0x38;
	[tilespmem:$0x1D080] =	vst v63  }
0x20: {  	_ =	swait.ge [sflag:s16], $0xC80  }
0x21: {  	[sflag:s16] =	ssyncset.done $0x0;
	s11 =	rddreg [dreg:$0x5]  }
0x22: {  	s5 =	simm.s32 $0x1000;
	[sflag:s16] =	ssyncadd.s32 $0xFFFFF380;
	s3 =	sadd.s32 s11, s3  }
0x23: {  	[tilespmem:s5], [sflag:$0x3] =	stream.linear.gather [hbm4b:s3+s12], $0xC80, $0x38;
	[tilespmem:$0x1D080] =	vst v63  }
0x24: {  	s13 =	smul.u32 $0x3E8, s8;
	_ =	swait.ge [sflag:s16], $0xC80  }
0x25: {  	s14 =	rddreg [dreg:$0x7]  }
0x26: {  	s13 =	sadd.s32 s14, s13  }
0x27: {  	[sflag:s16] =	ssyncset.done $0x0;
	s3 =	sshll.u32 s13, $0x4  }
0x28: {  	s17 =	simm.s32 $0x2000;
	[sflag:s16] =	ssyncadd.s32 $0xFFFFF380;
	s15 =	sadd.s32 s6, s3  }
0x29: {  	[tilespmem:s17], [sflag:$0x1] =	stream.linear.gather [hbm4b:s15+s12], $0x1400, $0x38;
	[tilespmem:$0x1D080] =	vst v63  }
0x2a: {  	v3 =	vld [tilespmem:$0x0];
	_ =	sdelay $0x4  }
0x2b: {  	v4 =	vshll.u32 v3, $0x1  }
0x2c: {  	v3 =	vand.u32 $0x7, v3;
	v4 =	vand.u32 $0xFFFFFFF0, v4  }
0x2d: {  	v3 =	vor.u32 v3, v4  }
0x2e: {  	v4 =	vperm.xlane v3, v0;
	_ =	sdelay $0x1  }
0x2f: {  	v3 =	vperm.xlane v3, v2;
	v4 =	vadd.s32 v1, v4;
	_ =	sdelay $0x1  }
0x30: {  	v3 =	vadd.s32 v1, v3;
	_ =	sdelay $0x1  }
0x31: {  	s18 =	simm.s32 $0x4800  }
0x32: {  	[tilespmem:s18], [sflag:$0x2] =	stream.indirect_vreg.gather [hbm4b:s7+s12], $0x80, v4, vm0, $0xb8;
	[tilespmem:$0x1D080] =	vst v63  }
0x33: {  	s19 =	simm.s32 $0x5000  }
0x34: {  	[tilespmem:s19], [sflag:$0x2] =	stream.indirect_vreg.gather [hbm4b:s7+s12], $0x80, v3, vm0, $0xb8;
	[tilespmem:$0x1D080] =	vst v63  }
0x35: {  	v3 =	vld [tilespmem:$0x10];
	_ =	sdelay $0x4  }
0x36: {  	v59 =	vshll.u32 v3, $0x1  }
0x37: {  	v3 =	vand.u32 $0x7, v3;
	v4 =	vand.u32 $0xFFFFFFF0, v59  }
0x38: {  	v3 =	vor.u32 v3, v4  }
0x39: {  	v4 =	vperm.xlane v3, v0;
	_ =	sdelay $0x1  }
0x3a: {  	v3 =	vperm.xlane v3, v2;
	v4 =	vadd.s32 v1, v4;
	_ =	sdelay $0x1  }
0x3b: {  	v3 =	vadd.s32 v1, v3;
	_ =	sdelay $0x1  }
0x3c: {  	s20 =	simm.s32 $0x5800  }
0x3d: {  	[tilespmem:s20], [sflag:$0x2] =	stream.indirect_vreg.gather [hbm4b:s7+s12], $0x80, v4, vm0, $0xb8;
	[tilespmem:$0x1D080] =	vst v63  }
0x3e: {  	s21 =	simm.s32 $0x6000  }
0x3f: {  	[tilespmem:s21], [sflag:$0x2] =	stream.indirect_vreg.gather [hbm4b:s7+s12], $0x80, v3, vm0, $0xb8;
	[tilespmem:$0x1D080] =	vst v63  }
0x40: {  	v3 =	vld.msk [tilespmem:$0x20], $0xff;
	_ =	sdelay $0x4  }
0x41: {  	v60 =	vshll.u32 v3, $0x1  }
0x42: {  	v3 =	vand.u32 $0x7, v3;
	v4 =	vand.u32 $0xFFFFFFF0, v60  }
0x43: {  	v3 =	vor.u32 v3, v4  }
0x44: {  	v3 =	vperm.xlane v3, v0;
	_ =	sdelay $0x1  }
0x45: {  	v3 =	vadd.s32 v1, v3;
	_ =	sdelay $0x3  }
0x46: {  	s22 =	simm.s32 $0x6800;
	s23 =	rddreg [dreg:$0x9]  }
0x47: {  	[tilespmem:s22], [sflag:$0x2] =	stream.indirect_vreg.gather [hbm4b:s7+s12], $0x80, v3, vm0, $0xb8;
	[tilespmem:$0x1D080] =	vst v63  }
0x48: {  	s24 =	simm.s32 $0x3400;
	s3 =	sadd.s32 s3, s23  }
0x49: {  	[tilespmem:s24], [sflag:$0x1] =	stream.linear.gather [hbm4b:s3+s12], $0x1400, $0x38;
	[tilespmem:$0x1D080] =	vst v63  }
0x4a: {  	v3 =	vld [tilespmem:$0x80];
	_ =	sdelay $0x4  }
0x4b: {  	v61 =	vshll.u32 v3, $0x1  }
0x4c: {  	v3 =	vand.u32 $0x7, v3;
	v4 =	vand.u32 $0xFFFFFFF0, v61  }
0x4d: {  	v3 =	vor.u32 v3, v4  }
0x4e: {  	v4 =	vperm.xlane v3, v0;
	_ =	sdelay $0x1  }
0x4f: {  	v3 =	vperm.xlane v3, v2;
	v4 =	vadd.s32 v1, v4;
	_ =	sdelay $0x1  }
0x50: {  	v3 =	vadd.s32 v1, v3;
	_ =	sdelay $0x1  }
0x51: {  	s25 =	simm.s32 $0x7000  }
0x52: {  	[tilespmem:s25], [sflag:$0x2] =	stream.indirect_vreg.gather [hbm4b:s7+s12], $0x80, v4, vm0, $0xb8;
	[tilespmem:$0x1D080] =	vst v63  }
0x53: {  	s26 =	simm.s32 $0x7800  }
0x54: {  	[tilespmem:s26], [sflag:$0x2] =	stream.indirect_vreg.gather [hbm4b:s7+s12], $0x80, v3, vm0, $0xb8;
	[tilespmem:$0x1D080] =	vst v63  }
0x55: {  	v3 =	vld [tilespmem:$0x90];
	_ =	sdelay $0x4  }
0x56: {  	v62 =	vshll.u32 v3, $0x1  }
0x57: {  	v3 =	vand.u32 $0x7, v3;
	v4 =	vand.u32 $0xFFFFFFF0, v62  }
0x58: {  	v3 =	vor.u32 v3, v4  }
0x59: {  	v4 =	vperm.xlane v3, v0;
	_ =	sdelay $0x1  }
0x5a: {  	v3 =	vperm.xlane v3, v2;
	v4 =	vadd.s32 v1, v4;
	_ =	sdelay $0x1  }
0x5b: {  	v3 =	vadd.s32 v1, v3;
	_ =	sdelay $0x1  }
0x5c: {  	s28 =	simm.s32 $0x8000  }
0x5d: {  	[tilespmem:s28], [sflag:$0x2] =	stream.indirect_vreg.gather [hbm4b:s7+s12], $0x80, v4, vm0, $0xb8;
	[tilespmem:$0x1D080] =	vst v63  }
0x5e: {  	s29 =	simm.s32 $0x8800  }
0x5f: {  	[tilespmem:s29], [sflag:$0x2] =	stream.indirect_vreg.gather [hbm4b:s7+s12], $0x80, v3, vm0, $0xb8;
	[tilespmem:$0x1D080] =	vst v63  }
0x60: {  	v3 =	vld.msk [tilespmem:$0xA0], $0xff;
	_ =	sdelay $0x4  }
0x61: {  	v63 =	vshll.u32 v3, $0x1  }
0x62: {  	v3 =	vand.u32 $0x7, v3;
	v4 =	vand.u32 $0xFFFFFFF0, v63  }
0x63: {  	v3 =	vor.u32 v3, v4  }
0x64: {  	v3 =	vperm.xlane v3, v0;
	_ =	sdelay $0x1  }
0x65: {  	v3 =	vadd.s32 v1, v3;
	_ =	sdelay $0x2  }
0x66: {  	s30 =	simm.s32 $0x9000  }
0x67: {  	s14 =	simm.s32 $0x0;
	s15 =	simm.s32 $0x0;
	s3 =	simm.s32 $0x0  }
0x68: {  	[tilespmem:s30], [sflag:$0x2] =	stream.indirect_vreg.gather [hbm4b:s7+s12], $0x80, v3, vm0, $0xb8;
	[tilespmem:$0x1D080] =	vst v63  }
.LBB2_3:
0x69: {  	_ =	swait.ge [sflag:s31], $0x1400  }
0x6a: {  	s4 =	smul.u32 $0xA000, s14;
	[sflag:s31] =	ssyncset.done $0x0  }
0x6b: {  	s5 =	smul.u32 $0x5000, s15;
	[sflag:s31] =	ssyncadd.s32 $0xFFFFEC00  }
0x6c: {  	s24 =	sand.u32 $0x3800, s12;
	s26 =	simm.s32 $0x180;
	_ =	swait.ge [sflag:s0], $0x2800  }
0x6d: {  	s17 =	sshra.s32 s4, $0x2;
	s25 =	sshra.s32 s5, $0x2;
	[sflag:s0] =	ssyncset.done $0x0  }
0x6e: {  	s18 =	sadd.s32 $0x4800, s17;
	s19 =	sadd.s32 $0x2100, s25;
	[sflag:s0] =	ssyncadd.s32 $0xFFFFD800  }
0x6f: {  	s10 =	sand.u32 $0x380, s26;
	s9 =	sadd.s32 s24, s18;
	v3 =	vld [tilespmem:s19+$0xFFFFFF00]  }
0x70: {  	s4 =	sadd.s32 s10, s9;
	v8 =	vld [tilespmem:s19+$0x80]  }
0x71: {  	v5 =	vld [tilespmem:s4+$0x400]  }
0x72: {  	s11 =	simm.s32 $0x80;
	s20 =	sand.u32 $0x200, s12;
	v9 =	vld [tilespmem:s19+$0xFFFFFF80]  }
0x73: {  	s21 =	simm.s32 $0x100;
	s5 =	sand.u32 $0x280, s11;
	s29 =	sadd.s32 s20, s9;
	v10 =	vld [tilespmem:s4+$0x0]  }
0x74: {  	s22 =	sand.u32 $0x300, s21;
	s28 =	sadd.s32 s5, s9;
	v7 =	vld [tilespmem:s29+$0x400]  }
0x75: {  	s26 =	sadd.s32 s22, s9;
	v6 =	vld [tilespmem:s28+$0x400]  }
0x76: {  	v4 =	vld [tilespmem:s26+$0x400];
	v8 =	vmul.f32 v8, v5  }
0x77: {  	v11 =	vld [tilespmem:s29+$0x0]  }
0x78: {  	v12 =	vld [tilespmem:s19+$0x0];
	v8 =	vadd.f32 v8, v10  }
0x79: {  	v10 =	vld [tilespmem:s28+$0x0]  }
0x7a: {  	v13 =	vld [tilespmem:s19+$0x90];
	v8 =	vmax.f32 v8, $0.0e+00  }
0x7b: {  	v14 =	vld [tilespmem:s26+$0x0];
	v3 =	vmul.f32 v3, v7;
	[tilespmem:s19+$0x80] =	vst v8  }
0x7c: {  	v8 =	vmul.f32 v9, v6;
	v9 =	vld [tilespmem:s4+$0x10]  }
0x7d: {  	v3 =	vadd.f32 v3, v11  }
0x7e: {  	v15 =	vld [tilespmem:s19+$0x10];
	v12 =	vmul.f32 v12, v4;
	v8 =	vadd.f32 v8, v10  }
0x7f: {  	v13 =	vmul.f32 v13, v5;
	v11 =	vld [tilespmem:s19+$0xFFFFFF10];
	v3 =	vmax.f32 v3, $0.0e+00  }
0x80: {  	[tilespmem:s19+$0xFFFFFF00] =	vst v3;
	v10 =	vld [tilespmem:s19+$0xFFFFFF90];
	v3 =	vmax.f32 v8, $0.0e+00;
	v8 =	vadd.f32 v12, v14  }
0x81: {  	v12 =	vld [tilespmem:s29+$0x10];
	[tilespmem:s19+$0xFFFFFF80] =	vst v3;
	v3 =	vadd.f32 v13, v9  }
0x82: {  	v9 =	vld [tilespmem:s28+$0x10];
	v8 =	vmax.f32 v8, $0.0e+00  }
0x83: {  	[tilespmem:s19+$0x0] =	vst v8;
	v8 =	vld [tilespmem:s19+$0xA0];
	v3 =	vmax.f32 v3, $0.0e+00  }
0x84: {  	v11 =	vmul.f32 v11, v7;
	v13 =	vld [tilespmem:s26+$0x10];
	[tilespmem:s19+$0x90] =	vst v3  }
0x85: {  	v3 =	vmul.f32 v10, v6;
	v10 =	vld [tilespmem:s4+$0x20]  }
0x86: {  	v11 =	vadd.f32 v11, v12  }
0x87: {  	v16 =	vld [tilespmem:s19+$0x20];
	v15 =	vmul.f32 v15, v4;
	v3 =	vadd.f32 v3, v9  }
0x88: {  	v14 =	vld [tilespmem:s19+$0xFFFFFF20];
	v9 =	vmax.f32 v11, $0.0e+00;
	v8 =	vmul.f32 v8, v5  }
0x89: {  	v12 =	vld [tilespmem:s19+$0xFFFFFFA0];
	[tilespmem:s19+$0xFFFFFF10] =	vst v9;
	v3 =	vmax.f32 v3, $0.0e+00;
	v13 =	vadd.f32 v15, v13  }
0x8a: {  	v15 =	vld [tilespmem:s29+$0x20];
	[tilespmem:s19+$0xFFFFFF90] =	vst v3;
	v3 =	vadd.f32 v8, v10  }
0x8b: {  	v8 =	vld [tilespmem:s28+$0x20];
	v10 =	vmax.f32 v13, $0.0e+00  }
0x8c: {  	[tilespmem:s19+$0x10] =	vst v10;
	v10 =	vld [tilespmem:s19+$0xB0];
	v3 =	vmax.f32 v3, $0.0e+00  }
0x8d: {  	v13 =	vmul.f32 v14, v7;
	v14 =	vld [tilespmem:s26+$0x20];
	[tilespmem:s19+$0xA0] =	vst v3  }
0x8e: {  	v3 =	vmul.f32 v12, v6;
	v12 =	vld [tilespmem:s4+$0x30]  }
0x8f: {  	v17 =	vld [tilespmem:s19+$0xFFFFFF40];
	v13 =	vadd.f32 v13, v15  }
0x90: {  	v16 =	vmul.f32 v16, v4;
	v11 =	vld [tilespmem:s19+$0xFFFFFF30];
	v3 =	vadd.f32 v3, v8  }
0x91: {  	v9 =	vld [tilespmem:s19+$0xFFFFFFB0];
	v8 =	vmax.f32 v13, $0.0e+00;
	v10 =	vmul.f32 v10, v5  }
0x92: {  	v15 =	vld [tilespmem:s19+$0x30];
	[tilespmem:s19+$0xFFFFFF20] =	vst v8;
	v3 =	vmax.f32 v3, $0.0e+00;
	v8 =	vadd.f32 v16, v14  }
0x93: {  	v14 =	vld [tilespmem:s29+$0x30];
	[tilespmem:s19+$0xFFFFFFA0] =	vst v3;
	v3 =	vadd.f32 v10, v12  }
0x94: {  	v10 =	vld [tilespmem:s28+$0x30];
	v8 =	vmax.f32 v8, $0.0e+00  }
0x95: {  	[tilespmem:s19+$0x20] =	vst v8;
	v8 =	vld [tilespmem:s19+$0xC0];
	v3 =	vmax.f32 v3, $0.0e+00  }
0x96: {  	v11 =	vmul.f32 v11, v7;
	v12 =	vld [tilespmem:s26+$0x30];
	[tilespmem:s19+$0xB0] =	vst v3  }
0x97: {  	v3 =	vmul.f32 v9, v6;
	v9 =	vld [tilespmem:s4+$0x40]  }
0x98: {  	v18 =	vld [tilespmem:s19+$0xFFFFFFD0];
	v11 =	vadd.f32 v11, v14  }
0x99: {  	v19 =	vld [tilespmem:s19+$0x50];
	v15 =	vmul.f32 v15, v4;
	v3 =	vadd.f32 v3, v10  }
0x9a: {  	v13 =	vld [tilespmem:s19+$0xFFFFFFC0];
	v10 =	vmax.f32 v11, $0.0e+00;
	v11 =	vmul.f32 v8, v5  }
0x9b: {  	v16 =	vld [tilespmem:s19+$0x40];
	[tilespmem:s19+$0xFFFFFF30] =	vst v10;
	v3 =	vmax.f32 v3, $0.0e+00;
	v10 =	vadd.f32 v15, v12  }
0x9c: {  	v12 =	vld [tilespmem:s29+$0x40];
	[tilespmem:s19+$0xFFFFFFB0] =	vst v3;
	v3 =	vadd.f32 v11, v9  }
0x9d: {  	v9 =	vld [tilespmem:s28+$0x40];
	v10 =	vmax.f32 v10, $0.0e+00  }
0x9e: {  	v15 =	vld [tilespmem:s19+$0xD0];
	[tilespmem:s19+$0x30] =	vst v10;
	v3 =	vmax.f32 v3, $0.0e+00  }
0x9f: {  	v10 =	vmul.f32 v17, v7;
	v17 =	vld [tilespmem:s26+$0x40];
	[tilespmem:s19+$0xC0] =	vst v3  }
0xa0: {  	s20 =	sadd.s32 $0x200, s19;
	v3 =	vmul.f32 v13, v6;
	v20 =	vld [tilespmem:s4+$0x50]  }
0xa1: {  	v22 =	vld [tilespmem:s20+$0xFFFFFF00];
	v12 =	vadd.f32 v10, v12  }
0xa2: {  	v23 =	vld [tilespmem:s20+$0x80];
	v16 =	vmul.f32 v16, v4;
	v3 =	vadd.f32 v3, v9  }
0xa3: {  	v24 =	vld [tilespmem:s20+$0xFFFFFF80];
	v15 =	vmul.f32 v15, v5;
	v9 =	vmax.f32 v12, $0.0e+00  }
0xa4: {  	v27 =	vld [tilespmem:s20+$0x0];
	[tilespmem:s19+$0xFFFFFF40] =	vst v9;
	v3 =	vmax.f32 v3, $0.0e+00;
	v9 =	vadd.f32 v16, v17  }
0xa5: {  	v28 =	vld [tilespmem:s20+$0x90];
	[tilespmem:s19+$0xFFFFFFC0] =	vst v3;
	v3 =	vadd.f32 v15, v20  }
0xa6: {  	v15 =	vld [tilespmem:s28+$0x50];
	v9 =	vmax.f32 v9, $0.0e+00  }
0xa7: {  	[tilespmem:s19+$0x40] =	vst v9;
	v9 =	vld [tilespmem:s19+$0xE0];
	v3 =	vmax.f32 v3, $0.0e+00  }
0xa8: {  	v14 =	vld [tilespmem:s19+$0xFFFFFF50];
	[tilespmem:s19+$0xD0] =	vst v3  }
0xa9: {  	v3 =	vmul.f32 v18, v6;
	v18 =	vld [tilespmem:s4+$0x60]  }
0xaa: {  	v16 =	vld [tilespmem:s29+$0x50]  }
0xab: {  	v33 =	vld [tilespmem:s20+$0xFFFFFF10];
	v3 =	vadd.f32 v3, v15  }
0xac: {  	v34 =	vld [tilespmem:s20+$0xFFFFFF90];
	v15 =	vmul.f32 v9, v5  }
0xad: {  	v14 =	vmul.f32 v14, v7;
	v17 =	vld [tilespmem:s26+$0x50];
	v3 =	vmax.f32 v3, $0.0e+00  }
0xae: {  	v30 =	vld [tilespmem:s20+$0x10];
	[tilespmem:s19+$0xFFFFFFD0] =	vst v3;
	v3 =	vadd.f32 v15, v18  }
0xaf: {  	v38 =	vld [tilespmem:s20+$0xFFFFFF20];
	v14 =	vadd.f32 v14, v16  }
0xb0: {  	s23 =	simm.s32 $0x400;
	v41 =	vld [tilespmem:s20+$0xA0];
	v16 =	vmul.f32 v19, v4;
	v3 =	vmax.f32 v3, $0.0e+00  }
0xb1: {  	s24 =	simm.s32 $0x380;
	s5 =	sand.u32 $0x3800, s23;
	v45 =	vld [tilespmem:s20+$0xFFFFFFA0];
	v14 =	vmax.f32 v14, $0.0e+00;
	[tilespmem:s19+$0xE0] =	vst v3  }
0xb2: {  	s10 =	sand.u32 $0x380, s24;
	[tilespmem:s19+$0xFFFFFF50] =	vst v14;
	v14 =	vadd.f32 v16, v17;
	v17 =	vld [tilespmem:s4+$0x70];
	s4 =	sadd.s32 s5, s18  }
0xb3: {  	v47 =	vld [tilespmem:s20+$0xFFFFFF30];
	s24 =	sadd.s32 s10, s4  }
0xb4: {  	v3 =	vld [tilespmem:s24+$0x400]  }
0xb5: {  	s11 =	simm.s32 $0x200;
	v48 =	vld [tilespmem:s20+$0xFFFFFFB0]  }
0xb6: {  	s21 =	simm.s32 $0x280;
	s5 =	sand.u32 $0x200, s11;
	v25 =	vld [tilespmem:s24+$0x0]  }
0xb7: {  	s22 =	simm.s32 $0x300;
	s9 =	sand.u32 $0x280, s21;
	v31 =	vld [tilespmem:s20+$0x20];
	s21 =	sadd.s32 s5, s4  }
0xb8: {  	s23 =	sand.u32 $0x300, s22;
	s22 =	sadd.s32 s9, s4;
	v15 =	vld [tilespmem:s21+$0x400]  }
0xb9: {  	v14 =	vmax.f32 v14, $0.0e+00;
	s23 =	sadd.s32 s23, s4;
	v16 =	vld [tilespmem:s22+$0x400];
	v23 =	vmul.f32 v23, v3  }
0xba: {  	[tilespmem:s19+$0x50] =	vst v14;
	v14 =	vld [tilespmem:s23+$0x400]  }
0xbb: {  	v26 =	vld [tilespmem:s21+$0x0];
	v23 =	vadd.f32 v23, v25  }
0xbc: {  	v61 =	vld [tilespmem:s22+$0x0]  }
0xbd: {  	v54 =	vld [tilespmem:s20+$0xB0];
	v23 =	vmax.f32 v23, $0.0e+00  }
0xbe: {  	v29 =	vld [tilespmem:s23+$0x0];
	v22 =	vmul.f32 v22, v15;
	[tilespmem:s20+$0x80] =	vst v23  }
0xbf: {  	v62 =	vmul.f32 v24, v16;
	v63 =	vld [tilespmem:s24+$0x10]  }
0xc0: {  	v58 =	vld [tilespmem:s20+$0x30];
	v22 =	vadd.f32 v22, v26  }
0xc1: {  	v32 =	vld [tilespmem:s20+$0xFFFFFF40];
	v27 =	vmul.f32 v27, v14;
	v23 =	vadd.f32 v62, v61  }
0xc2: {  	v60 =	vld [tilespmem:s20+$0xFFFFFFC0];
	v28 =	vmul.f32 v28, v3;
	v22 =	vmax.f32 v22, $0.0e+00  }
0xc3: {  	v8 =	vld [tilespmem:s19+$0xFFFFFF60];
	v36 =	vadd.f32 v27, v29;
	[tilespmem:s20+$0xFFFFFF00] =	vst v22;
	v35 =	vmax.f32 v23, $0.0e+00  }
0xc4: {  	v37 =	vld [tilespmem:s21+$0x10];
	[tilespmem:s20+$0xFFFFFF80] =	vst v35;
	v39 =	vadd.f32 v28, v63  }
0xc5: {  	v23 =	vmax.f32 v36, $0.0e+00;
	v40 =	vld [tilespmem:s22+$0x10]  }
0xc6: {  	v11 =	vld [tilespmem:s19+$0xFFFFFFE0];
	[tilespmem:s20+$0x0] =	vst v23;
	v22 =	vmax.f32 v39, $0.0e+00  }
0xc7: {  	v26 =	vmul.f32 v33, v15;
	v42 =	vld [tilespmem:s23+$0x10];
	[tilespmem:s20+$0x90] =	vst v22  }
0xc8: {  	v43 =	vmul.f32 v34, v16;
	v44 =	vld [tilespmem:s24+$0x20]  }
0xc9: {  	v10 =	vld [tilespmem:s19+$0x60];
	v26 =	vadd.f32 v26, v37  }
0xca: {  	v13 =	vld [tilespmem:s19+$0xFFFFFF70];
	v30 =	vmul.f32 v30, v14;
	v22 =	vadd.f32 v43, v40  }
0xcb: {  	v12 =	vld [tilespmem:s19+$0xFFFFFFF0];
	v23 =	vmul.f32 v41, v3;
	v46 =	vmax.f32 v26, $0.0e+00  }
0xcc: {  	v9 =	vld [tilespmem:s19+$0x70];
	[tilespmem:s20+$0xFFFFFF10] =	vst v46;
	v28 =	vadd.f32 v30, v42;
	v22 =	vmax.f32 v22, $0.0e+00  }
0xcd: {  	v49 =	vld [tilespmem:s21+$0x20];
	[tilespmem:s20+$0xFFFFFF90] =	vst v22;
	v50 =	vadd.f32 v23, v44  }
0xce: {  	v52 =	vmax.f32 v28, $0.0e+00;
	v51 =	vld [tilespmem:s22+$0x20]  }
0xcf: {  	v18 =	vld [tilespmem:s19+$0xF0];
	[tilespmem:s20+$0x10] =	vst v52;
	v22 =	vmax.f32 v50, $0.0e+00  }
0xd0: {  	v53 =	vmul.f32 v38, v15;
	v55 =	vld [tilespmem:s23+$0x20];
	[tilespmem:s20+$0xA0] =	vst v22  }
0xd1: {  	v56 =	vmul.f32 v45, v16;
	v57 =	vld [tilespmem:s24+$0x30]  }
0xd2: {  	v21 =	vld [tilespmem:s29+$0x60];
	v28 =	vadd.f32 v53, v49  }
0xd3: {  	v19 =	vld [tilespmem:s28+$0x60];
	v31 =	vmul.f32 v31, v14;
	v22 =	vadd.f32 v56, v51  }
0xd4: {  	v20 =	vld [tilespmem:s26+$0x60];
	v25 =	vmul.f32 v54, v3;
	v59 =	vmax.f32 v28, $0.0e+00  }
0xd5: {  	v5 =	vmul.f32 v18, v5;
	v18 =	vld [tilespmem:s20+$0x70];
	[tilespmem:s20+$0xFFFFFF20] =	vst v59;
	v61 =	vadd.f32 v31, v55;
	v22 =	vmax.f32 v22, $0.0e+00  }
0xd6: {  	v62 =	vld [tilespmem:s21+$0x30];
	[tilespmem:s20+$0xFFFFFFA0] =	vst v22;
	v35 =	vadd.f32 v25, v57  }
0xd7: {  	v23 =	vmax.f32 v61, $0.0e+00;
	v36 =	vld [tilespmem:s22+$0x30]  }
0xd8: {  	v37 =	vld [tilespmem:s20+$0xC0];
	[tilespmem:s20+$0x20] =	vst v23;
	v22 =	vmax.f32 v35, $0.0e+00  }
0xd9: {  	v26 =	vmul.f32 v47, v15;
	v38 =	vld [tilespmem:s23+$0x30];
	[tilespmem:s20+$0xB0] =	vst v22  }
0xda: {  	v39 =	vmul.f32 v48, v16;
	v40 =	vld [tilespmem:s24+$0x40]  }
0xdb: {  	v34 =	vld [tilespmem:s20+$0xFFFFFF70];
	v26 =	vadd.f32 v26, v62  }
0xdc: {  	v33 =	vld [tilespmem:s20+$0x50];
	v30 =	vmul.f32 v58, v14;
	v22 =	vadd.f32 v39, v36  }
0xdd: {  	v54 =	vld [tilespmem:s20+$0x60];
	v23 =	vmul.f32 v37, v3;
	v26 =	vmax.f32 v26, $0.0e+00  }
0xde: {  	v63 =	vld [tilespmem:s20+$0x40];
	[tilespmem:s20+$0xFFFFFF30] =	vst v26;
	v27 =	vadd.f32 v30, v38;
	v22 =	vmax.f32 v22, $0.0e+00  }
0xdf: {  	v44 =	vld [tilespmem:s21+$0x40];
	[tilespmem:s20+$0xFFFFFFB0] =	vst v22;
	v45 =	vadd.f32 v23, v40  }
0xe0: {  	v47 =	vmax.f32 v27, $0.0e+00;
	v46 =	vld [tilespmem:s22+$0x40]  }
0xe1: {  	v48 =	vld [tilespmem:s20+$0xD0];
	[tilespmem:s20+$0x30] =	vst v47;
	v22 =	vmax.f32 v45, $0.0e+00  }
0xe2: {  	v49 =	vmul.f32 v32, v15;
	v50 =	vld [tilespmem:s23+$0x40];
	[tilespmem:s20+$0xC0] =	vst v22  }
0xe3: {  	v51 =	vmul.f32 v60, v16;
	v52 =	vld [tilespmem:s24+$0x50]  }
0xe4: {  	v41 =	vld [tilespmem:s20+$0xFFFFFF50];
	v27 =	vadd.f32 v49, v44  }
0xe5: {  	v42 =	vld [tilespmem:s20+$0xFFFFFFD0];
	v31 =	vmul.f32 v63, v14;
	v22 =	vadd.f32 v51, v46  }
0xe6: {  	v8 =	vmul.f32 v8, v7;
	v43 =	vld [tilespmem:s20+$0xFFFFFF60];
	v24 =	vmul.f32 v48, v3;
	v27 =	vmax.f32 v27, $0.0e+00  }
0xe7: {  	v56 =	vld [tilespmem:s20+$0xFFFFFFF0];
	[tilespmem:s20+$0xFFFFFF40] =	vst v27;
	v55 =	vadd.f32 v31, v50;
	v22 =	vmax.f32 v22, $0.0e+00  }
0xe8: {  	v11 =	vmul.f32 v11, v6;
	v8 =	vadd.f32 v8, v21;
	v58 =	vld [tilespmem:s21+$0x50];
	[tilespmem:s20+$0xFFFFFFC0] =	vst v22;
	v57 =	vadd.f32 v24, v52  }
0xe9: {  	v10 =	vmul.f32 v10, v4;
	v59 =	vmul.f32 v13, v7;
	v13 =	vmax.f32 v55, $0.0e+00;
	v7 =	vld [tilespmem:s22+$0x50]  }
0xea: {  	v8 =	vmax.f32 v8, $0.0e+00;
	v5 =	vadd.f32 v5, v17;
	v60 =	vld [tilespmem:s20+$0xE0];
	[tilespmem:s20+$0x40] =	vst v13;
	v13 =	vmax.f32 v57, $0.0e+00  }
0xeb: {  	v61 =	vmul.f32 v12, v6;
	v6 =	vadd.f32 v11, v19;
	v11 =	vmul.f32 v41, v15;
	v12 =	vld [tilespmem:s23+$0x50];
	[tilespmem:s20+$0xD0] =	vst v13  }
0xec: {  	[tilespmem:s19+$0xFFFFFF60] =	vst v8;
	v10 =	vadd.f32 v10, v20;
	v5 =	vmax.f32 v5, $0.0e+00;
	v13 =	vmul.f32 v42, v16;
	v19 =	vld [tilespmem:s24+$0x60]  }
0xed: {  	[tilespmem:s19+$0xF0] =	vst v5;
	v53 =	vld [tilespmem:s20+$0xFFFFFFE0];
	v6 =	vmax.f32 v6, $0.0e+00;
	v8 =	vadd.f32 v11, v58  }
0xee: {  	[tilespmem:s19+$0xFFFFFFE0] =	vst v6;
	v6 =	vmax.f32 v10, $0.0e+00;
	v10 =	vmul.f32 v33, v14;
	v62 =	vld [tilespmem:s29+$0x70];
	v7 =	vadd.f32 v13, v7  }
0xef: {  	[tilespmem:s19+$0x60] =	vst v6;
	v63 =	vld [tilespmem:s28+$0x70];
	v11 =	vmul.f32 v60, v3;
	v6 =	vmax.f32 v8, $0.0e+00  }
0xf0: {  	v4 =	vmul.f32 v9, v4;
	v8 =	vld [tilespmem:s26+$0x70];
	[tilespmem:s20+$0xFFFFFF50] =	vst v6;
	v6 =	vmax.f32 v7, $0.0e+00;
	v7 =	vadd.f32 v10, v12  }
0xf1: {  	v5 =	vmul.f32 v56, v16;
	v17 =	vld [tilespmem:s21+$0x60];
	v10 =	vmul.f32 v43, v15;
	[tilespmem:s20+$0xFFFFFFD0] =	vst v6;
	v9 =	vadd.f32 v11, v19  }
0xf2: {  	v12 =	vmul.f32 v53, v16;
	v6 =	vmul.f32 v34, v15;
	v13 =	vld [tilespmem:s22+$0x60];
	v7 =	vmax.f32 v7, $0.0e+00  }
0xf3: {  	s25 =	sadd.s32 $0x2000, s25;
	s30 =	sadd.s32 $0x200, s20;
	v15 =	vadd.f32 v59, v62;
	[tilespmem:s20+$0x50] =	vst v7;
	v7 =	vld [tilespmem:s20+$0xF0];
	v16 =	vmax.f32 v9, $0.0e+00;
	v9 =	vmul.f32 v18, v14  }
0xf4: {  	s28 =	simm.s32 $0x800;
	s29 =	simm.s32 $0x400;
	s26 =	simm.s32 $0x4;
	v11 =	vmul.f32 v54, v14;
	v14 =	vld [tilespmem:s23+$0x60];
	[tilespmem:s20+$0xE0] =	vst v16;
	v16 =	vadd.f32 v61, v63  }
.LBB2_4:
0xf5: {  	s4 =	sand.u32 $0x3800, s28;
	s5 =	sadd.s32 $0x180, s29;
	s26 =	sadd.s32 $0x4, s26;
	v18 =	vld [tilespmem:s24+$0x70];
	v15 =	vmax.f32 v15, $0.0e+00;
	v8 =	vadd.f32 v4, v8;
	v4 =	vmov v9  }
0xf6: {  	s4 =	sadd.s32 s4, s18;
	v19 =	vld [tilespmem:s30+$0xFFFFFF00];
	s5 =	sand.u32 $0x380, s5;
	p1 =	slt.u32 s26, $0x24;
	v9 =	vadd.f32 v10, v17;
	[tilespmem:s19+$0xFFFFFF70] =	vst v15;
	v10 =	vmax.f32 v16, $0.0e+00  }
0xf7: {  	s9 =	sadd.s32 $0x80, s29;
	s10 =	sadd.s32 $0x100, s29;
	s24 =	sadd.s32 s5, s4;
	v15 =	vld [tilespmem:s30+$0x80];
	v12 =	vadd.f32 v12, v13;
	[tilespmem:s19+$0xFFFFFFF0] =	vst v10;
	v8 =	vmax.f32 v8, $0.0e+00  }
0xf8: {  	s11 =	sand.u32 $0x280, s9;
	s10 =	sand.u32 $0x300, s10;
	s5 =	sand.u32 $0x200, s29;
	v9 =	vmax.f32 v9, $0.0e+00;
	v7 =	vmul.f32 v7, v3;
	v3 =	vld [tilespmem:s24+$0x400];
	[tilespmem:s19+$0x70] =	vst v8  }
0xf9: {  	s9 =	sadd.s32 s5, s4;
	s5 =	sadd.s32 s11, s4;
	s4 =	sadd.s32 s10, s4;
	v10 =	vld [tilespmem:s30+$0xFFFFFF80];
	[tilespmem:s20+$0xFFFFFF60] =	vst v9;
	v8 =	vmax.f32 v12, $0.0e+00;
	v11 =	vadd.f32 v11, v14  }
0xfa: {  	s19 =	smov.u32 s20;
	v12 =	vld [tilespmem:s24+$0x0];
	[tilespmem:s20+$0xFFFFFFE0] =	vst v8;
	v7 =	vadd.f32 v7, v18;
	s20 =	smov.u32 s30  }
0xfb: {  	v9 =	vld [tilespmem:s9+$0x400];
	v11 =	vmax.f32 v11, $0.0e+00  }
0xfc: {  	v8 =	vld [tilespmem:s5+$0x400];
	[tilespmem:s19+$0x60] =	vst v11;
	v11 =	vmax.f32 v7, $0.0e+00  }
0xfd: {  	v7 =	vld [tilespmem:s4+$0x400];
	v13 =	vmul.f32 v15, v3;
	[tilespmem:s19+$0xF0] =	vst v11  }
0xfe: {  	v11 =	vld [tilespmem:s30+$0x0]  }
0xff: {  	v14 =	vld [tilespmem:s9+$0x0];
	v12 =	vadd.f32 v13, v12  }
0x100: {  	v13 =	vmul.f32 v19, v9;
	v15 =	vld [tilespmem:s5+$0x0]  }
0x101: {  	v10 =	vmul.f32 v10, v8;
	v12 =	vmax.f32 v12, $0.0e+00;
	v16 =	vld [tilespmem:s30+$0x90]  }
0x102: {  	v17 =	vld [tilespmem:s4+$0x0];
	[tilespmem:s30+$0x80] =	vst v12  }
0x103: {  	v11 =	vmul.f32 v11, v7;
	v12 =	vld [tilespmem:s24+$0x10]  }
0x104: {  	v13 =	vadd.f32 v13, v14;
	v14 =	vld [tilespmem:s30+$0xFFFFFF10]  }
0x105: {  	v10 =	vadd.f32 v10, v15;
	v15 =	vld [tilespmem:s30+$0xFFFFFF90]  }
0x106: {  	v13 =	vmax.f32 v13, $0.0e+00;
	v18 =	vld [tilespmem:s30+$0x10];
	v16 =	vmul.f32 v16, v3  }
0x107: {  	[tilespmem:s30+$0xFFFFFF00] =	vst v13;
	v13 =	vld [tilespmem:s30+$0xFFFFFF20];
	v10 =	vmax.f32 v10, $0.0e+00;
	v11 =	vadd.f32 v11, v17  }
0x108: {  	v17 =	vld [tilespmem:s9+$0x10];
	[tilespmem:s30+$0xFFFFFF80] =	vst v10;
	v10 =	vadd.f32 v16, v12  }
0x109: {  	v12 =	vmul.f32 v14, v9;
	v14 =	vld [tilespmem:s5+$0x10];
	v11 =	vmax.f32 v11, $0.0e+00  }
0x10a: {  	v15 =	vmul.f32 v15, v8;
	[tilespmem:s30+$0x0] =	vst v11;
	v10 =	vmax.f32 v10, $0.0e+00;
	v11 =	vld [tilespmem:s30+$0xA0]  }
0x10b: {  	v16 =	vld [tilespmem:s4+$0x10];
	v18 =	vmul.f32 v18, v7;
	[tilespmem:s30+$0x90] =	vst v10  }
0x10c: {  	v10 =	vmul.f32 v13, v9;
	v13 =	vld [tilespmem:s24+$0x20]  }
0x10d: {  	v12 =	vadd.f32 v12, v17;
	v17 =	vld [tilespmem:s30+$0xFFFFFFA0]  }
0x10e: {  	v14 =	vadd.f32 v15, v14;
	v15 =	vld [tilespmem:s30+$0x20]  }
0x10f: {  	v12 =	vmax.f32 v12, $0.0e+00;
	v19 =	vld [tilespmem:s30+$0xFFFFFF30];
	v11 =	vmul.f32 v11, v3  }
0x110: {  	[tilespmem:s30+$0xFFFFFF10] =	vst v12;
	v12 =	vmax.f32 v14, $0.0e+00;
	v14 =	vld [tilespmem:s30+$0xFFFFFFB0];
	v16 =	vadd.f32 v18, v16  }
0x111: {  	v18 =	vld [tilespmem:s9+$0x20];
	[tilespmem:s30+$0xFFFFFF90] =	vst v12;
	v11 =	vadd.f32 v11, v13  }
0x112: {  	v12 =	vld [tilespmem:s5+$0x20];
	v13 =	vmul.f32 v17, v8;
	v16 =	vmax.f32 v16, $0.0e+00  }
0x113: {  	[tilespmem:s30+$0x10] =	vst v16;
	v15 =	vmul.f32 v15, v7;
	v11 =	vmax.f32 v11, $0.0e+00;
	v16 =	vld [tilespmem:s30+$0xB0]  }
0x114: {  	v17 =	vmul.f32 v19, v9;
	v19 =	vld [tilespmem:s4+$0x20];
	[tilespmem:s30+$0xA0] =	vst v11  }
0x115: {  	v11 =	vmul.f32 v14, v8;
	v14 =	vld [tilespmem:s24+$0x30]  }
0x116: {  	v10 =	vadd.f32 v10, v18;
	v18 =	vld [tilespmem:s30+$0x30]  }
0x117: {  	v20 =	vld [tilespmem:s30+$0xFFFFFF40];
	v12 =	vadd.f32 v13, v12  }
0x118: {  	v10 =	vmax.f32 v10, $0.0e+00;
	v13 =	vld [tilespmem:s30+$0xFFFFFFC0];
	v16 =	vmul.f32 v16, v3  }
0x119: {  	[tilespmem:s30+$0xFFFFFF20] =	vst v10;
	v10 =	vmax.f32 v12, $0.0e+00;
	v12 =	vadd.f32 v15, v19;
	v15 =	vld [tilespmem:s30+$0x40]  }
0x11a: {  	v19 =	vld [tilespmem:s9+$0x30];
	[tilespmem:s30+$0xFFFFFFA0] =	vst v10;
	v10 =	vadd.f32 v16, v14  }
0x11b: {  	v14 =	vld [tilespmem:s5+$0x30];
	v12 =	vmax.f32 v12, $0.0e+00;
	v16 =	vmul.f32 v18, v7  }
0x11c: {  	v18 =	vmul.f32 v20, v9;
	[tilespmem:s30+$0x20] =	vst v12;
	v10 =	vmax.f32 v10, $0.0e+00;
	v12 =	vld [tilespmem:s30+$0xC0]  }
0x11d: {  	v13 =	vmul.f32 v13, v8;
	v20 =	vld [tilespmem:s4+$0x30];
	[tilespmem:s30+$0xB0] =	vst v10  }
0x11e: {  	v15 =	vmul.f32 v15, v7;
	v10 =	vld [tilespmem:s24+$0x40]  }
0x11f: {  	v17 =	vadd.f32 v17, v19;
	v19 =	vld [tilespmem:s30+$0xFFFFFF50]  }
0x120: {  	v11 =	vadd.f32 v11, v14;
	v14 =	vld [tilespmem:s30+$0xFFFFFFD0]  }
0x121: {  	v17 =	vmax.f32 v17, $0.0e+00;
	v21 =	vld [tilespmem:s30+$0x50];
	v12 =	vmul.f32 v12, v3  }
0x122: {  	[tilespmem:s30+$0xFFFFFF30] =	vst v17;
	v17 =	vld [tilespmem:s30+$0xFFFFFF60];
	v11 =	vmax.f32 v11, $0.0e+00;
	v16 =	vadd.f32 v16, v20  }
0x123: {  	v20 =	vld [tilespmem:s9+$0x40];
	[tilespmem:s30+$0xFFFFFFB0] =	vst v11;
	v10 =	vadd.f32 v12, v10  }
0x124: {  	v19 =	vmul.f32 v19, v9;
	v11 =	vld [tilespmem:s5+$0x40];
	v12 =	vmax.f32 v16, $0.0e+00  }
0x125: {  	v14 =	vmul.f32 v14, v8;
	[tilespmem:s30+$0x30] =	vst v12;
	v10 =	vmax.f32 v10, $0.0e+00;
	v12 =	vld [tilespmem:s30+$0xD0]  }
0x126: {  	v16 =	vld [tilespmem:s4+$0x40];
	v21 =	vmul.f32 v21, v7;
	[tilespmem:s30+$0xC0] =	vst v10  }
0x127: {  	v10 =	vmul.f32 v17, v9;
	v17 =	vld [tilespmem:s24+$0x50]  }
0x128: {  	v18 =	vadd.f32 v18, v20;
	v20 =	vld [tilespmem:s30+$0xFFFFFFE0]  }
0x129: {  	v11 =	vadd.f32 v13, v11;
	v13 =	vld [tilespmem:s30+$0x60]  }
0x12a: {  	v18 =	vmax.f32 v18, $0.0e+00;
	v22 =	vld [tilespmem:s30+$0xFFFFFF70];
	v12 =	vmul.f32 v12, v3  }
0x12b: {  	[tilespmem:s30+$0xFFFFFF40] =	vst v18;
	v11 =	vmax.f32 v11, $0.0e+00;
	v18 =	vld [tilespmem:s30+$0xFFFFFFF0];
	v15 =	vadd.f32 v15, v16  }
0x12c: {  	v16 =	vld [tilespmem:s9+$0x50];
	[tilespmem:s30+$0xFFFFFFC0] =	vst v11;
	v17 =	vadd.f32 v12, v17  }
0x12d: {  	v23 =	vld [tilespmem:s5+$0x50];
	v12 =	vmul.f32 v20, v8;
	v11 =	vmax.f32 v15, $0.0e+00  }
0x12e: {  	[tilespmem:s30+$0x40] =	vst v11;
	v11 =	vmul.f32 v13, v7;
	v13 =	vmax.f32 v17, $0.0e+00;
	v15 =	vld [tilespmem:s30+$0xE0]  }
0x12f: {  	v20 =	vmul.f32 v22, v9;
	v9 =	vld [tilespmem:s4+$0x50];
	[tilespmem:s30+$0xD0] =	vst v13  }
0x130: {  	v18 =	vmul.f32 v18, v8;
	v13 =	vld [tilespmem:s24+$0x60]  }
0x131: {  	v8 =	vadd.f32 v19, v16;
	v16 =	vld [tilespmem:s30+$0x70]  }
0x132: {  	v14 =	vadd.f32 v14, v23;
	v19 =	vld [tilespmem:s21+$0x70];
	s21 =	smov.u32 s9  }
0x133: {  	v8 =	vmax.f32 v8, $0.0e+00;
	v15 =	vmul.f32 v15, v3;
	v22 =	vld [tilespmem:s22+$0x70];
	s22 =	smov.u32 s5  }
.Ltmp0:
0x134: {  	[tilespmem:s30+$0xFFFFFF50] =	vst v8;
	v14 =	vmax.f32 v14, $0.0e+00;
	v9 =	vadd.f32 v21, v9;
	v8 =	vld [tilespmem:s23+$0x70];
	s23 =	smov.u32 s4;
	(pc) =	sbr.rel @p1 .LBB2_4-.Ltmp0, $4  }
0x135: {  	v17 =	vld [tilespmem:s21+$0x60];
	[tilespmem:s30+$0xFFFFFFD0] =	vst v14;
	v14 =	vadd.f32 v15, v13  }
0x136: {  	v13 =	vld [tilespmem:s22+$0x60];
	v15 =	vmax.f32 v9, $0.0e+00;
	v9 =	vmul.f32 v16, v7  }
0x137: {  	[tilespmem:s30+$0x50] =	vst v15;
	v16 =	vmax.f32 v14, $0.0e+00;
	v7 =	vld [tilespmem:s30+$0xF0];
	v15 =	vadd.f32 v6, v19;
	v6 =	vmov v20  }
0x138: {  	s28 =	sadd.s32 $0x400, s28;
	s29 =	sadd.s32 $0x200, s29;
	s30 =	sadd.s32 $0x200, s30;
	v14 =	vld [tilespmem:s23+$0x60];
	[tilespmem:s20+$0xE0] =	vst v16;
	v16 =	vadd.f32 v5, v22;
	v5 =	vmov v18  }
0x139: {  	_ =	sdelay $0x1  }
0x13a: {  	v10 =	vadd.f32 v10, v17  }
0x13b: {  	v12 =	vadd.f32 v12, v13  }
0x13c: {  	v10 =	vmax.f32 v10, $0.0e+00;
	v11 =	vadd.f32 v11, v14  }
0x13d: {  	v54 =	vld [tilespmem:s24+$0x70];
	[tilespmem:s20+$0xFFFFFF60] =	vst v10;
	v55 =	vmax.f32 v12, $0.0e+00  }
0x13e: {  	[tilespmem:s20+$0xFFFFFFE0] =	vst v55;
	v57 =	vld [tilespmem:s21+$0x70];
	v56 =	vmax.f32 v11, $0.0e+00  }
0x13f: {  	v58 =	vld [tilespmem:s22+$0x70];
	[tilespmem:s20+$0x60] =	vst v56  }
0x140: {  	v3 =	vmul.f32 v7, v3;
	v59 =	vld [tilespmem:s23+$0x70]  }
0x141: {  	v60 =	vmax.f32 v15, $0.0e+00;
	v4 =	vadd.f32 v4, v8  }
0x142: {  	[tilespmem:s19+$0xFFFFFF70] =	vst v60;
	v61 =	vmax.f32 v16, $0.0e+00;
	v3 =	vadd.f32 v3, v54  }
0x143: {  	[tilespmem:s19+$0xFFFFFFF0] =	vst v61;
	v4 =	vmax.f32 v4, $0.0e+00;
	v6 =	vadd.f32 v6, v57  }
0x144: {  	[tilespmem:s19+$0x70] =	vst v4;
	v3 =	vmax.f32 v3, $0.0e+00;
	v62 =	vadd.f32 v5, v58  }
0x145: {  	[tilespmem:s20+$0xF0] =	vst v3;
	v3 =	vmax.f32 v6, $0.0e+00;
	v63 =	vadd.f32 v9, v59  }
0x146: {  	s4 =	sshll.u32 s3, $0x7;
	p1 =	sgt.u32 s3, $0x16;
	[tilespmem:s20+$0xFFFFFF70] =	vst v3;
	v3 =	vmax.f32 v62, $0.0e+00  }
0x147: {  	s4 =	sand.u32 $0x3FFFFF80, s4;
	s5 =	sadd.s32 @!p1 $0x2, s3;
	[tilespmem:s20+$0xFFFFFFF0] =	vst v3;
	v3 =	vmax.f32 v63, $0.0e+00  }
0x148: {  	s4 =	sadd.s32 $0x1000, s4;
	s9 =	smul.u32 @!p1 $0x28, s5;
	[tilespmem:s20+$0x70] =	vst v3  }
0x149: {  	[spmem:s2] =	stream.indirect.scatter.add.f32 [tilespmem:s25], [sflag:$0x3], $0x80, s4, s1, $0xb8;
	[tilespmem:$0x1D080] =	vst v63  }
0x14a: {  	s4 =	sadd.s32 @!p1 s13, s9;
	_ =	swait.ge [sflag:s16], $0x1400  }
0x14b: {  	s4 =	sshll.u32 @!p1 s4, $0x4;
	[sflag:s16] =	ssyncset.done $0x0  }
0x14c: {  	s9 =	simm.s32 @!p1 $0x0;
	s4 =	sadd.s32 @!p1 s6, s4;
	[sflag:s16] =	ssyncadd.s32 $0xFFFFEC00  }
0x14d: {  	[tilespmem:s25], [sflag:$0x1] =	stream.linear.gather @!p1 [hbm4b:s4+s9], $0x1400, $0x38;
	[tilespmem:$0x1D080] =	vst v63  }
0x14e: {  	s4 =	sshll.u32 @!p1 s5, $0x7  }
0x14f: {  	s4 =	sand.u32 @!p1 $0x3FFFFF80, s4  }
0x150: {  	v3 =	vld @!p1 [tilespmem:s4+$0x0];
	_ =	sdelay $0x4  }
0x151: {  	v4 =	vshll.u32 @!p1 v3, $0x1  }
0x152: {  	v5 =	vlaneseq.u32 @!p1;
	v3 =	vand.u32 @!p1 $0x7, v3;
	v4 =	vand.u32 @!p1 $0xFFFFFFF0, v4  }
0x153: {  	v6 =	vshrl.u32 @!p1 v5, $0x3;
	v3 =	vor.u32 @!p1 v3, v4;
	v4 =	vand.u32 @!p1 $0x7, v5  }
0x154: {  	v6 =	vmul.u32 @!p1 $0x8, v6;
	v7 =	vperm.xlane @!p1 v3, v4  }
0x155: {  	v5 =	vor.u32 @!p1 $0x8, v5  }
0x156: {  	v3 =	vperm.xlane @!p1 v3, v5;
	v7 =	vadd.s32 @!p1 v6, v7;
	_ =	sdelay $0x1  }
0x157: {  	v3 =	vadd.s32 @!p1 v6, v3;
	_ =	sdelay $0x1  }
0x158: {  	vm1 =	vmmov @!p1 $0xffff  }
0x159: {  	[tilespmem:s18], [sflag:$0x2] =	stream.indirect_vreg.gather @!p1 [hbm4b:s7+s9], $0x80, v7, vm1, $0xb8;
	[tilespmem:$0x1D080] =	vst v63  }
0x15a: {  	s5 =	sadd.s32 @!p1 $0x5000, s17  }
0x15b: {  	[tilespmem:s5], [sflag:$0x2] =	stream.indirect_vreg.gather @!p1 [hbm4b:s7+s9], $0x80, v3, vm1, $0xb8;
	[tilespmem:$0x1D080] =	vst v63  }
0x15c: {  	v3 =	vld @!p1 [tilespmem:s4+$0x10];
	_ =	sdelay $0x4  }
0x15d: {  	v7 =	vshll.u32 @!p1 v3, $0x1  }
0x15e: {  	v3 =	vand.u32 @!p1 $0x7, v3;
	v7 =	vand.u32 @!p1 $0xFFFFFFF0, v7  }
0x15f: {  	v3 =	vor.u32 @!p1 v3, v7  }
0x160: {  	v7 =	vperm.xlane @!p1 v3, v4;
	_ =	sdelay $0x1  }
0x161: {  	v3 =	vperm.xlane @!p1 v3, v5;
	v7 =	vadd.s32 @!p1 v6, v7;
	_ =	sdelay $0x1  }
0x162: {  	v3 =	vadd.s32 @!p1 v6, v3;
	_ =	sdelay $0x1  }
0x163: {  	s5 =	sadd.s32 @!p1 $0x5800, s17  }
0x164: {  	[tilespmem:s5], [sflag:$0x2] =	stream.indirect_vreg.gather @!p1 [hbm4b:s7+s9], $0x80, v7, vm1, $0xb8;
	[tilespmem:$0x1D080] =	vst v63  }
0x165: {  	s4 =	sor.u32 @!p1 $0x20, s4;
	s5 =	sadd.s32 @!p1 $0x6000, s17  }
0x166: {  	[tilespmem:s5], [sflag:$0x2] =	stream.indirect_vreg.gather @!p1 [hbm4b:s7+s9], $0x80, v3, vm1, $0xb8;
	[tilespmem:$0x1D080] =	vst v63  }
0x167: {  	v3 =	vld.msk @!p1 [tilespmem:s4+$0x0], $0xff;
	_ =	sdelay $0x4  }
0x168: {  	v5 =	vshll.u32 @!p1 v3, $0x1  }
0x169: {  	v3 =	vand.u32 @!p1 $0x7, v3;
	v5 =	vand.u32 @!p1 $0xFFFFFFF0, v5  }
0x16a: {  	v3 =	vor.u32 @!p1 v3, v5  }
0x16b: {  	v3 =	vperm.xlane @!p1 v3, v4;
	_ =	sdelay $0x1  }
0x16c: {  	v3 =	vadd.s32 @!p1 v6, v3;
	_ =	sdelay $0x3  }
0x16d: {  	s3 =	sadd.s32 $0x1, s3;
	s4 =	sadd.s32 @!p1 $0x6800, s17  }
0x16e: {  	[tilespmem:s4], [sflag:$0x2] =	stream.indirect_vreg.gather @!p1 [hbm4b:s7+s9], $0x80, v3, vm1, $0xb8;
	[tilespmem:$0x1D080] =	vst v63  }
0x16f: {  	p1 =	sne.s32 s3, $0x19  }
.Ltmp1:
0x170: {  	_ = 	snop;
	(pc) =	sbr.rel @p1 .LBB2_3-.Ltmp1, $2  }
0x171: {  	_ =	sdelay $0x2  }
0x172: {  	s15 =	sxor.u32 $0x1, s15;
	s14 =	sxor.u32 $0x1, s14  }
0x173: {  	s8 =	sadd.s32 $0x1, s8  }
0x174: {  	p1 =	sne.s32 s8, $0xA  }
.Ltmp2:
0x175: {  	_ = 	snop;
	(pc) =	sbr.rel @p1 .LBB2_2-.Ltmp2, $1  }
0x176: {  	_ =	sdelay $0x3  }
0x177: {  	[bflag:$0x0] =	sbarrier.arrive $0xFFFF  }
0x178: {  	s3 =	rddreg [dreg:$0xa]  }
0x179: {  	s8 =	rddreg [dreg:$0xc]  }
0x17a: {  	s5 =	rddreg [dreg:$0xd]  }
0x17b: {  	[hbm:s3], [sflag:s8] =	dma.local @!p0 [spmem:s5], $0x3E80  }
0x17c: {  	s3 =	simm.s32 @!p0 $0x3  }
0x17d: {  	_ =	swait.ge @!p0 [sflag:s3], $0x3E80  }
0x17e: {  	s12 =	rddreg [dreg:$0x3]  }
0x17f: {  	s4 =	rddreg [dreg:$0xb];
	s12 =	sadd.s32 $0x1, s12  }
0x180: {  	p1 =	sne.s32 s12, s4  }
.Ltmp3:
0x181: {  	_ = 	snop;
	(pc) =	sbr.rel @p1 .LBB2_1-.Ltmp3, $3  }
0x182: {  	_ =	sdelay $0x1  }
0x183: {  	[sflag:s3] =	ssyncset.done @!p0 $0x0  }
0x184: {  	[sflag:s3] =	ssyncadd.s32 @!p0 $0xFFFFC180  }
0x185: {  	_ =	sfence.sel $0x180000  }
0x186: {  	[bflag:$0x0] =	sbarrier.arrive $0xFFFF  }
0x187: {  	_ =	strace $0x9000004A  }
0x188: {  	s0 =	stileid.u32;
	[bflag:$0x2] =	sbarrier.arrive $0xFFFF  }
0x189: {  	p0 =	sne.s32 s0, $0x0;
	s0 =	rddreg [dreg:$0x2]  }
0x18a: {  	s0 =	sadd.s32 @!p0 $0x100000, s0  }
0x18b: {  	[sflag:s0] =	ssyncadd.tile.s32 @!p0 $0x1;
	_ =	shalt  }
.Lfunc_end2:
_tile_overlayer_lowered:
.L_overlay_start_2:
0x18c: {  	(tag) =	ssettag $0x2  }
0x18d: {  	s0 =	rddreg [dreg:$0x0];
	s2 =	stileid.u32  }
0x18e: {  	s1 =	rddreg [dreg:$0x1];
	p0 =	sne.s32 s2, $0x0  }
0x18f: {  	s3 =	rddreg [dreg:$0x2];
	[bflag:$0x3] =	sbarrier.arrive $0xFFFF;
	s2 =	simm.s32 @!p0 $0x1C03  }
0x190: {  	[timem:s3], [sflag:s2] =	dma.local @!p0 [hbm:s0], s1  }
0x191: {  	s0 =	simm.s32 @!p0 $0x3  }
0x192: {  	_ =	swait.ge @!p0 [sflag:s0], s1  }
0x193: {  	s1 =	ssub.s32 @!p0 $0x0, s1;
	[sflag:s0] =	ssyncset.done @!p0 $0x0  }
0x194: {  	[sflag:s0] =	ssyncadd.s32 @!p0 s1  }
0x195: {  	[bflag:$0x3] =	sbarrier.arrive $0xFFFF  }
0x196: {  	_ =	shalt  }

// kernel: kernel.7.cloned.1.call-start
scs
__scs_entry_jumppad:
0x0: {  	(pc) =	sbr.rel $0x88, $3  }
0x1: {  	(tag) =	ssettag $0x0;
	lr =	simm.s32 $0x1  }
0x2: {  	[smem:$0x3F93] =	sst lr;
	_ =	strace $0xD0000000  }
0x3: {  	_ = 	snop  }
0x4: {  	_ = 	snop  }
0x5: {  	_ = 	snop  }
0x6: {  	_ = 	snop  }
0x7: {  	_ = 	snop  }
__scs_overlays_trampoline_lowered:
0x8: {  	[smem:$0x3FA2] =	sst s0  }
0x9: {  	[smem:$0x3FA3] =	sst s1  }
0xa: {  	[smem:$0x3FA4] =	sst s2  }
0xb: {  	[smem:$0x3FA5] =	sst s3  }
0xc: {  	[smem:$0x3FA6] =	sst s4  }
0xd: {  	[smem:$0x3FA7] =	sst s5  }
0xe: {  	[smem:$0x3FA8] =	sst s6  }
0xf: {  	[smem:$0x3FA9] =	sst s7  }
0x10: {  	[smem:$0x3FAA] =	sst s8  }
0x11: {  	[smem:$0x3FAB] =	sst s9;
	s0 =	simm.s32 @!p0 $0x0  }
0x12: {  	s1 =	sld [smem:$0x3F91];
	s0 =	simm.s32 @p0 $0x1  }
0x13: {  	[smem:$0x3FAC] =	sst s0;
	s0 =	simm.s32 @!p1 $0x0  }
0x14: {  	s2 =	sld [smem:$0x3F90];
	s0 =	simm.s32 @p1 $0x1  }
0x15: {  	[smem:$0x3FAD] =	sst s0;
	s0 =	simm.s32 @!p2 $0x0  }
0x16: {  	s3 =	sld [smem:$0x3FDB];
	s0 =	simm.s32 @p2 $0x1  }
0x17: {  	s4 =	simm.s32 $0x1BF5;
	[smem:$0x3FAF] =	sst s0  }
0x18: {  	s0 =	sld [smem:$0x3F92];
	_ =	swait.ge [sflag:s4], $0x0  }
0x19: {  	s7 =	sld [smem:$0x3F93]  }
0x1a: {  	s8 =	sadd.s32 $0xFFFFE003, lr  }
0x1b: {  	s9 =	sadd.s32 $0xFFFFFEF7, lr;
	s5 =	simm.s32 $0xFFFFFFFF;
	p2 =	slt.u32 s8, $0xFFFFF086  }
0x1c: {  	p1 =	slt.u32 s9, $0xF7A;
	s5 =	simm.s32 @!p2 $0x0  }
0x1d: {  	s5 =	simm.s32 @p1 $0x1;
	p0 =	seq.s32 s7, s2  }
0x1e: {  	s7 =	smul.u32 @!p0 $0xF7A, s2;
	p2 =	seq.s32 @!p0 s5, $0x0  }
0x1f: {  	s9 =	smul.u32 $0xF7A, s1;
	s8 =	simm.s32 @!p0 $0x1BF5;
	p2 =	por !p2, p0  }
0x20: {  	[sflag:s8] =	ssyncset.s32 @!p0 $0xFFFFF086;
	s6 =	sadd.s32 @!p0 s3, s7;
	s7 =	simm.s32 @!p0 $0x108  }
0x21: {  	s3 =	sadd.s32 s3, s9;
	s6 =	sadd.s32 @!p0 $0x88, s6;
	s7 =	simm.s32 @p2 $0x1082  }
0x22: {  	[simem:s7], [sflag:s8] =	dma.local @!p0 [hbm:s6], $0xF7A  }
0x23: {  	s9 =	sor.u32 $0xD0000000, s2;
	s6 =	simm.s32 $0x108;
	_ =	swait.ge @!p0 [sflag:s8], $0x0  }
0x24: {  	s3 =	sadd.s32 $0x88, s3;
	s6 =	simm.s32 @!p1 $0x1082;
	[sflag:s4] =	ssyncset.s32 $0xFFFFF086  }
0x25: {  	[simem:s6], [sflag:s4] =	dma.local [hbm:s3], $0xF7A  }
0x26: {  	[smem:$0x3F93] =	sst s1;
	(tag) =	ssettag s2;
	_ =	strace s9  }
0x27: {  	s1 =	sld [smem:$0x3FA3]  }
0x28: {  	s2 =	sld [smem:$0x3FA4]  }
0x29: {  	s4 =	sld [smem:$0x3FA6]  }
0x2a: {  	p0 =	seq.s32 s5, $0x0;
	s5 =	sld [smem:$0x3FA7]  }
0x2b: {  	s6 =	sld [smem:$0x3FA8]  }
0x2c: {  	s7 =	sld [smem:$0x3FA9]  }
0x2d: {  	s3 =	simm.s32 $0x108;
	s8 =	sld [smem:$0x3FAA]  }
0x2e: {  	s3 =	simm.s32 @!p0 $0x1082;
	s9 =	sld [smem:$0x3FAB]  }
0x2f: {  	lr =	sadd.s32 s0, s3;
	s0 =	sld [smem:$0x3FA2]  }
0x30: {  	s3 =	sld [smem:$0x3FA5]  }
0x31: {  	[smem:$0x3FAE] =	sst s10  }
0x32: {  	s10 =	sld [smem:$0x3FAC];
	_ =	sdelay $0x3  }
0x33: {  	p0 =	seq.s32 s10, $0x1;
	s10 =	sld [smem:$0x3FAE];
	_ =	sdelay $0x3  }
0x34: {  	[smem:$0x3FAE] =	sst s10  }
0x35: {  	s10 =	sld [smem:$0x3FAD];
	_ =	sdelay $0x3  }
0x36: {  	p1 =	seq.s32 s10, $0x1;
	s10 =	sld [smem:$0x3FAE];
	_ =	sdelay $0x3  }
0x37: {  	[smem:$0x3FAE] =	sst s10  }
0x38: {  	s10 =	sld [smem:$0x3FAF]  }
0x39: {  	_ = 	snop;
	(pc) =	sbr.ind lr, $3  }
0x3a: {  	_ = 	snop  }
0x3b: {  	_ = 	snop  }
0x3c: {  	p2 =	seq.s32 s10, $0x1;
	s10 =	sld [smem:$0x3FAE]  }
0x3d: {  	_ =	shalt  }
0x3e: {  	_ =	shalt  }
0x3f: {  	_ =	shalt  }
0x40: {  	_ =	shalt  }
0x41: {  	_ =	shalt  }
0x42: {  	_ =	shalt  }
0x43: {  	_ =	shalt  }
0x44: {  	_ =	shalt  }
0x45: {  	_ =	shalt  }
0x46: {  	_ =	shalt  }
0x47: {  	_ =	shalt  }
0x48: {  	_ =	shalt  }
0x49: {  	_ =	shalt  }
0x4a: {  	_ =	shalt  }
0x4b: {  	_ =	shalt  }
0x4c: {  	_ =	shalt  }
0x4d: {  	_ =	shalt  }
0x4e: {  	_ =	shalt  }
0x4f: {  	_ =	shalt  }
0x50: {  	_ =	shalt  }
0x51: {  	_ =	shalt  }
0x52: {  	_ =	shalt  }
0x53: {  	_ =	shalt  }
0x54: {  	_ =	shalt  }
0x55: {  	_ =	shalt  }
0x56: {  	_ =	shalt  }
0x57: {  	_ =	shalt  }
0x58: {  	_ =	shalt  }
0x59: {  	_ =	shalt  }
0x5a: {  	_ =	shalt  }
0x5b: {  	_ =	shalt  }
0x5c: {  	_ =	shalt  }
0x5d: {  	_ =	shalt  }
0x5e: {  	_ =	shalt  }
0x5f: {  	_ =	shalt  }
0x60: {  	_ =	shalt  }
0x61: {  	_ =	shalt  }
0x62: {  	_ =	shalt  }
0x63: {  	_ =	shalt  }
0x64: {  	_ =	shalt  }
0x65: {  	_ =	shalt  }
0x66: {  	_ =	shalt  }
0x67: {  	_ =	shalt  }
0x68: {  	_ =	shalt  }
0x69: {  	_ =	shalt  }
0x6a: {  	_ =	shalt  }
0x6b: {  	_ =	shalt  }
0x6c: {  	_ =	shalt  }
0x6d: {  	_ =	shalt  }
0x6e: {  	_ =	shalt  }
0x6f: {  	_ =	shalt  }
0x70: {  	_ =	shalt  }
0x71: {  	_ =	shalt  }
0x72: {  	_ =	shalt  }
0x73: {  	_ =	shalt  }
0x74: {  	_ =	shalt  }
0x75: {  	_ =	shalt  }
0x76: {  	_ =	shalt  }
0x77: {  	_ =	shalt  }
0x78: {  	_ =	shalt  }
0x79: {  	_ =	shalt  }
0x7a: {  	_ =	shalt  }
0x7b: {  	_ =	shalt  }
0x7c: {  	_ =	shalt  }
0x7d: {  	_ =	shalt  }
0x7e: {  	_ =	shalt  }
0x7f: {  	_ =	shalt  }
0x80: {  	_ =	shalt  }
0x81: {  	_ =	shalt  }
0x82: {  	_ =	shalt  }
0x83: {  	_ =	shalt  }
0x84: {  	_ =	shalt  }
0x85: {  	_ =	shalt  }
0x86: {  	_ =	shalt  }
0x87: {  	_ =	shalt  }
.Lfunc_end0:
.L_simem_size_0:
called_computation_lowered:
.L_overlay_start_0:
0x88: {  	s2 =	sld [smem:$0x3FD9]  }
0x89: {  	s3 =	sld [smem:$0x3FFE];
	_ =	sdelay $0x1  }
0x8a: {  	s1 =	srdreg.scid  }
0x8b: {  	s0 =	sand.u32 $0x1, s1  }
0x8c: {  	s16 =	sshll.u32 s0, $0xA;
	s2 =	sadd.s32 s3, s2  }
0x8d: {  	s2 =	sadd.s32 s2, s16  }
0x8e: {  	[smem:$0x3FBA] =	sst s2  }
0x8f: {  	_ = 	snop  }
0x90: {  	(tm) =	ssettm $0x1  }
0x91: {  	s17 =	sld [smem:$0x3FFB];
	_ =	sdelay $0x3  }
0x92: {  	_ =	strace s17  }
0x93: {  	s2 =	sld [smem:$0x3FFC];
	_ =	sdelay $0x3  }
0x94: {  	_ =	strace s2  }
0x95: {  	s2 =	sld [smem:$0x3FFD];
	_ =	sdelay $0x3  }
0x96: {  	_ =	strace s2  }
0x97: {  	_ =	strace $0x8FFFFFFF  }
0x98: {  	s18 =	sld [smem:$0x3FDB];
	_ =	sdelay $0x1  }
0x99: {  	s19 =	simm.s32 $_scs_section_size  }
0x9a: {  	s4 =	simm.s32 $_size__tile_overlayer_lowered;
	s5 =	simm.s32 $_tile_overlayer_lowered  }
0x9b: {  	s22 =	simm.s32 $0x1BFF;
	s21 =	sshll.u32 s5, $0x1;
	s2 =	sadd.s32 s19, s18  }
0x9c: {  	s6 =	simm.s32 $0x0;
	s20 =	sshll.u32 s4, $0x1;
	s4 =	sadd.s32 s21, s2  }
0x9d: {  	[timem:s6], [sflag:s22] =	dma.local [hbm:s4], s20  }
0x9e: {  	_ =	swait.ge [sflag:s22], s20  }
0x9f: {  	s3 =	ssub.s32 $0x0, s20;
	[sflag:s22] =	ssyncset.done $0x0  }
0xa0: {  	[sflag:s22] =	ssyncadd.s32 s3;
	_ =	sdelay $0x1  }
0xa1: {  	s23 =	simm.s32 $0x1B8B  }
0xa2: {  	_ =	swait.ge [sflag:s23], $0x1  }
0xa3: {  	[sflag:s23] =	ssyncset.done $0x0  }
0xa4: {  	s25 =	simm.s32 $0x1B8E;
	s24 =	sld [smem:$0x3FFE];
	[sflag:s23] =	ssyncadd.s32 $0xFFFFFFFF  }
0xa5: {  	s26 =	simm.s32 $execute0_lowered;
	[smem:$0x3FD2] =	sst s25  }
0xa6: {  	s4 =	sshll.u32 s26, $0x1;
	_ =	strace $0x80000046;
	[dreg:$0x1] =	wrdreg $0xFFFFFFFF  }
0xa7: {  	s28 =	simm.s32 $_size_execute0_lowered;
	s2 =	sadd.s32 s2, s4;
	[dreg:$0x0] =	wrdreg $0x0  }
0xa8: {  	s4 =	sshll.u32 s28, $0x1;
	[dreg:$0x2] =	wrdreg s2  }
0xa9: {  	[dreg:$0x3] =	wrdreg s4  }
0xaa: {  	[dreg:$0x4] =	wrdreg $0xC0  }
0xab: {  	_ =	task [dreg:s6], $0x5FFFF  }
0xac: {  	[dreg:$0x1] =	wrdreg $0xFFFFFFFF  }
0xad: {  	[dreg:$0x0] =	wrdreg $0x60  }
0xae: {  	[dreg:$0x2] =	wrdreg s24  }
0xaf: {  	[dreg:$0x3] =	wrdreg $0x74000  }
0xb0: {  	[dreg:$0x4] =	wrdreg $0x9  }
0xb1: {  	_ =	task.clear_ibuf [dreg:s6], $0x5FFFF;
	_ =	strace $0x90000046  }
0xb2: {  	s29 =	simm.s32 $0x9;
	_ =	strace $0x80000048  }
0xb3: {  	_ =	swait.ge [sflag:s29], $0x1  }
0xb4: {  	[sflag:s29] =	ssyncadd.s32 $0xFFFFFFFF  }
0xb5: {  	_ =	strace $0x90000048  }
0xb6: {  	_ =	sfence  }
0xb7: {  	s30 =	sld [smem:$0x0];
	_ =	sdelay $0x2  }
0xb8: {  	s31 =	sshll.u32 s1, $0xD;
	s1 =	sshrl.u32 s1, $0x2  }
0xb9: {  	s3 =	sand.u32 $0x4000, s31;
	s1 =	sadd.s32 s1, s30  }
0xba: {  	s0 =	sor.u32 s3, s0;
	s1 =	sshll.u32 s1, $0x11  }
0xbb: {  	s0 =	sor.u32 s1, s0  }
0xbc: {  	s0 =	sadd.s32 $0x8F2B, s0  }
0xbd: {  	[sflag:s0] =	ssyncadd.remote.s32 $0x1  }
0xbe: {  	_ =	sfence.sel $0xFFFF  }
0xbf: {  	[dreg:$0x0] =	wrdreg $0xFFFFFFFF;
	(pc) =	sbr.abs _section_cstart, $3  }
0xc0: {  	[dreg:$0x1] =	wrdreg $0xFFFFFFFF  }
0xc1: {  	_ =	task.clear_ibuf [dreg:s6], $0x2FFFF;
	_ =	strace $0x9FFFFFFF  }
0xc2: {  	(tm) =	ssettm $0x7FFFFFFF  }
0xc3: {  	_ =	shalt  }
tec
execute0_lowered:
.L_overlay_start_1:
0x0: {  	(tag) =	ssettag $0x1  }
0x1: {  	s0 =	rddreg [dreg:$0x0]  }
0x2: {  	s2 =	rddreg [dreg:$0x1]  }
0x3: {  	s3 =	simm.s32 $0x0;
	s13 =	stileid.u32;
	s1 =	srdreg.scid  }
0x4: {  	s14 =	simm.s32 $0x1000;
	s15 =	simm.s32 $0x2400;
	s16 =	simm.s32 $0x1  }
0x5: {  	s17 =	simm.s32 $0x28;
	s18 =	simm.s32 $0x2;
	s19 =	simm.s32 $0x0  }
0x6: {  	[smem:$0x7FF] =	sst s3;
	s6 =	smul.u32 $0x3E80, s13;
	s1 =	sand.u32 $0x1, s1  }
0x7: {  	s4 =	sadd.s32 $0xC800, s0;
	s5 =	sadd.s32 $0x34800, s0;
	s9 =	smul.u32 $0x7D000, s13  }
0x8: {  	s10 =	sshll.u32 s13, $0x1;
	p0 =	sgt.u32 s13, $0x9;
	s13 =	simm.s32 $0x3  }
0x9: {  	_ =	strace $0x80000047;
	s7 =	smul.u32 $0x27100, s1;
	s29 =	ssub.s32 $0x2, s1  }
.Ltmp0:
0xa: {  	s1 =	sor.u32 s1, s10;
	s10 =	sadd.s32 $0x34A80, s0;
	(pc) =	sbr.rel .LBB2_1-.Ltmp0, $4  }
0xb: {  	s8 =	sadd.s32 s6, s0;
	s30 =	sshrl.u32 s29, $0x1;
	s31 =	sshrl.u32 s9, $0x2  }
0xc: {  	s9 =	smul.u32 $0xA000, s1;
	s6 =	sadd.s32 s6, s7;
	s12 =	ssub.s32 s29, s30  }
0xd: {  	vm0 =	vcmask $0x300;
	v0 =	vimm.f32 $0.0e+00;
	s7 =	sadd.s32 $0x516800, s8;
	s8 =	smul.u32 $0x2710, s1;
	s11 =	sadd.s32 s6, s0  }
0xe: {  	v1 =	vsel vm0, $0x3F800000, v0;
	s6 =	sadd.s32 s31, s2;
	s12 =	smax.u32 s12, $0x1;
	s11 =	sadd.s32 $0x53DA00, s11  }
.LBB2_17:
0xf: {  	s19 =	sadd.s32 $0x1, s19  }
0x10: {  	p1 =	sne.s32 s19, s12  }
.Ltmp1:
0x11: {  	[bflag:$0x0] =	sbarrier.arrive $0xFFFF;
	s0 =	simm.s32 @!p0 $0x3;
	(pc) =	sbr.rel @!p1 .LBB2_18-.Ltmp1, $4  }
0x12: {  	[hbm:s11], [sflag:s20] =	dma.local @!p0 [spmem:s21], $0x3E80  }
0x13: {  	_ =	swait.ge @!p0 [sflag:s0], $0x3E80  }
0x14: {  	[sflag:s0] =	ssyncset.done @!p0 $0x0  }
0x15: {  	[sflag:s0] =	ssyncadd.s32 @!p0 $0xFFFFC180  }
.LBB2_1:
0x16: {  	s20 =	simm.s32 $0x3A10  }
0x17: {  	[tilespmem:s20+$0xFFFFFE00] =	vst v1  }
0x18: {  	[tilespmem:s20+$0x1E0] =	vst v0  }
0x19: {  	[tilespmem:s20+$0x1D0] =	vst v0  }
0x1a: {  	[tilespmem:s20+$0x1C0] =	vst v0  }
0x1b: {  	[tilespmem:s20+$0x1B0] =	vst v0  }
0x1c: {  	[tilespmem:s20+$0x1A0] =	vst v0  }
0x1d: {  	[tilespmem:s20+$0x190] =	vst v0  }
0x1e: {  	[tilespmem:s20+$0x180] =	vst v1  }
0x1f: {  	[tilespmem:s20+$0x160] =	vst v0  }
0x20: {  	[tilespmem:s20+$0x150] =	vst v0  }
0x21: {  	[tilespmem:s20+$0x140] =	vst v0  }
0x22: {  	[tilespmem:s20+$0x130] =	vst v0  }
0x23: {  	[tilespmem:s20+$0x120] =	vst v0  }
0x24: {  	[tilespmem:s20+$0x110] =	vst v0  }
0x25: {  	[tilespmem:s20+$0x100] =	vst v1  }
0x26: {  	[tilespmem:s20+$0xE0] =	vst v0  }
0x27: {  	[tilespmem:s20+$0xD0] =	vst v0  }
0x28: {  	[tilespmem:s20+$0xC0] =	vst v0  }
0x29: {  	[tilespmem:s20+$0xB0] =	vst v0  }
0x2a: {  	[tilespmem:s20+$0xA0] =	vst v0  }
0x2b: {  	[tilespmem:s20+$0x90] =	vst v0  }
0x2c: {  	[tilespmem:s20+$0x80] =	vst v1  }
0x2d: {  	[tilespmem:s20+$0x60] =	vst v0  }
0x2e: {  	[tilespmem:s20+$0x50] =	vst v0  }
0x2f: {  	[tilespmem:s20+$0x40] =	vst v0  }
0x30: {  	[tilespmem:s20+$0x30] =	vst v0  }
0x31: {  	[tilespmem:s20+$0x20] =	vst v0  }
0x32: {  	[tilespmem:s20+$0x10] =	vst v0  }
0x33: {  	[tilespmem:s20+$0x0] =	vst v1  }
0x34: {  	[tilespmem:s20+$0xFFFFFFE0] =	vst v0  }
0x35: {  	[tilespmem:s20+$0xFFFFFFD0] =	vst v0  }
0x36: {  	[tilespmem:s20+$0xFFFFFFC0] =	vst v0  }
0x37: {  	[tilespmem:s20+$0xFFFFFFB0] =	vst v0  }
0x38: {  	[tilespmem:s20+$0xFFFFFFA0] =	vst v0  }
0x39: {  	[tilespmem:s20+$0xFFFFFF90] =	vst v0  }
0x3a: {  	[tilespmem:s20+$0xFFFFFF80] =	vst v1  }
0x3b: {  	[tilespmem:s20+$0xFFFFFF60] =	vst v0  }
0x3c: {  	[tilespmem:s20+$0xFFFFFF50] =	vst v0  }
0x3d: {  	[tilespmem:s20+$0xFFFFFF40] =	vst v0  }
0x3e: {  	[tilespmem:s20+$0xFFFFFF30] =	vst v0  }
0x3f: {  	[tilespmem:s20+$0xFFFFFF20] =	vst v0  }
0x40: {  	[tilespmem:s20+$0xFFFFFF10] =	vst v0  }
0x41: {  	[tilespmem:s20+$0xFFFFFF00] =	vst v1  }
0x42: {  	[tilespmem:s20+$0xFFFFFEE0] =	vst v0  }
0x43: {  	[tilespmem:s20+$0xFFFFFED0] =	vst v0  }
0x44: {  	[tilespmem:s20+$0xFFFFFEC0] =	vst v0  }
0x45: {  	[tilespmem:s20+$0xFFFFFEB0] =	vst v0  }
0x46: {  	[tilespmem:s20+$0xFFFFFEA0] =	vst v0  }
0x47: {  	[tilespmem:s20+$0xFFFFFE90] =	vst v0  }
0x48: {  	[tilespmem:s20+$0xFFFFFE80] =	vst v1  }
0x49: {  	[tilespmem:s20+$0xFFFFFE60] =	vst v0  }
0x4a: {  	[tilespmem:s20+$0xFFFFFE50] =	vst v0  }
0x4b: {  	[tilespmem:s20+$0xFFFFFE40] =	vst v0  }
0x4c: {  	[tilespmem:s20+$0xFFFFFE30] =	vst v0  }
0x4d: {  	s22 =	simm.s32 $0x0;
	[tilespmem:s20+$0xFFFFFE20] =	vst v0  }
.LBB2_2:
0x4e: {  	s22 =	sadd.s32 $0x8, s22;
	[tilespmem:s20+$0xFFFFFE10] =	vst v0;
	s20 =	sadd.s32 $0x400, s20;
	s21 =	simm.s32 $0x4FF0  }
0x4f: {  	[tilespmem:s20+$0xFFFFFE00] =	vst v1;
	p1 =	slt.u32 s22, $0x20  }
0x50: {  	[tilespmem:s20+$0x1E0] =	vst v0  }
0x51: {  	[tilespmem:s20+$0x1D0] =	vst v0  }
0x52: {  	[tilespmem:s20+$0x1C0] =	vst v0  }
0x53: {  	[tilespmem:s20+$0x1B0] =	vst v0  }
0x54: {  	[tilespmem:s20+$0x1A0] =	vst v0  }
0x55: {  	[tilespmem:s20+$0x190] =	vst v0  }
0x56: {  	[tilespmem:s20+$0x180] =	vst v1  }
0x57: {  	[tilespmem:s20+$0x160] =	vst v0  }
0x58: {  	[tilespmem:s20+$0x150] =	vst v0  }
0x59: {  	[tilespmem:s20+$0x140] =	vst v0  }
0x5a: {  	[tilespmem:s20+$0x130] =	vst v0  }
0x5b: {  	[tilespmem:s20+$0x120] =	vst v0  }
0x5c: {  	[tilespmem:s20+$0x110] =	vst v0  }
0x5d: {  	[tilespmem:s20+$0x100] =	vst v1  }
0x5e: {  	[tilespmem:s20+$0xE0] =	vst v0  }
0x5f: {  	[tilespmem:s20+$0xD0] =	vst v0  }
0x60: {  	[tilespmem:s20+$0xC0] =	vst v0  }
0x61: {  	[tilespmem:s20+$0xB0] =	vst v0  }
0x62: {  	[tilespmem:s20+$0xA0] =	vst v0  }
0x63: {  	[tilespmem:s20+$0x90] =	vst v0  }
0x64: {  	[tilespmem:s20+$0x80] =	vst v1  }
0x65: {  	[tilespmem:s20+$0x60] =	vst v0  }
0x66: {  	[tilespmem:s20+$0x50] =	vst v0  }
0x67: {  	[tilespmem:s20+$0x40] =	vst v0  }
0x68: {  	[tilespmem:s20+$0x30] =	vst v0  }
0x69: {  	[tilespmem:s20+$0x20] =	vst v0  }
0x6a: {  	[tilespmem:s20+$0x10] =	vst v0  }
0x6b: {  	[tilespmem:s20+$0x0] =	vst v1  }
0x6c: {  	[tilespmem:s20+$0xFFFFFFE0] =	vst v0  }
0x6d: {  	[tilespmem:s20+$0xFFFFFFD0] =	vst v0  }
0x6e: {  	[tilespmem:s20+$0xFFFFFFC0] =	vst v0  }
0x6f: {  	[tilespmem:s20+$0xFFFFFFB0] =	vst v0  }
0x70: {  	[tilespmem:s20+$0xFFFFFFA0] =	vst v0  }
0x71: {  	[tilespmem:s20+$0xFFFFFF90] =	vst v0  }
0x72: {  	[tilespmem:s20+$0xFFFFFF80] =	vst v1  }
0x73: {  	[tilespmem:s20+$0xFFFFFF60] =	vst v0  }
0x74: {  	[tilespmem:s20+$0xFFFFFF50] =	vst v0  }
0x75: {  	[tilespmem:s20+$0xFFFFFF40] =	vst v0  }
0x76: {  	[tilespmem:s20+$0xFFFFFF30] =	vst v0  }
0x77: {  	[tilespmem:s20+$0xFFFFFF20] =	vst v0  }
0x78: {  	[tilespmem:s20+$0xFFFFFF10] =	vst v0  }
0x79: {  	[tilespmem:s20+$0xFFFFFF00] =	vst v1  }
0x7a: {  	[tilespmem:s20+$0xFFFFFEE0] =	vst v0  }
0x7b: {  	[tilespmem:s20+$0xFFFFFED0] =	vst v0  }
0x7c: {  	[tilespmem:s20+$0xFFFFFEC0] =	vst v0  }
0x7d: {  	[tilespmem:s20+$0xFFFFFEB0] =	vst v0  }
0x7e: {  	[tilespmem:s20+$0xFFFFFEA0] =	vst v0  }
0x7f: {  	[tilespmem:s20+$0xFFFFFE90] =	vst v0  }
0x80: {  	[tilespmem:s20+$0xFFFFFE80] =	vst v1  }
.Ltmp2:
0x81: {  	[tilespmem:s20+$0xFFFFFE60] =	vst v0;
	(pc) =	sbr.rel @p1 .LBB2_2-.Ltmp2, $4  }
0x82: {  	[tilespmem:s20+$0xFFFFFE50] =	vst v0  }
0x83: {  	[tilespmem:s20+$0xFFFFFE40] =	vst v0  }
0x84: {  	[tilespmem:s20+$0xFFFFFE30] =	vst v0  }
0x85: {  	[tilespmem:s20+$0xFFFFFE20] =	vst v0  }
0x86: {  	[tilespmem:s20+$0xFFFFFE10] =	vst v0  }
0x87: {  	[tilespmem:s21+$0xFFFFFC20] =	vst v1  }
0x88: {  	[tilespmem:s21+$0x0] =	vst v0  }
0x89: {  	[tilespmem:s21+$0xFFFFFFF0] =	vst v0  }
0x8a: {  	[tilespmem:s21+$0xFFFFFFE0] =	vst v0  }
0x8b: {  	[tilespmem:s21+$0xFFFFFFD0] =	vst v0  }
0x8c: {  	[tilespmem:s21+$0xFFFFFFC0] =	vst v0  }
0x8d: {  	[tilespmem:s21+$0xFFFFFFB0] =	vst v0  }
0x8e: {  	[tilespmem:s21+$0xFFFFFFA0] =	vst v1  }
0x8f: {  	[tilespmem:s21+$0xFFFFFF80] =	vst v0  }
0x90: {  	[tilespmem:s21+$0xFFFFFF70] =	vst v0  }
0x91: {  	[tilespmem:s21+$0xFFFFFF60] =	vst v0  }
0x92: {  	[tilespmem:s21+$0xFFFFFF50] =	vst v0  }
0x93: {  	[tilespmem:s21+$0xFFFFFF40] =	vst v0  }
0x94: {  	[tilespmem:s21+$0xFFFFFF30] =	vst v0  }
0x95: {  	[tilespmem:s21+$0xFFFFFF20] =	vst v1  }
0x96: {  	[tilespmem:s21+$0xFFFFFF00] =	vst v0  }
0x97: {  	[tilespmem:s21+$0xFFFFFEF0] =	vst v0  }
0x98: {  	[tilespmem:s21+$0xFFFFFEE0] =	vst v0  }
0x99: {  	[tilespmem:s21+$0xFFFFFED0] =	vst v0  }
0x9a: {  	[tilespmem:s21+$0xFFFFFEC0] =	vst v0  }
0x9b: {  	[tilespmem:s21+$0xFFFFFEB0] =	vst v0  }
0x9c: {  	[tilespmem:s21+$0xFFFFFEA0] =	vst v1  }
0x9d: {  	[tilespmem:s21+$0xFFFFFE80] =	vst v0  }
0x9e: {  	[tilespmem:s21+$0xFFFFFE70] =	vst v0  }
0x9f: {  	[tilespmem:s21+$0xFFFFFE60] =	vst v0  }
0xa0: {  	[tilespmem:s21+$0xFFFFFE50] =	vst v0  }
0xa1: {  	[tilespmem:s21+$0xFFFFFE40] =	vst v0  }
0xa2: {  	[tilespmem:s21+$0xFFFFFE30] =	vst v0  }
0xa3: {  	[tilespmem:s21+$0xFFFFFE20] =	vst v1  }
0xa4: {  	[tilespmem:s21+$0xFFFFFE00] =	vst v0  }
0xa5: {  	[tilespmem:s21+$0xFFFFFDF0] =	vst v0  }
0xa6: {  	[tilespmem:s21+$0xFFFFFDE0] =	vst v0  }
0xa7: {  	[tilespmem:s21+$0xFFFFFDD0] =	vst v0  }
0xa8: {  	[tilespmem:s21+$0xFFFFFDC0] =	vst v0  }
0xa9: {  	[tilespmem:s21+$0xFFFFFDB0] =	vst v0  }
0xaa: {  	[tilespmem:s21+$0xFFFFFDA0] =	vst v1  }
0xab: {  	[tilespmem:s21+$0xFFFFFD80] =	vst v0  }
0xac: {  	[tilespmem:s21+$0xFFFFFD70] =	vst v0  }
0xad: {  	[tilespmem:s21+$0xFFFFFD60] =	vst v0  }
0xae: {  	[tilespmem:s21+$0xFFFFFD50] =	vst v0  }
0xaf: {  	[tilespmem:s21+$0xFFFFFD40] =	vst v0  }
0xb0: {  	[tilespmem:s21+$0xFFFFFD30] =	vst v0  }
0xb1: {  	[tilespmem:s21+$0xFFFFFD20] =	vst v1  }
0xb2: {  	[tilespmem:s21+$0xFFFFFD00] =	vst v0  }
0xb3: {  	[tilespmem:s21+$0xFFFFFCF0] =	vst v0  }
0xb4: {  	[tilespmem:s21+$0xFFFFFCE0] =	vst v0  }
0xb5: {  	[tilespmem:s21+$0xFFFFFCD0] =	vst v0  }
0xb6: {  	[tilespmem:s21+$0xFFFFFCC0] =	vst v0  }
0xb7: {  	[tilespmem:s21+$0xFFFFFCB0] =	vst v0  }
0xb8: {  	[tilespmem:s21+$0xFFFFFCA0] =	vst v1  }
0xb9: {  	[tilespmem:s21+$0xFFFFFC80] =	vst v0  }
0xba: {  	[tilespmem:s21+$0xFFFFFC70] =	vst v0  }
0xbb: {  	[tilespmem:s21+$0xFFFFFC60] =	vst v0  }
0xbc: {  	[tilespmem:s21+$0xFFFFFC50] =	vst v0  }
0xbd: {  	s22 =	simm.s32 $0x0;
	s20 =	simm.s32 $0x63F0;
	[tilespmem:s21+$0xFFFFFC40] =	vst v0  }
.LBB2_4:
0xbe: {  	s22 =	sadd.s32 $0x8, s22;
	[tilespmem:s21+$0xFFFFFC30] =	vst v0;
	s21 =	sadd.s32 $0x400, s21  }
0xbf: {  	[tilespmem:s21+$0xFFFFFC20] =	vst v1;
	p1 =	slt.u32 s22, $0x20  }
0xc0: {  	[tilespmem:s21+$0x0] =	vst v0  }
0xc1: {  	[tilespmem:s21+$0xFFFFFFF0] =	vst v0  }
0xc2: {  	[tilespmem:s21+$0xFFFFFFE0] =	vst v0  }
0xc3: {  	[tilespmem:s21+$0xFFFFFFD0] =	vst v0  }
0xc4: {  	[tilespmem:s21+$0xFFFFFFC0] =	vst v0  }
0xc5: {  	[tilespmem:s21+$0xFFFFFFB0] =	vst v0  }
0xc6: {  	[tilespmem:s21+$0xFFFFFFA0] =	vst v1  }
0xc7: {  	[tilespmem:s21+$0xFFFFFF80] =	vst v0  }
0xc8: {  	[tilespmem:s21+$0xFFFFFF70] =	vst v0  }
0xc9: {  	[tilespmem:s21+$0xFFFFFF60] =	vst v0  }
0xca: {  	[tilespmem:s21+$0xFFFFFF50] =	vst v0  }
0xcb: {  	[tilespmem:s21+$0xFFFFFF40] =	vst v0  }
0xcc: {  	[tilespmem:s21+$0xFFFFFF30] =	vst v0  }
0xcd: {  	[tilespmem:s21+$0xFFFFFF20] =	vst v1  }
0xce: {  	[tilespmem:s21+$0xFFFFFF00] =	vst v0  }
0xcf: {  	[tilespmem:s21+$0xFFFFFEF0] =	vst v0  }
0xd0: {  	[tilespmem:s21+$0xFFFFFEE0] =	vst v0  }
0xd1: {  	[tilespmem:s21+$0xFFFFFED0] =	vst v0  }
0xd2: {  	[tilespmem:s21+$0xFFFFFEC0] =	vst v0  }
0xd3: {  	[tilespmem:s21+$0xFFFFFEB0] =	vst v0  }
0xd4: {  	[tilespmem:s21+$0xFFFFFEA0] =	vst v1  }
0xd5: {  	[tilespmem:s21+$0xFFFFFE80] =	vst v0  }
0xd6: {  	[tilespmem:s21+$0xFFFFFE70] =	vst v0  }
0xd7: {  	[tilespmem:s21+$0xFFFFFE60] =	vst v0  }
0xd8: {  	[tilespmem:s21+$0xFFFFFE50] =	vst v0  }
0xd9: {  	[tilespmem:s21+$0xFFFFFE40] =	vst v0  }
0xda: {  	[tilespmem:s21+$0xFFFFFE30] =	vst v0  }
0xdb: {  	[tilespmem:s21+$0xFFFFFE20] =	vst v1  }
0xdc: {  	[tilespmem:s21+$0xFFFFFE00] =	vst v0  }
0xdd: {  	[tilespmem:s21+$0xFFFFFDF0] =	vst v0  }
0xde: {  	[tilespmem:s21+$0xFFFFFDE0] =	vst v0  }
0xdf: {  	[tilespmem:s21+$0xFFFFFDD0] =	vst v0  }
0xe0: {  	[tilespmem:s21+$0xFFFFFDC0] =	vst v0  }
0xe1: {  	[tilespmem:s21+$0xFFFFFDB0] =	vst v0  }
0xe2: {  	[tilespmem:s21+$0xFFFFFDA0] =	vst v1  }
0xe3: {  	[tilespmem:s21+$0xFFFFFD80] =	vst v0  }
0xe4: {  	[tilespmem:s21+$0xFFFFFD70] =	vst v0  }
0xe5: {  	[tilespmem:s21+$0xFFFFFD60] =	vst v0  }
0xe6: {  	[tilespmem:s21+$0xFFFFFD50] =	vst v0  }
0xe7: {  	[tilespmem:s21+$0xFFFFFD40] =	vst v0  }
0xe8: {  	[tilespmem:s21+$0xFFFFFD30] =	vst v0  }
0xe9: {  	[tilespmem:s21+$0xFFFFFD20] =	vst v1  }
0xea: {  	[tilespmem:s21+$0xFFFFFD00] =	vst v0  }
0xeb: {  	[tilespmem:s21+$0xFFFFFCF0] =	vst v0  }
0xec: {  	[tilespmem:s21+$0xFFFFFCE0] =	vst v0  }
0xed: {  	[tilespmem:s21+$0xFFFFFCD0] =	vst v0  }
0xee: {  	[tilespmem:s21+$0xFFFFFCC0] =	vst v0  }
0xef: {  	[tilespmem:s21+$0xFFFFFCB0] =	vst v0  }
0xf0: {  	[tilespmem:s21+$0xFFFFFCA0] =	vst v1  }
.Ltmp3:
0xf1: {  	[tilespmem:s21+$0xFFFFFC80] =	vst v0;
	(pc) =	sbr.rel @p1 .LBB2_4-.Ltmp3, $4  }
0xf2: {  	[tilespmem:s21+$0xFFFFFC70] =	vst v0  }
0xf3: {  	[tilespmem:s21+$0xFFFFFC60] =	vst v0  }
0xf4: {  	[tilespmem:s21+$0xFFFFFC50] =	vst v0  }
0xf5: {  	[tilespmem:s21+$0xFFFFFC40] =	vst v0  }
0xf6: {  	[tilespmem:s21+$0xFFFFFC30] =	vst v0  }
0xf7: {  	[tilespmem:s20+$0xFFFFFC20] =	vst v1  }
0xf8: {  	[tilespmem:s20+$0x0] =	vst v0  }
0xf9: {  	[tilespmem:s20+$0xFFFFFFF0] =	vst v0  }
0xfa: {  	[tilespmem:s20+$0xFFFFFFE0] =	vst v0  }
0xfb: {  	[tilespmem:s20+$0xFFFFFFD0] =	vst v0  }
0xfc: {  	[tilespmem:s20+$0xFFFFFFC0] =	vst v0  }
0xfd: {  	[tilespmem:s20+$0xFFFFFFB0] =	vst v0  }
0xfe: {  	[tilespmem:s20+$0xFFFFFFA0] =	vst v1  }
0xff: {  	[tilespmem:s20+$0xFFFFFF80] =	vst v0  }
0x100: {  	[tilespmem:s20+$0xFFFFFF70] =	vst v0  }
0x101: {  	[tilespmem:s20+$0xFFFFFF60] =	vst v0  }
0x102: {  	[tilespmem:s20+$0xFFFFFF50] =	vst v0  }
0x103: {  	[tilespmem:s20+$0xFFFFFF40] =	vst v0  }
0x104: {  	[tilespmem:s20+$0xFFFFFF30] =	vst v0  }
0x105: {  	[tilespmem:s20+$0xFFFFFF20] =	vst v1  }
0x106: {  	[tilespmem:s20+$0xFFFFFF00] =	vst v0  }
0x107: {  	[tilespmem:s20+$0xFFFFFEF0] =	vst v0  }
0x108: {  	[tilespmem:s20+$0xFFFFFEE0] =	vst v0  }
0x109: {  	[tilespmem:s20+$0xFFFFFED0] =	vst v0  }
0x10a: {  	[tilespmem:s20+$0xFFFFFEC0] =	vst v0  }
0x10b: {  	[tilespmem:s20+$0xFFFFFEB0] =	vst v0  }
0x10c: {  	[tilespmem:s20+$0xFFFFFEA0] =	vst v1  }
0x10d: {  	[tilespmem:s20+$0xFFFFFE80] =	vst v0  }
0x10e: {  	[tilespmem:s20+$0xFFFFFE70] =	vst v0  }
0x10f: {  	[tilespmem:s20+$0xFFFFFE60] =	vst v0  }
0x110: {  	[tilespmem:s20+$0xFFFFFE50] =	vst v0  }
0x111: {  	[tilespmem:s20+$0xFFFFFE40] =	vst v0  }
0x112: {  	[tilespmem:s20+$0xFFFFFE30] =	vst v0  }
0x113: {  	[tilespmem:s20+$0xFFFFFE20] =	vst v1  }
0x114: {  	[tilespmem:s20+$0xFFFFFE00] =	vst v0  }
0x115: {  	[tilespmem:s20+$0xFFFFFDF0] =	vst v0  }
0x116: {  	[tilespmem:s20+$0xFFFFFDE0] =	vst v0  }
0x117: {  	[tilespmem:s20+$0xFFFFFDD0] =	vst v0  }
0x118: {  	[tilespmem:s20+$0xFFFFFDC0] =	vst v0  }
0x119: {  	[tilespmem:s20+$0xFFFFFDB0] =	vst v0  }
0x11a: {  	[tilespmem:s20+$0xFFFFFDA0] =	vst v1  }
0x11b: {  	[tilespmem:s20+$0xFFFFFD80] =	vst v0  }
0x11c: {  	[tilespmem:s20+$0xFFFFFD70] =	vst v0  }
0x11d: {  	[tilespmem:s20+$0xFFFFFD60] =	vst v0  }
0x11e: {  	[tilespmem:s20+$0xFFFFFD50] =	vst v0  }
0x11f: {  	[tilespmem:s20+$0xFFFFFD40] =	vst v0  }
0x120: {  	[tilespmem:s20+$0xFFFFFD30] =	vst v0  }
0x121: {  	[tilespmem:s20+$0xFFFFFD20] =	vst v1  }
0x122: {  	[tilespmem:s20+$0xFFFFFD00] =	vst v0  }
0x123: {  	[tilespmem:s20+$0xFFFFFCF0] =	vst v0  }
0x124: {  	[tilespmem:s20+$0xFFFFFCE0] =	vst v0  }
0x125: {  	[tilespmem:s20+$0xFFFFFCD0] =	vst v0  }
0x126: {  	[tilespmem:s20+$0xFFFFFCC0] =	vst v0  }
0x127: {  	[tilespmem:s20+$0xFFFFFCB0] =	vst v0  }
0x128: {  	[tilespmem:s20+$0xFFFFFCA0] =	vst v1  }
0x129: {  	[tilespmem:s20+$0xFFFFFC80] =	vst v0  }
0x12a: {  	[tilespmem:s20+$0xFFFFFC70] =	vst v0  }
0x12b: {  	[tilespmem:s20+$0xFFFFFC60] =	vst v0  }
0x12c: {  	[tilespmem:s20+$0xFFFFFC50] =	vst v0  }
0x12d: {  	s21 =	simm.s32 $0x0;
	[tilespmem:s20+$0xFFFFFC40] =	vst v0  }
.LBB2_6:
0x12e: {  	s21 =	sadd.s32 $0x8, s21;
	[tilespmem:s20+$0xFFFFFC30] =	vst v0;
	s20 =	sadd.s32 $0x400, s20  }
0x12f: {  	[tilespmem:s20+$0xFFFFFC20] =	vst v1;
	p1 =	slt.u32 s21, $0x20  }
0x130: {  	[tilespmem:s20+$0x0] =	vst v0  }
0x131: {  	[tilespmem:s20+$0xFFFFFFF0] =	vst v0  }
0x132: {  	[tilespmem:s20+$0xFFFFFFE0] =	vst v0  }
0x133: {  	[tilespmem:s20+$0xFFFFFFD0] =	vst v0  }
0x134: {  	[tilespmem:s20+$0xFFFFFFC0] =	vst v0  }
0x135: {  	[tilespmem:s20+$0xFFFFFFB0] =	vst v0  }
0x136: {  	[tilespmem:s20+$0xFFFFFFA0] =	vst v1  }
0x137: {  	[tilespmem:s20+$0xFFFFFF80] =	vst v0  }
0x138: {  	[tilespmem:s20+$0xFFFFFF70] =	vst v0  }
0x139: {  	[tilespmem:s20+$0xFFFFFF60] =	vst v0  }
0x13a: {  	[tilespmem:s20+$0xFFFFFF50] =	vst v0  }
0x13b: {  	[tilespmem:s20+$0xFFFFFF40] =	vst v0  }
0x13c: {  	[tilespmem:s20+$0xFFFFFF30] =	vst v0  }
0x13d: {  	[tilespmem:s20+$0xFFFFFF20] =	vst v1  }
0x13e: {  	[tilespmem:s20+$0xFFFFFF00] =	vst v0  }
0x13f: {  	[tilespmem:s20+$0xFFFFFEF0] =	vst v0  }
0x140: {  	[tilespmem:s20+$0xFFFFFEE0] =	vst v0  }
0x141: {  	[tilespmem:s20+$0xFFFFFED0] =	vst v0  }
0x142: {  	[tilespmem:s20+$0xFFFFFEC0] =	vst v0  }
0x143: {  	[tilespmem:s20+$0xFFFFFEB0] =	vst v0  }
0x144: {  	[tilespmem:s20+$0xFFFFFEA0] =	vst v1  }
0x145: {  	[tilespmem:s20+$0xFFFFFE80] =	vst v0  }
0x146: {  	[tilespmem:s20+$0xFFFFFE70] =	vst v0  }
0x147: {  	[tilespmem:s20+$0xFFFFFE60] =	vst v0  }
0x148: {  	[tilespmem:s20+$0xFFFFFE50] =	vst v0  }
0x149: {  	[tilespmem:s20+$0xFFFFFE40] =	vst v0  }
0x14a: {  	[tilespmem:s20+$0xFFFFFE30] =	vst v0  }
0x14b: {  	[tilespmem:s20+$0xFFFFFE20] =	vst v1  }
0x14c: {  	[tilespmem:s20+$0xFFFFFE00] =	vst v0  }
0x14d: {  	[tilespmem:s20+$0xFFFFFDF0] =	vst v0  }
0x14e: {  	[tilespmem:s20+$0xFFFFFDE0] =	vst v0  }
0x14f: {  	[tilespmem:s20+$0xFFFFFDD0] =	vst v0  }
0x150: {  	[tilespmem:s20+$0xFFFFFDC0] =	vst v0  }
0x151: {  	[tilespmem:s20+$0xFFFFFDB0] =	vst v0  }
0x152: {  	[tilespmem:s20+$0xFFFFFDA0] =	vst v1  }
0x153: {  	[tilespmem:s20+$0xFFFFFD80] =	vst v0  }
0x154: {  	[tilespmem:s20+$0xFFFFFD70] =	vst v0  }
0x155: {  	[tilespmem:s20+$0xFFFFFD60] =	vst v0  }
0x156: {  	[tilespmem:s20+$0xFFFFFD50] =	vst v0  }
0x157: {  	[tilespmem:s20+$0xFFFFFD40] =	vst v0  }
0x158: {  	[tilespmem:s20+$0xFFFFFD30] =	vst v0  }
0x159: {  	[tilespmem:s20+$0xFFFFFD20] =	vst v1  }
0x15a: {  	[tilespmem:s20+$0xFFFFFD00] =	vst v0  }
0x15b: {  	[tilespmem:s20+$0xFFFFFCF0] =	vst v0  }
0x15c: {  	[tilespmem:s20+$0xFFFFFCE0] =	vst v0  }
0x15d: {  	[tilespmem:s20+$0xFFFFFCD0] =	vst v0  }
0x15e: {  	[tilespmem:s20+$0xFFFFFCC0] =	vst v0  }
0x15f: {  	[tilespmem:s20+$0xFFFFFCB0] =	vst v0  }
0x160: {  	[tilespmem:s20+$0xFFFFFCA0] =	vst v1  }
.Ltmp4:
0x161: {  	[tilespmem:s20+$0xFFFFFC80] =	vst v0;
	(pc) =	sbr.rel @p1 .LBB2_6-.Ltmp4, $4  }
0x162: {  	[tilespmem:s20+$0xFFFFFC70] =	vst v0  }
0x163: {  	[tilespmem:s20+$0xFFFFFC60] =	vst v0  }
0x164: {  	[tilespmem:s20+$0xFFFFFC50] =	vst v0  }
0x165: {  	[tilespmem:s20+$0xFFFFFC40] =	vst v0  }
0x166: {  	s0 =	stileid.u32  }
0x167: {  	s0 =	sshll.u32 @!p0 s0, $0x6  }
0x168: {  	[tilespmem:s20+$0xFFFFFC30] =	vst v0;
	s21 =	sshrl.u32 @!p0 s6, $0x3;
	s20 =	sor.u32 @!p0 $0x1C03, s0;
	s0 =	simm.s32 @!p0 $0x3  }
0x169: {  	[spmem:s21], [sflag:s20] =	dma.local @!p0 [hbm:s7], $0x3E80  }
.Ltmp5:
0x16a: {  	_ =	swait.ge @!p0 [sflag:s0], $0x3E80;
	(pc) =	sbr.rel .LBB2_8-.Ltmp5, $4  }
0x16b: {  	[sflag:s0] =	ssyncset.done @!p0 $0x0  }
0x16c: {  	[sflag:s0] =	ssyncadd.s32 @!p0 $0xFFFFC180  }
0x16d: {  	[bflag:$0x0] =	sbarrier.arrive $0xFFFF  }
0x16e: {  	s22 =	simm.s32 $0x0;
	s23 =	simm.s32 $0x0  }
.LBB2_16:
0x16f: {  	s23 =	sadd.s32 $0x1, s23  }
0x170: {  	p1 =	sne.s32 s23, $0xA  }
.Ltmp6:
0x171: {  	_ = 	snop;
	(pc) =	sbr.rel @!p1 .LBB2_17-.Ltmp6, $4  }
0x172: {  	_ = 	snop  }
0x173: {  	_ =	swait.ge [sflag:s18], $0x1400  }
0x174: {  	[sflag:s18] =	ssyncset.done $0x0  }
0x175: {  	[sflag:s18] =	ssyncadd.s32 $0xFFFFEC00  }
.LBB2_8:
0x176: {  	s0 =	sshll.u32 s23, $0xC  }
0x177: {  	s0 =	sadd.s32 s9, s0  }
0x178: {  	s0 =	sshrl.u32 s0, $0x3  }
0x179: {  	s1 =	smul.u32 $0x3E8, s23;
	s0 =	sadd.s32 s4, s0  }
0x17a: {  	[tilespmem:s22], [sflag:$0x3] =	stream.linear.gather [hbm4b:s0+s22], $0xC80, $0x38;
	[tilespmem:$0x1AC80] =	vst v63  }
0x17b: {  	s25 =	simm.s32 $0x0;
	s31 =	sadd.s32 s8, s1;
	_ =	swait.ge [sflag:s13], $0xC80  }
.Ltmp7:
0x17c: {  	s1 =	sshll.u32 s31, $0x4;
	[sflag:s13] =	ssyncset.done $0x0;
	(pc) =	sbr.rel .LBB2_9-.Ltmp7, $4  }
0x17d: {  	s26 =	simm.s32 $0x0;
	s24 =	sadd.s32 s5, s1;
	[sflag:s13] =	ssyncadd.s32 $0xFFFFF380  }
0x17e: {  	[tilespmem:s14], [sflag:$0x1] =	stream.linear.gather [hbm4b:s24+s22], $0x1400, $0x38;
	[tilespmem:$0x1AC80] =	vst v63  }
0x17f: {  	s28 =	simm.s32 $0x0;
	s1 =	sadd.s32 s1, s10;
	s24 =	sadd.s32 $0x50, s31  }
0x180: {  	[tilespmem:s15], [sflag:$0x1] =	stream.linear.gather [hbm4b:s1+s22], $0x1400, $0x38;
	[tilespmem:$0x1AC80] =	vst v63  }
.LBB2_12:
0x181: {  	[spmem:s2] =	stream.indirect.scatter.add.f32 [tilespmem:s30], [sflag:$0x2], $0x80, s3, s17, $0xb8;
	[tilespmem:$0x1AC80] =	vst v63  }
.LBB2_14:
0x182: {  	s0 =	smul.u32 $0x28, s28;
	_ =	sdelay $0x1  }
0x183: {  	s0 =	sadd.s32 s0, s24  }
0x184: {  	s0 =	sshll.u32 s0, $0x4  }
0x185: {  	s0 =	sadd.s32 s5, s0  }
0x186: {  	[tilespmem:s29], [sflag:$0x1] =	stream.linear.gather [hbm4b:s0+s3], $0x1400, $0x38;
	[tilespmem:$0x1AC80] =	vst v63  }
.LBB2_15:
0x187: {  	s28 =	sadd.s32 $0x1, s28  }
0x188: {  	p2 =	sne.s32 s28, $0x19  }
.Ltmp8:
0x189: {  	_ = 	snop;
	(pc) =	sbr.rel @!p2 .LBB2_16-.Ltmp8, $3  }
0x18a: {  	_ =	sdelay $0x1  }
0x18b: {  	p1 =	seq.s32 s26, $0x2;
	s26 =	sadd.s32 $0x1, s26  }
0x18c: {  	s25 =	sxor.u32 $0x1, s25;
	s26 =	simm.s32 @p1 $0x0  }
.LBB2_9:
0x18d: {  	s0 =	smul.u32 $0x5000, s25  }
0x18e: {  	_ =	swait.ge [sflag:s16], $0x1400  }
0x18f: {  	[sflag:s16] =	ssyncset.done $0x0;
	s0 =	sshra.s32 s0, $0x2  }
0x190: {  	[sflag:s16] =	ssyncadd.s32 $0xFFFFEC00;
	s1 =	sadd.s32 $0x1200, s0  }
0x191: {  	v5 =	vld [tilespmem:s1+$0x180]  }
0x192: {  	s29 =	smul.u32 $0x5000, s26;
	v6 =	vld [tilespmem:s1+$0xFFFFFE80]  }
0x193: {  	v7 =	vld [tilespmem:s1+$0xFFFFFF00]  }
0x194: {  	s30 =	sshra.s32 s29, $0x2;
	v2 =	vld [tilespmem:s1+$0xFFFFFF80]  }
0x195: {  	s31 =	sadd.s32 $0x3A00, s30;
	v3 =	vld [tilespmem:s1+$0x0]  }
0x196: {  	v4 =	vld [tilespmem:s1+$0x80];
	[tilespmem:s31+$0x180] =	vst v5  }
0x197: {  	s29 =	sadd.s32 $0x1000, s0;
	[tilespmem:s31+$0xFFFFFE80] =	vst v6;
	v5 =	vld [tilespmem:s1+$0x100]  }
0x198: {  	s30 =	sadd.s32 $0x3800, s30;
	s0 =	simm.s32 $0x0;
	v6 =	vld [tilespmem:s1+$0xFFFFFE00];
	[tilespmem:s31+$0xFFFFFF00] =	vst v7;
	s1 =	sadd.s32 $0x400, s1  }
.LBB2_10:
0x199: {  	v7 =	vld [tilespmem:s1+$0x180];
	s0 =	sadd.s32 $0x8, s0;
	[tilespmem:s31+$0xFFFFFF80] =	vst v2  }
0x19a: {  	v8 =	vld [tilespmem:s1+$0xFFFFFE80];
	p1 =	slt.u32 s0, $0x20;
	[tilespmem:s31+$0x0] =	vst v3  }
0x19b: {  	v9 =	vld [tilespmem:s1+$0xFFFFFF00];
	[tilespmem:s31+$0x80] =	vst v4  }
.Ltmp9:
0x19c: {  	v2 =	vld [tilespmem:s1+$0xFFFFFF80];
	[tilespmem:s31+$0x100] =	vst v5;
	(pc) =	sbr.rel @p1 .LBB2_10-.Ltmp9, $4  }
0x19d: {  	v3 =	vld [tilespmem:s1+$0x0];
	[tilespmem:s31+$0xFFFFFE00] =	vst v6;
	s31 =	sadd.s32 $0x400, s31  }
0x19e: {  	v4 =	vld [tilespmem:s1+$0x80];
	[tilespmem:s31+$0x180] =	vst v7  }
0x19f: {  	[tilespmem:s31+$0xFFFFFE80] =	vst v8;
	v5 =	vld [tilespmem:s1+$0x100]  }
0x1a0: {  	v6 =	vld [tilespmem:s1+$0xFFFFFE00];
	[tilespmem:s31+$0xFFFFFF00] =	vst v9;
	s1 =	sadd.s32 $0x400, s1  }
0x1a1: {  	p1 =	sne.s32 s28, $0x0  }
.Ltmp10:
0x1a2: {  	[tilespmem:s31+$0xFFFFFF80] =	vst v2;
	(pc) =	sbr.rel @!p1 .LBB2_12-.Ltmp10, $4  }
0x1a3: {  	[tilespmem:s31+$0x0] =	vst v3  }
0x1a4: {  	[tilespmem:s31+$0x80] =	vst v4  }
0x1a5: {  	[tilespmem:s31+$0x100] =	vst v5  }
0x1a6: {  	[tilespmem:s31+$0xFFFFFE00] =	vst v6  }
0x1a7: {  	p1 =	sgt.u32 s28, $0x16  }
.Ltmp11:
0x1a8: {  	_ = 	snop;
	(pc) =	sbr.rel @p1 .LBB2_15-.Ltmp11, $4  }
.Ltmp12:
0x1a9: {  	_ =	swait.ge [sflag:s18], $0x1400;
	(pc) =	sbr.rel @!p1 .LBB2_14-.Ltmp12, $4  }
0x1aa: {  	s0 =	sshll.u32 s28, $0x7;
	[sflag:s18] =	ssyncset.done $0x0  }
0x1ab: {  	s0 =	sand.u32 $0x3FFFFF80, s0;
	[sflag:s18] =	ssyncadd.s32 $0xFFFFEC00  }
0x1ac: {  	[spmem:s2] =	stream.indirect.scatter.add.f32 [tilespmem:s30], [sflag:$0x2], $0x80, s0, s17, $0xb8;
	[tilespmem:$0x1AC80] =	vst v63  }
0x1ad: {  	_ = 	snop  }
.LBB2_18:
0x1ae: {  	_ =	sfence.sel $0x180000  }
0x1af: {  	[bflag:$0x0] =	sbarrier.arrive $0xFFFF  }
0x1b0: {  	_ =	strace $0x90000047  }
0x1b1: {  	s0 =	stileid.u32;
	[bflag:$0x2] =	sbarrier.arrive $0xFFFF  }
0x1b2: {  	p0 =	sne.s32 s0, $0x0;
	s0 =	rddreg [dreg:$0x2]  }
0x1b3: {  	s0 =	sadd.s32 @!p0 $0x100000, s0  }
0x1b4: {  	[sflag:s0] =	ssyncadd.tile.s32 @!p0 $0x1;
	_ =	shalt  }
.Lfunc_end2:
_tile_overlayer_lowered:
.L_overlay_start_2:
0x1b5: {  	(tag) =	ssettag $0x2  }
0x1b6: {  	s0 =	rddreg [dreg:$0x0];
	s2 =	stileid.u32  }
0x1b7: {  	s1 =	rddreg [dreg:$0x1];
	p0 =	sne.s32 s2, $0x0  }
0x1b8: {  	s3 =	rddreg [dreg:$0x2];
	[bflag:$0x3] =	sbarrier.arrive $0xFFFF;
	s2 =	simm.s32 @!p0 $0x1C03  }
0x1b9: {  	[timem:s3], [sflag:s2] =	dma.local @!p0 [hbm:s0], s1  }
0x1ba: {  	s0 =	simm.s32 @!p0 $0x3  }
0x1bb: {  	_ =	swait.ge @!p0 [sflag:s0], s1  }
0x1bc: {  	s1 =	ssub.s32 @!p0 $0x0, s1;
	[sflag:s0] =	ssyncset.done @!p0 $0x0  }
0x1bd: {  	[sflag:s0] =	ssyncadd.s32 @!p0 s1  }
0x1be: {  	[bflag:$0x3] =	sbarrier.arrive $0xFFFF  }
0x1bf: {  	_ =	shalt  }

</sc_bundles>
